<compile_context>
chip_gen: v7x
topology: tpu7x:2x2x1
jax: 0.10.2.dev20260603
libtpu: 0.0.44.dev20260713+nightly
codegen_flags: <defaults>
</compile_context>

<pallas_src>
import functools

import jax
import jax.numpy as jnp
from jax import lax
from jax.experimental import pallas as pl
from jax.experimental.pallas import tpu as pltpu
from jax.experimental.pallas import tpu_sc as plsc

N = 50000
E = 1600000
F_IN = 50
F_HID = 16

N_PAD = 50176
EDGES_PER_CORE = E // 2
CHUNK = 4096
FULL_CHUNKS = EDGES_PER_CORE // CHUNK
TAIL = EDGES_PER_CORE - FULL_CHUNKS * CHUNK
E_PAD = 1605632
DEG_ROWS_PER_TILE = E_PAD // 128 // 32
DEG_CHUNK_ROWS = 8
NCH_D = DEG_ROWS_PER_TILE // DEG_CHUNK_ROWS
N_SLICE = N_PAD // 16

NBLK = 1024
N_GRID = N_PAD // NBLK

_sc_mesh = plsc.VectorSubcoreMesh(core_axis_name="c", subcore_axis_name="s")


@functools.partial(
    pl.kernel,
    out_type=jax.ShapeDtypeStruct((2 * N_PAD,), jnp.float32),
    mesh=_sc_mesh,
    compiler_params=pltpu.CompilerParams(needs_layout_passes=False),
    scratch_types=[
        pltpu.VMEM((DEG_CHUNK_ROWS, 128), jnp.int32),
        pltpu.VMEM((DEG_CHUNK_ROWS, 128), jnp.int32),
        pltpu.VMEM((DEG_CHUNK_ROWS, 128), jnp.float32),
        pltpu.VMEM((DEG_CHUNK_ROWS, 128), jnp.float32),
        pltpu.VMEM((N_SLICE,), jnp.float32),
        pltpu.VMEM_SHARED((N_PAD,), jnp.float32),
        pltpu.SemaphoreType.DMA,
        pltpu.SemaphoreType.DMA,
        pltpu.SemaphoreType.DMA,
    ],
)
def _deg_kernel(dst_hbm, w_hbm, deg_hbm, dst0, dst1, w0, w1, z_v, deg_sh,
                sem0, sem1, sem_sc):
    c = lax.axis_index("c")
    s = lax.axis_index("s")

    def zb(i, carry):
        z_v[pl.ds(i * 16, 16)] = jnp.zeros((16,), jnp.float32)
        return carry

    lax.fori_loop(0, N_SLICE // 16, zb, 0, unroll=8)
    pltpu.sync_copy(z_v, deg_sh.at[pl.ds(s * N_SLICE, N_SLICE)])
    plsc.subcore_barrier()

    row_base = (c * 16 + s) * DEG_ROWS_PER_TILE
    dsts, ws, sems = (dst0, dst1), (w0, w1), (sem0, sem1)

    def start(k, b):
        r0 = row_base + k * DEG_CHUNK_ROWS
        pltpu.async_copy(dst_hbm.at[pl.ds(r0, DEG_CHUNK_ROWS)], dsts[b],
                         sems[b])
        pltpu.async_copy(w_hbm.at[pl.ds(r0, DEG_CHUNK_ROWS)], ws[b],
                         sems[b])

    def wait_in(b):
        pltpu.make_async_copy(dst_hbm.at[pl.ds(0, DEG_CHUNK_ROWS)], dsts[b],
                              sems[b]).wait()
        pltpu.make_async_copy(w_hbm.at[pl.ds(0, DEG_CHUNK_ROWS)], ws[b],
                              sems[b]).wait()

    def process(b):
        dst_v, w_v = dsts[b], ws[b]
        for j in range(DEG_CHUNK_ROWS):
            pltpu.async_copy(w_v.at[j], deg_sh.at[dst_v.at[j]], sem_sc,
                             add=True)
        pltpu.make_async_copy(w_hbm.at[pl.ds(0, DEG_CHUNK_ROWS)], w_v,
                              sem_sc).wait()

    start(0, 0)

    def outer(g, carry):
        for b in range(2):
            k = g * 2 + b

            @pl.when(k + 1 < NCH_D)
            def _():
                start(k + 1, 1 - b)

            wait_in(b)
            process(b)
        return carry

    lax.fori_loop(0, NCH_D // 2, outer, 0)
    wait_in(0)
    process(0)

    plsc.subcore_barrier()
    pltpu.sync_copy(deg_sh.at[pl.ds(s * N_SLICE, N_SLICE)], z_v)
    pltpu.sync_copy(z_v, deg_hbm.at[pl.ds(c * N_PAD + s * N_SLICE, N_SLICE)])


@functools.partial(
    pl.kernel,
    out_type=jax.ShapeDtypeStruct((2 * F_HID * N_PAD,), jnp.float32),
    mesh=_sc_mesh,
    compiler_params=pltpu.CompilerParams(needs_layout_passes=False),
    scratch_types=[
        pltpu.VMEM((N_PAD,), jnp.float32),
        pltpu.VMEM((N_PAD,), jnp.float32),
        pltpu.VMEM((CHUNK,), jnp.int32),
        pltpu.VMEM((CHUNK,), jnp.int32),
        pltpu.VMEM((CHUNK,), jnp.float32),
        pltpu.VMEM((CHUNK,), jnp.float32),
        pltpu.SemaphoreType.DMA,
        pltpu.SemaphoreType.DMA,
    ],
)
def _agg_kernel(gT_hbm, pk_hbm, w_hbm, out_hbm, g_v, acc_v, pk0, pk1, w0, w1,
                sem0, sem1):
    c = lax.axis_index("c")
    s = lax.axis_index("s")

    pltpu.sync_copy(gT_hbm.at[pl.ds(s * N_PAD, N_PAD)], g_v)

    def zb(i, carry):
        acc_v[pl.ds(i * 16, 16)] = jnp.zeros((16,), jnp.float32)
        return carry

    lax.fori_loop(0, N_PAD // 16, zb, 0, unroll=8)

    ebase = c * EDGES_PER_CORE
    pks, ws, sems = (pk0, pk1), (w0, w1), (sem0, sem1)

    def start(k, b, n):
        pltpu.async_copy(pk_hbm.at[pl.ds(ebase + k * CHUNK, n)],
                         pks[b].at[pl.ds(0, n)], sems[b])
        pltpu.async_copy(w_hbm.at[pl.ds(ebase + k * CHUNK, n)],
                         ws[b].at[pl.ds(0, n)], sems[b])

    def wait(b, n):
        pltpu.make_async_copy(pk_hbm.at[pl.ds(0, n)], pks[b].at[pl.ds(0, n)],
                              sems[b]).wait()
        pltpu.make_async_copy(w_hbm.at[pl.ds(0, n)], ws[b].at[pl.ds(0, n)],
                              sems[b]).wait()

    def process(b, n):
        pk_v, w_v = pks[b], ws[b]

        @plsc.parallel_loop(0, n, step=16, unroll=8)
        def inner(j):
            pk = pk_v[pl.ds(j, 16)]
            src = jnp.bitwise_and(pk, jnp.int32(0xFFFF))
            dst = lax.shift_right_logical(pk, 16)
            wv = w_v[pl.ds(j, 16)]
            gv = plsc.load_gather(g_v, [src])
            plsc.addupdate_scatter(acc_v, [dst], gv * wv)

    start(0, 0, CHUNK)

    def outer(g, carry):
        for b in range(2):
            k = g * 2 + b

            @pl.when(k + 1 < FULL_CHUNKS)
            def _():
                start(k + 1, 1 - b, CHUNK)

            wait(b, CHUNK)
            process(b, CHUNK)
        return carry

    lax.fori_loop(0, FULL_CHUNKS // 2, outer, 0)
    start(FULL_CHUNKS, 1, TAIL)
    wait(0, CHUNK)
    process(0, CHUNK)
    wait(1, TAIL)
    process(1, TAIL)
    pltpu.sync_copy(acc_v, out_hbm.at[pl.ds((c * F_HID + s) * N_PAD, N_PAD)])


EBLK = 16384
E_GRID = E_PAD // EBLK


def _pack_body(ei_ref, w_ref, pk_ref, dstp_ref, wp_ref):
    i = pl.program_id(0)
    col = i * EBLK + jax.lax.broadcasted_iota(jnp.int32, (1, EBLK), 1)
    valid = col < E
    src = ei_ref[0:1, :]
    dstv = ei_ref[1:2, :]
    pk_ref[...] = jnp.bitwise_or(src, lax.shift_left(dstv, 16))
    dstp_ref[...] = jnp.where(valid, dstv, 0)
    wp_ref[...] = jnp.where(valid, w_ref[...], 0.0)


def _pack_call(ei, w):
    return pl.pallas_call(
        _pack_body,
        grid=(E_GRID,),
        in_specs=[
            pl.BlockSpec((2, EBLK), lambda i: (0, i)),
            pl.BlockSpec((1, EBLK), lambda i: (0, i)),
        ],
        out_specs=[
            pl.BlockSpec((1, EBLK), lambda i: (0, i)),
            pl.BlockSpec((1, EBLK), lambda i: (0, i)),
            pl.BlockSpec((1, EBLK), lambda i: (0, i)),
        ],
        out_shape=[
            jax.ShapeDtypeStruct((1, E), jnp.int32),
            jax.ShapeDtypeStruct((1, E_PAD), jnp.int32),
            jax.ShapeDtypeStruct((1, E_PAD), jnp.float32),
        ],
    )(ei, w)


def _prep1_body(deg_ref, x_ref, w1_ref, dis_ref, g_ref):
    deg = deg_ref[0:1, :] + deg_ref[1:2, :] + 1.0
    dis = lax.rsqrt(deg)
    dis_ref[...] = dis
    h = lax.dot_general(
        w1_ref[...], x_ref[...], (((0,), (1,)), ((), ())),
        preferred_element_type=jnp.float32,
    )
    g_ref[...] = h * dis


def _prep1_call(deg, xp, W1):
    return pl.pallas_call(
        _prep1_body,
        grid=(N_GRID,),
        in_specs=[
            pl.BlockSpec((2, NBLK), lambda i: (0, i)),
            pl.BlockSpec((NBLK, F_IN), lambda i: (i, 0)),
            pl.BlockSpec((F_IN, F_HID), lambda i: (0, 0)),
        ],
        out_specs=[
            pl.BlockSpec((1, NBLK), lambda i: (0, i)),
            pl.BlockSpec((F_HID, NBLK), lambda i: (0, i)),
        ],
        out_shape=[
            jax.ShapeDtypeStruct((1, N_PAD), jnp.float32),
            jax.ShapeDtypeStruct((F_HID, N_PAD), jnp.float32),
        ],
    )(deg, xp, W1)


def _mid_body(agg_ref, g1_ref, dis_ref, b1_ref, w2_ref, g2_ref):
    agg = agg_ref[0] + agg_ref[1]
    dis = dis_ref[...]
    o1 = dis * (agg + g1_ref[...]) + b1_ref[:, 0:1]
    h1 = jnp.maximum(o1, 0.0)
    h2 = lax.dot_general(
        w2_ref[...], h1, (((0,), (0,)), ((), ())),
        preferred_element_type=jnp.float32,
    )
    g2_ref[...] = h2 * dis


def _mid_call(agg1, g1T, dis, b1b, W2):
    return pl.pallas_call(
        _mid_body,
        grid=(N_GRID,),
        in_specs=[
            pl.BlockSpec((2, F_HID, NBLK), lambda i: (0, 0, i)),
            pl.BlockSpec((F_HID, NBLK), lambda i: (0, i)),
            pl.BlockSpec((1, NBLK), lambda i: (0, i)),
            pl.BlockSpec((F_HID, 128), lambda i: (0, 0)),
            pl.BlockSpec((F_HID, F_HID), lambda i: (0, 0)),
        ],
        out_specs=pl.BlockSpec((F_HID, NBLK), lambda i: (0, i)),
        out_shape=jax.ShapeDtypeStruct((F_HID, N_PAD), jnp.float32),
    )(agg1, g1T, dis, b1b, W2)


def _fin_body(agg_ref, g2_ref, dis_ref, b2_ref, wp_ref, bp_ref, out_ref):
    agg = agg_ref[0] + agg_ref[1]
    dis = dis_ref[...]
    o2 = dis * (agg + g2_ref[...]) + b2_ref[:, 0:1]
    z = jnp.sum(wp_ref[:, 0:1] * o2, axis=0, keepdims=True) + bp_ref[0:1, 0:1]
    out_ref[...] = jax.nn.sigmoid(z)


def _fin_call(agg2, g2T, dis, b2b, wpb, bpb):
    return pl.pallas_call(
        _fin_body,
        grid=(N_GRID,),
        in_specs=[
            pl.BlockSpec((2, F_HID, NBLK), lambda i: (0, 0, i)),
            pl.BlockSpec((F_HID, NBLK), lambda i: (0, i)),
            pl.BlockSpec((1, NBLK), lambda i: (0, i)),
            pl.BlockSpec((F_HID, 128), lambda i: (0, 0)),
            pl.BlockSpec((F_HID, 128), lambda i: (0, 0)),
            pl.BlockSpec((1, 128), lambda i: (0, 0)),
        ],
        out_specs=pl.BlockSpec((1, NBLK), lambda i: (0, i)),
        out_shape=jax.ShapeDtypeStruct((1, N_PAD), jnp.float32),
    )(agg2, g2T, dis, b2b, wpb, bpb)


def kernel(x, edge_index, edge_weight, W1, b1, W2, b2, Wp, bp):
    w = edge_weight

    pk, dstp, wp = _pack_call(edge_index, w.reshape(1, E))
    pk = pk.reshape(-1)
    deg = _deg_kernel(dstp.reshape(-1, 128), wp.reshape(-1, 128))
    dis, g1T = _prep1_call(deg.reshape(2, N_PAD), x, W1)
    agg1 = _agg_kernel(g1T.reshape(-1), pk, w)
    b1b = jnp.tile(b1[:, None], (1, 128))
    g2T = _mid_call(agg1.reshape(2, F_HID, N_PAD), g1T, dis, b1b, W2)
    agg2 = _agg_kernel(g2T.reshape(-1), pk, w)
    b2b = jnp.tile(b2[:, None], (1, 128))
    wpb = jnp.tile(Wp, (1, 128))
    bpb = jnp.tile(bp[:, None], (1, 128))
    outT = _fin_call(agg2.reshape(2, F_HID, N_PAD), g2T, dis, b2b, wpb, bpb)
    return outT[0, :N][:, None]

# --- scband reference (transcript-rebuilt; emitter-appended) ---
"""Pipeline reference for scband-net-6038724018278 (READ-ONLY COPY).

The authoritative reference and input builder live on the scoring server;
editing this copy changes nothing except your own understanding.
"""

import jax, jax.numpy as jnp
import numpy as np

N_NODES = 50000
N_EDGES = 1600000


def glorot(key, shape):
    lim = np.sqrt(6.0 / (shape[0] + shape[1]))
    return jax.random.uniform(key, shape, jnp.float32, -lim, lim)


def setup_inputs(seed: int = 0) -> dict:
    key = jax.random.key(seed)
    ks = jax.random.split(key, 8)
    x = jax.random.normal(ks[0], (N_NODES, 50), dtype=jnp.float32)
    edge_index = jax.random.randint(ks[1], (2, N_EDGES), 0, N_NODES, dtype=jnp.int64 if jax.config.read('jax_enable_x64') else jnp.int32).astype(jnp.int32)
    edge_weight = jax.random.uniform(ks[2], (N_EDGES,), dtype=jnp.float32)
    W1 = glorot(ks[3], (50, 16))
    b1 = jnp.zeros((16,), jnp.float32)
    W2 = glorot(ks[4], (16, 16))
    b2 = jnp.zeros((16,), jnp.float32)
    Wp = glorot(ks[5], (16, 1))
    bp = jnp.zeros((1,), jnp.float32)
    return {"x": x, "edge_index": edge_index, "edge_weight": edge_weight,
            "W1": W1, "b1": b1, "W2": W2, "b2": b2, "Wp": Wp, "bp": bp}


def gcn_conv(x, edge_index, edge_weight, W, b):
    n = x.shape[0]
    src = edge_index[0]
    dst = edge_index[1]
    loop = jnp.arange(n, dtype=src.dtype)
    src = jnp.concatenate([src, loop])
    dst = jnp.concatenate([dst, loop])
    w = jnp.concatenate([edge_weight, jnp.ones((n,), edge_weight.dtype)])
    deg = jnp.zeros((n,), x.dtype).at[dst].add(w)
    dis = jnp.where(deg > 0, jax.lax.rsqrt(jnp.where(deg > 0, deg, 1.0)), 0.0)
    norm = dis[src] * w * dis[dst]
    h = x @ W
    msg = h[src] * norm[:, None]
    out = jnp.zeros((n, W.shape[1]), x.dtype).at[dst].add(msg)
    return out + b


def reference(x, edge_index, edge_weight, W1, b1, W2, b2, Wp, bp):
    h = jax.nn.relu(gcn_conv(x, edge_index, edge_weight, W1, b1))
    # F.dropout with training=False (eval mode) is identity
    h = gcn_conv(h, edge_index, edge_weight, W2, b2)
    out = jax.nn.sigmoid(h @ Wp + bp)
    return out

if __name__ == "__main__":
    import jax
    _d = setup_inputs()
    print(jax.jit(kernel)(*tuple(_d.values())))

</pallas_src>

<mosaic_0001>
#map = affine_map<(d0, d1) -> (0, 0)>
#map1 = affine_map<(d0, d1) -> (0)>
module attributes {stable_mosaic.version = 14 : i64} {
  func.func @_deg_kernel(%arg0: i32, %arg1: i32, %arg2: memref<12544x128xi32, #tpu.memory_space<hbm>>, %arg3: memref<12544x128xf32, #tpu.memory_space<hbm>>, %arg4: memref<100352xf32, #tpu.memory_space<hbm>>, %arg5: memref<8x128xi32, #tpu.memory_space<vmem>>, %arg6: memref<8x128xi32, #tpu.memory_space<vmem>>, %arg7: memref<8x128xf32, #tpu.memory_space<vmem>>, %arg8: memref<8x128xf32, #tpu.memory_space<vmem>>, %arg9: memref<3136xf32, #tpu.memory_space<vmem>>, %arg10: memref<50176xf32, #tpu.memory_space<vmem_shared>>, %arg11: memref<!tpu.dma_semaphore, #tpu.memory_space<semaphore_mem>>, %arg12: memref<!tpu.dma_semaphore, #tpu.memory_space<semaphore_mem>>, %arg13: memref<!tpu.dma_semaphore, #tpu.memory_space<semaphore_mem>>) attributes {dimension_semantics = [#tpu.dimension_semantics<core_parallel>, #tpu.dimension_semantics<subcore_parallel>], iteration_bounds = array<i64: 2, 16>, scalar_prefetch = 0 : i64, scratch_operands = 9 : i64, tpu.core_type = #tpu.core_type<sc_vector_subcore>, window_params = [{transform_indices = #map}, {transform_indices = #map}, {transform_indices = #map1}]} {
    %scan3A = arith.constant 0 : i32
    %scan3A_0 = arith.constant 0 : i32
    %scan3A_1 = arith.constant 192 : i32
    %scan3A_2 = arith.addi %scan3A_0, %scan3A_1 : i32
    %scan3A_3 = arith.constant 8 : i32
    scf.for %scan3A_160 = %scan3A_0 to %scan3A_2 step %scan3A_3  : i32 {
      %broadcast_in_dim3A_161 = arith.constant 0.000000e+00 : f32
      %broadcast_in_dim3A_162 = vector.broadcast %broadcast_in_dim3A_161 : f32 to vector<16xf32>
      %mul3A_163 = arith.constant 16 : i32
      %mul3A_164 = arith.muli %scan3A_160, %mul3A_163 : i32
      %swap3A_165 = arith.index_cast %mul3A_164 : i32 to index
      %swap3A_166 = tpu.vector_load %arg9[%swap3A_165] {strides = array<i32>} : memref<3136xf32, #tpu.memory_space<vmem>>, vector<16xf32>,
      tpu.vector_store %arg9[%swap3A_165], %broadcast_in_dim3A_162 {strides = array<i32>} : memref<3136xf32, #tpu.memory_space<vmem>>, vector<16xf32>,
      %scan3A_167 = arith.constant 1 : i32
      %scan3A_168 = arith.addi %scan3A_160, %scan3A_167 : i32
      %broadcast_in_dim3A_169 = arith.constant 0.000000e+00 : f32
      %broadcast_in_dim3A_170 = vector.broadcast %broadcast_in_dim3A_169 : f32 to vector<16xf32>
      %mul3A_171 = arith.constant 16 : i32
      %mul3A_172 = arith.muli %scan3A_168, %mul3A_171 : i32
      %swap3A_173 = arith.index_cast %mul3A_172 : i32 to index
      %swap3A_174 = tpu.vector_load %arg9[%swap3A_173] {strides = array<i32>} : memref<3136xf32, #tpu.memory_space<vmem>>, vector<16xf32>,
      tpu.vector_store %arg9[%swap3A_173], %broadcast_in_dim3A_170 {strides = array<i32>} : memref<3136xf32, #tpu.memory_space<vmem>>, vector<16xf32>,
      %scan3A_175 = arith.constant 2 : i32
      %scan3A_176 = arith.addi %scan3A_160, %scan3A_175 : i32
      %broadcast_in_dim3A_177 = arith.constant 0.000000e+00 : f32
      %broadcast_in_dim3A_178 = vector.broadcast %broadcast_in_dim3A_177 : f32 to vector<16xf32>
      %mul3A_179 = arith.constant 16 : i32
      %mul3A_180 = arith.muli %scan3A_176, %mul3A_179 : i32
      %swap3A_181 = arith.index_cast %mul3A_180 : i32 to index
      %swap3A_182 = tpu.vector_load %arg9[%swap3A_181] {strides = array<i32>} : memref<3136xf32, #tpu.memory_space<vmem>>, vector<16xf32>,
      tpu.vector_store %arg9[%swap3A_181], %broadcast_in_dim3A_178 {strides = array<i32>} : memref<3136xf32, #tpu.memory_space<vmem>>, vector<16xf32>,
      %scan3A_183 = arith.constant 3 : i32
      %scan3A_184 = arith.addi %scan3A_160, %scan3A_183 : i32
      %broadcast_in_dim3A_185 = arith.constant 0.000000e+00 : f32
      %broadcast_in_dim3A_186 = vector.broadcast %broadcast_in_dim3A_185 : f32 to vector<16xf32>
      %mul3A_187 = arith.constant 16 : i32
      %mul3A_188 = arith.muli %scan3A_184, %mul3A_187 : i32
      %swap3A_189 = arith.index_cast %mul3A_188 : i32 to index
      %swap3A_190 = tpu.vector_load %arg9[%swap3A_189] {strides = array<i32>} : memref<3136xf32, #tpu.memory_space<vmem>>, vector<16xf32>,
      tpu.vector_store %arg9[%swap3A_189], %broadcast_in_dim3A_186 {strides = array<i32>} : memref<3136xf32, #tpu.memory_space<vmem>>, vector<16xf32>,
      %scan3A_191 = arith.constant 4 : i32
      %scan3A_192 = arith.addi %scan3A_160, %scan3A_191 : i32
      %broadcast_in_dim3A_193 = arith.constant 0.000000e+00 : f32
      %broadcast_in_dim3A_194 = vector.broadcast %broadcast_in_dim3A_193 : f32 to vector<16xf32>
      %mul3A_195 = arith.constant 16 : i32
      %mul3A_196 = arith.muli %scan3A_192, %mul3A_195 : i32
      %swap3A_197 = arith.index_cast %mul3A_196 : i32 to index
      %swap3A_198 = tpu.vector_load %arg9[%swap3A_197] {strides = array<i32>} : memref<3136xf32, #tpu.memory_space<vmem>>, vector<16xf32>,
      tpu.vector_store %arg9[%swap3A_197], %broadcast_in_dim3A_194 {strides = array<i32>} : memref<3136xf32, #tpu.memory_space<vmem>>, vector<16xf32>,
      %scan3A_199 = arith.constant 5 : i32
      %scan3A_200 = arith.addi %scan3A_160, %scan3A_199 : i32
      %broadcast_in_dim3A_201 = arith.constant 0.000000e+00 : f32
      %broadcast_in_dim3A_202 = vector.broadcast %broadcast_in_dim3A_201 : f32 to vector<16xf32>
      %mul3A_203 = arith.constant 16 : i32
      %mul3A_204 = arith.muli %scan3A_200, %mul3A_203 : i32
      %swap3A_205 = arith.index_cast %mul3A_204 : i32 to index
      %swap3A_206 = tpu.vector_load %arg9[%swap3A_205] {strides = array<i32>} : memref<3136xf32, #tpu.memory_space<vmem>>, vector<16xf32>,
      tpu.vector_store %arg9[%swap3A_205], %broadcast_in_dim3A_202 {strides = array<i32>} : memref<3136xf32, #tpu.memory_space<vmem>>, vector<16xf32>,
      %scan3A_207 = arith.constant 6 : i32
      %scan3A_208 = arith.addi %scan3A_160, %scan3A_207 : i32
      %broadcast_in_dim3A_209 = arith.constant 0.000000e+00 : f32
      %broadcast_in_dim3A_210 = vector.broadcast %broadcast_in_dim3A_209 : f32 to vector<16xf32>
      %mul3A_211 = arith.constant 16 : i32
      %mul3A_212 = arith.muli %scan3A_208, %mul3A_211 : i32
      %swap3A_213 = arith.index_cast %mul3A_212 : i32 to index
      %swap3A_214 = tpu.vector_load %arg9[%swap3A_213] {strides = array<i32>} : memref<3136xf32, #tpu.memory_space<vmem>>, vector<16xf32>,
      tpu.vector_store %arg9[%swap3A_213], %broadcast_in_dim3A_210 {strides = array<i32>} : memref<3136xf32, #tpu.memory_space<vmem>>, vector<16xf32>,
      %scan3A_215 = arith.constant 7 : i32
      %scan3A_216 = arith.addi %scan3A_160, %scan3A_215 : i32
      %broadcast_in_dim3A_217 = arith.constant 0.000000e+00 : f32
      %broadcast_in_dim3A_218 = vector.broadcast %broadcast_in_dim3A_217 : f32 to vector<16xf32>
      %mul3A_219 = arith.constant 16 : i32
      %mul3A_220 = arith.muli %scan3A_216, %mul3A_219 : i32
      %swap3A_221 = arith.index_cast %mul3A_220 : i32 to index
      %swap3A_222 = tpu.vector_load %arg9[%swap3A_221] {strides = array<i32>} : memref<3136xf32, #tpu.memory_space<vmem>>, vector<16xf32>,
      tpu.vector_store %arg9[%swap3A_221], %broadcast_in_dim3A_218 {strides = array<i32>} : memref<3136xf32, #tpu.memory_space<vmem>>, vector<16xf32>,
    }
    %scan3A_4 = arith.constant 192 : i32
    %scan3A_5 = arith.addi %scan3A_0, %scan3A_4 : i32
    %broadcast_in_dim3A = arith.constant 0.000000e+00 : f32
    %broadcast_in_dim3A_6 = vector.broadcast %broadcast_in_dim3A : f32 to vector<16xf32>
    %mul3A = arith.constant 16 : i32
    %mul3A_7 = arith.muli %scan3A_5, %mul3A : i32
    %swap3A = arith.index_cast %mul3A_7 : i32 to index
    %swap3A_8 = tpu.vector_load %arg9[%swap3A] {strides = array<i32>} : memref<3136xf32, #tpu.memory_space<vmem>>, vector<16xf32>,
    tpu.vector_store %arg9[%swap3A], %broadcast_in_dim3A_6 {strides = array<i32>} : memref<3136xf32, #tpu.memory_space<vmem>>, vector<16xf32>,
    %scan3A_9 = arith.constant 193 : i32
    %scan3A_10 = arith.addi %scan3A_0, %scan3A_9 : i32
    %broadcast_in_dim3A_11 = arith.constant 0.000000e+00 : f32
    %broadcast_in_dim3A_12 = vector.broadcast %broadcast_in_dim3A_11 : f32 to vector<16xf32>
    %mul3A_13 = arith.constant 16 : i32
    %mul3A_14 = arith.muli %scan3A_10, %mul3A_13 : i32
    %swap3A_15 = arith.index_cast %mul3A_14 : i32 to index
    %swap3A_16 = tpu.vector_load %arg9[%swap3A_15] {strides = array<i32>} : memref<3136xf32, #tpu.memory_space<vmem>>, vector<16xf32>,
    tpu.vector_store %arg9[%swap3A_15], %broadcast_in_dim3A_12 {strides = array<i32>} : memref<3136xf32, #tpu.memory_space<vmem>>, vector<16xf32>,
    %scan3A_17 = arith.constant 194 : i32
    %scan3A_18 = arith.addi %scan3A_0, %scan3A_17 : i32
    %broadcast_in_dim3A_19 = arith.constant 0.000000e+00 : f32
    %broadcast_in_dim3A_20 = vector.broadcast %broadcast_in_dim3A_19 : f32 to vector<16xf32>
    %mul3A_21 = arith.constant 16 : i32
    %mul3A_22 = arith.muli %scan3A_18, %mul3A_21 : i32
    %swap3A_23 = arith.index_cast %mul3A_22 : i32 to index
    %swap3A_24 = tpu.vector_load %arg9[%swap3A_23] {strides = array<i32>} : memref<3136xf32, #tpu.memory_space<vmem>>, vector<16xf32>,
    tpu.vector_store %arg9[%swap3A_23], %broadcast_in_dim3A_20 {strides = array<i32>} : memref<3136xf32, #tpu.memory_space<vmem>>, vector<16xf32>,
    %scan3A_25 = arith.constant 195 : i32
    %scan3A_26 = arith.addi %scan3A_0, %scan3A_25 : i32
    %broadcast_in_dim3A_27 = arith.constant 0.000000e+00 : f32
    %broadcast_in_dim3A_28 = vector.broadcast %broadcast_in_dim3A_27 : f32 to vector<16xf32>
    %mul3A_29 = arith.constant 16 : i32
    %mul3A_30 = arith.muli %scan3A_26, %mul3A_29 : i32
    %swap3A_31 = arith.index_cast %mul3A_30 : i32 to index
    %swap3A_32 = tpu.vector_load %arg9[%swap3A_31] {strides = array<i32>} : memref<3136xf32, #tpu.memory_space<vmem>>, vector<16xf32>,
    tpu.vector_store %arg9[%swap3A_31], %broadcast_in_dim3A_28 {strides = array<i32>} : memref<3136xf32, #tpu.memory_space<vmem>>, vector<16xf32>,
    %scan3A_33 = arith.constant 196 : i32
    %mul3A_34 = arith.constant 3136 : i32
    %mul3A_35 = arith.muli %arg1, %mul3A_34 : i32
    "tpu.region"() ({
      %run_scoped3A = tpu.sem_alloc : memref<!tpu.dma_semaphore, #tpu.memory_space<semaphore_mem>>
      %dma_start3A_160 = tpu.memref_slice %arg10[%mul3A_35] : memref<50176xf32, #tpu.memory_space<vmem_shared>> -> memref<3136xf32, #tpu.memory_space<vmem_shared>>
      %dma_start3A_161 = tpu.memref_slice %arg10[%mul3A_35] : memref<50176xf32, #tpu.memory_space<vmem_shared>> -> memref<3136xf32, #tpu.memory_space<vmem_shared>>
      tpu.enqueue_dma source(%arg9 : memref<3136xf32, #tpu.memory_space<vmem>>) target(%dma_start3A_161 : memref<3136xf32, #tpu.memory_space<vmem_shared>>) target_semaphore(%run_scoped3A : memref<!tpu.dma_semaphore, #tpu.memory_space<semaphore_mem>>)
      %dma_wait3A_162 = tpu.memref_slice %arg10[%mul3A_35] : memref<50176xf32, #tpu.memory_space<vmem_shared>> -> memref<3136xf32, #tpu.memory_space<vmem_shared>>
      %dma_wait3A_163 = tpu.memref_slice %arg10[%mul3A_35] : memref<50176xf32, #tpu.memory_space<vmem_shared>> -> memref<3136xf32, #tpu.memory_space<vmem_shared>>
      tpu.wait_dma2 semaphore(%run_scoped3A : memref<!tpu.dma_semaphore, #tpu.memory_space<semaphore_mem>>) src(%arg9 : memref<3136xf32, #tpu.memory_space<vmem>>) dst(%dma_wait3A_163 : memref<3136xf32, #tpu.memory_space<vmem_shared>>)
      tpu.yield
    }) : () -> ()
    %barrier3A = arith.constant 0 : index
    tpu.barrier barrier_id(%barrier3A)
    %mul3A_36 = arith.constant 16 : i32
    %mul3A_37 = arith.muli %arg0, %mul3A_36 : i32
    %add3A = arith.addi %mul3A_37, %arg1 : i32
    %mul3A_38 = arith.constant 392 : i32
    %mul3A_39 = arith.muli %add3A, %mul3A_38 : i32
    %add3A_40 = arith.constant 0 : i32
    %add3A_41 = arith.addi %mul3A_39, %add3A_40 : i32
    %dma_start3A = arith.constant 0 : i32
    %dma_start3A_42 = tpu.memref_slice %arg2[%add3A_41, %dma_start3A] : memref<12544x128xi32, #tpu.memory_space<hbm>> -> memref<8x128xi32, #tpu.memory_space<hbm>>
    %dma_start3A_43 = arith.constant 0 : i32
    %dma_start3A_44 = tpu.memref_slice %arg2[%add3A_41, %dma_start3A_43] : memref<12544x128xi32, #tpu.memory_space<hbm>> -> memref<8x128xi32, #tpu.memory_space<hbm>>
    tpu.enqueue_dma source(%dma_start3A_44 : memref<8x128xi32, #tpu.memory_space<hbm>>) target(%arg5 : memref<8x128xi32, #tpu.memory_space<vmem>>) target_semaphore(%arg11 : memref<!tpu.dma_semaphore, #tpu.memory_space<semaphore_mem>>)
    %dma_start3A_45 = arith.constant 0 : i32
    %dma_start3A_46 = tpu.memref_slice %arg3[%add3A_41, %dma_start3A_45] : memref<12544x128xf32, #tpu.memory_space<hbm>> -> memref<8x128xf32, #tpu.memory_space<hbm>>
    %dma_start3A_47 = arith.constant 0 : i32
    %dma_start3A_48 = tpu.memref_slice %arg3[%add3A_41, %dma_start3A_47] : memref<12544x128xf32, #tpu.memory_space<hbm>> -> memref<8x128xf32, #tpu.memory_space<hbm>>
    tpu.enqueue_dma source(%dma_start3A_48 : memref<8x128xf32, #tpu.memory_space<hbm>>) target(%arg7 : memref<8x128xf32, #tpu.memory_space<vmem>>) target_semaphore(%arg11 : memref<!tpu.dma_semaphore, #tpu.memory_space<semaphore_mem>>)
    %scan3A_49 = arith.constant 0 : i32
    %scan3A_50 = arith.constant 0 : i32
    %scan3A_51 = arith.constant 24 : i32
    %scan3A_52 = arith.addi %scan3A_50, %scan3A_51 : i32
    %scan3A_53 = arith.constant 1 : i32
    scf.for %scan3A_160 = %scan3A_50 to %scan3A_52 step %scan3A_53  : i32 {
      %mul3A_161 = arith.constant 2 : i32
      %mul3A_162 = arith.muli %scan3A_160, %mul3A_161 : i32
      %add3A_163 = arith.constant 0 : i32
      %add3A_164 = arith.addi %mul3A_162, %add3A_163 : i32
      %add3A_165 = arith.constant 1 : i32
      %add3A_166 = arith.addi %add3A_164, %add3A_165 : i32
      %lt3A = arith.constant 49 : i32
      %lt3A_167 = arith.cmpi slt, %add3A_166, %lt3A : i32
      %convert_element_type3A = arith.extui %lt3A_167 : i1 to i32
      %cond3A = arith.constant 0 : i32
      %cond3A_168 = arith.cmpi ne, %convert_element_type3A, %cond3A : i32
      scf.if %cond3A_168 {
        %add3A_376 = arith.constant 1 : i32
        %add3A_377 = arith.addi %add3A_164, %add3A_376 : i32
        %mul3A_378 = arith.constant 8 : i32
        %mul3A_379 = arith.muli %add3A_377, %mul3A_378 : i32
        %add3A_380 = arith.addi %mul3A_39, %mul3A_379 : i32
        %dma_start3A_381 = arith.constant 0 : i32
        %dma_start3A_382 = tpu.memref_slice %arg2[%add3A_380, %dma_start3A_381] : memref<12544x128xi32, #tpu.memory_space<hbm>> -> memref<8x128xi32, #tpu.memory_space<hbm>>
        %dma_start3A_383 = arith.constant 0 : i32
        %dma_start3A_384 = tpu.memref_slice %arg2[%add3A_380, %dma_start3A_383] : memref<12544x128xi32, #tpu.memory_space<hbm>> -> memref<8x128xi32, #tpu.memory_space<hbm>>
        tpu.enqueue_dma source(%dma_start3A_384 : memref<8x128xi32, #tpu.memory_space<hbm>>) target(%arg6 : memref<8x128xi32, #tpu.memory_space<vmem>>) target_semaphore(%arg12 : memref<!tpu.dma_semaphore, #tpu.memory_space<semaphore_mem>>)
        %dma_start3A_385 = arith.constant 0 : i32
        %dma_start3A_386 = tpu.memref_slice %arg3[%add3A_380, %dma_start3A_385] : memref<12544x128xf32, #tpu.memory_space<hbm>> -> memref<8x128xf32, #tpu.memory_space<hbm>>
        %dma_start3A_387 = arith.constant 0 : i32
        %dma_start3A_388 = tpu.memref_slice %arg3[%add3A_380, %dma_start3A_387] : memref<12544x128xf32, #tpu.memory_space<hbm>> -> memref<8x128xf32, #tpu.memory_space<hbm>>
        tpu.enqueue_dma source(%dma_start3A_388 : memref<8x128xf32, #tpu.memory_space<hbm>>) target(%arg8 : memref<8x128xf32, #tpu.memory_space<vmem>>) target_semaphore(%arg12 : memref<!tpu.dma_semaphore, #tpu.memory_space<semaphore_mem>>)
      } else {
      }
      %dma_wait3A_169 = arith.constant 0 : i32
      %dma_wait3A_170 = arith.constant 0 : i32
      %dma_wait3A_171 = tpu.memref_slice %arg2[%dma_wait3A_169, %dma_wait3A_170] : memref<12544x128xi32, #tpu.memory_space<hbm>> -> memref<8x128xi32, #tpu.memory_space<hbm>>
      %dma_wait3A_172 = arith.constant 0 : i32
      %dma_wait3A_173 = arith.constant 0 : i32
      %dma_wait3A_174 = tpu.memref_slice %arg2[%dma_wait3A_172, %dma_wait3A_173] : memref<12544x128xi32, #tpu.memory_space<hbm>> -> memref<8x128xi32, #tpu.memory_space<hbm>>
      tpu.wait_dma2 semaphore(%arg11 : memref<!tpu.dma_semaphore, #tpu.memory_space<semaphore_mem>>) src(%dma_wait3A_174 : memref<8x128xi32, #tpu.memory_space<hbm>>) dst(%arg5 : memref<8x128xi32, #tpu.memory_space<vmem>>)
      %dma_wait3A_175 = arith.constant 0 : i32
      %dma_wait3A_176 = arith.constant 0 : i32
      %dma_wait3A_177 = tpu.memref_slice %arg3[%dma_wait3A_175, %dma_wait3A_176] : memref<12544x128xf32, #tpu.memory_space<hbm>> -> memref<8x128xf32, #tpu.memory_space<hbm>>
      %dma_wait3A_178 = arith.constant 0 : i32
      %dma_wait3A_179 = arith.constant 0 : i32
      %dma_wait3A_180 = tpu.memref_slice %arg3[%dma_wait3A_178, %dma_wait3A_179] : memref<12544x128xf32, #tpu.memory_space<hbm>> -> memref<8x128xf32, #tpu.memory_space<hbm>>
      tpu.wait_dma2 semaphore(%arg11 : memref<!tpu.dma_semaphore, #tpu.memory_space<semaphore_mem>>) src(%dma_wait3A_180 : memref<8x128xf32, #tpu.memory_space<hbm>>) dst(%arg7 : memref<8x128xf32, #tpu.memory_space<vmem>>)
      %dma_start3A_181 = arith.constant 0 : i32
      %dma_start3A_182 = arith.constant 0 : i32
      %dma_start3A_183 = arith.constant 0 : i32
      %dma_start3A_184 = tpu.memref_slice %arg7[%dma_start3A_181, %dma_start3A_183] : memref<8x128xf32, #tpu.memory_space<vmem>> -> memref<1x128xf32, #tpu.memory_space<vmem>>
      %dma_start3A_185 = tpu.memref_squeeze %dma_start3A_184 : memref<1x128xf32, #tpu.memory_space<vmem>> -> memref<128xf32, #tpu.memory_space<vmem>>
      %dma_start3A_186 = arith.constant 0 : i32
      %dma_start3A_187 = tpu.memref_slice %arg5[%dma_start3A_182, %dma_start3A_186] : memref<8x128xi32, #tpu.memory_space<vmem>> -> memref<1x128xi32, #tpu.memory_space<vmem>>
      %dma_start3A_188 = tpu.memref_squeeze %dma_start3A_187 : memref<1x128xi32, #tpu.memory_space<vmem>> -> memref<128xi32, #tpu.memory_space<vmem>>
      %dma_start3A_189 = arith.constant 0 : i32
      %dma_start3A_190 = tpu.memref_slice %arg10[%dma_start3A_189] : memref<50176xf32, #tpu.memory_space<vmem_shared>> -> memref<50176xf32, #tpu.memory_space<vmem_shared>>
      tpu.enqueue_indirect_dma source(%dma_start3A_185 : memref<128xf32, #tpu.memory_space<vmem>>) target(%dma_start3A_190 : memref<50176xf32, #tpu.memory_space<vmem_shared>>) offsets(%dma_start3A_188 : memref<128xi32, #tpu.memory_space<vmem>>) semaphore(%arg13 : memref<!tpu.dma_semaphore, #tpu.memory_space<semaphore_mem>>) {add = true}
      %dma_start3A_191 = arith.constant 1 : i32
      %dma_start3A_192 = arith.constant 1 : i32
      %dma_start3A_193 = arith.constant 0 : i32
      %dma_start3A_194 = tpu.memref_slice %arg7[%dma_start3A_191, %dma_start3A_193] : memref<8x128xf32, #tpu.memory_space<vmem>> -> memref<1x128xf32, #tpu.memory_space<vmem>>
      %dma_start3A_195 = tpu.memref_squeeze %dma_start3A_194 : memref<1x128xf32, #tpu.memory_space<vmem>> -> memref<128xf32, #tpu.memory_space<vmem>>
      %dma_start3A_196 = arith.constant 0 : i32
      %dma_start3A_197 = tpu.memref_slice %arg5[%dma_start3A_192, %dma_start3A_196] : memref<8x128xi32, #tpu.memory_space<vmem>> -> memref<1x128xi32, #tpu.memory_space<vmem>>
      %dma_start3A_198 = tpu.memref_squeeze %dma_start3A_197 : memref<1x128xi32, #tpu.memory_space<vmem>> -> memref<128xi32, #tpu.memory_space<vmem>>
      %dma_start3A_199 = arith.constant 0 : i32
      %dma_start3A_200 = tpu.memref_slice %arg10[%dma_start3A_199] : memref<50176xf32, #tpu.memory_space<vmem_shared>> -> memref<50176xf32, #tpu.memory_space<vmem_shared>>
      tpu.enqueue_indirect_dma source(%dma_start3A_195 : memref<128xf32, #tpu.memory_space<vmem>>) target(%dma_start3A_200 : memref<50176xf32, #tpu.memory_space<vmem_shared>>) offsets(%dma_start3A_198 : memref<128xi32, #tpu.memory_space<vmem>>) semaphore(%arg13 : memref<!tpu.dma_semaphore, #tpu.memory_space<semaphore_mem>>) {add = true}
      %dma_start3A_201 = arith.constant 2 : i32
      %dma_start3A_202 = arith.constant 2 : i32
      %dma_start3A_203 = arith.constant 0 : i32
      %dma_start3A_204 = tpu.memref_slice %arg7[%dma_start3A_201, %dma_start3A_203] : memref<8x128xf32, #tpu.memory_space<vmem>> -> memref<1x128xf32, #tpu.memory_space<vmem>>
      %dma_start3A_205 = tpu.memref_squeeze %dma_start3A_204 : memref<1x128xf32, #tpu.memory_space<vmem>> -> memref<128xf32, #tpu.memory_space<vmem>>
      %dma_start3A_206 = arith.constant 0 : i32
      %dma_start3A_207 = tpu.memref_slice %arg5[%dma_start3A_202, %dma_start3A_206] : memref<8x128xi32, #tpu.memory_space<vmem>> -> memref<1x128xi32, #tpu.memory_space<vmem>>
      %dma_start3A_208 = tpu.memref_squeeze %dma_start3A_207 : memref<1x128xi32, #tpu.memory_space<vmem>> -> memref<128xi32, #tpu.memory_space<vmem>>
      %dma_start3A_209 = arith.constant 0 : i32
      %dma_start3A_210 = tpu.memref_slice %arg10[%dma_start3A_209] : memref<50176xf32, #tpu.memory_space<vmem_shared>> -> memref<50176xf32, #tpu.memory_space<vmem_shared>>
      tpu.enqueue_indirect_dma source(%dma_start3A_205 : memref<128xf32, #tpu.memory_space<vmem>>) target(%dma_start3A_210 : memref<50176xf32, #tpu.memory_space<vmem_shared>>) offsets(%dma_start3A_208 : memref<128xi32, #tpu.memory_space<vmem>>) semaphore(%arg13 : memref<!tpu.dma_semaphore, #tpu.memory_space<semaphore_mem>>) {add = true}
      %dma_start3A_211 = arith.constant 3 : i32
      %dma_start3A_212 = arith.constant 3 : i32
      %dma_start3A_213 = arith.constant 0 : i32
      %dma_start3A_214 = tpu.memref_slice %arg7[%dma_start3A_211, %dma_start3A_213] : memref<8x128xf32, #tpu.memory_space<vmem>> -> memref<1x128xf32, #tpu.memory_space<vmem>>
      %dma_start3A_215 = tpu.memref_squeeze %dma_start3A_214 : memref<1x128xf32, #tpu.memory_space<vmem>> -> memref<128xf32, #tpu.memory_space<vmem>>
      %dma_start3A_216 = arith.constant 0 : i32
      %dma_start3A_217 = tpu.memref_slice %arg5[%dma_start3A_212, %dma_start3A_216] : memref<8x128xi32, #tpu.memory_space<vmem>> -> memref<1x128xi32, #tpu.memory_space<vmem>>
      %dma_start3A_218 = tpu.memref_squeeze %dma_start3A_217 : memref<1x128xi32, #tpu.memory_space<vmem>> -> memref<128xi32, #tpu.memory_space<vmem>>
      %dma_start3A_219 = arith.constant 0 : i32
      %dma_start3A_220 = tpu.memref_slice %arg10[%dma_start3A_219] : memref<50176xf32, #tpu.memory_space<vmem_shared>> -> memref<50176xf32, #tpu.memory_space<vmem_shared>>
      tpu.enqueue_indirect_dma source(%dma_start3A_215 : memref<128xf32, #tpu.memory_space<vmem>>) target(%dma_start3A_220 : memref<50176xf32, #tpu.memory_space<vmem_shared>>) offsets(%dma_start3A_218 : memref<128xi32, #tpu.memory_space<vmem>>) semaphore(%arg13 : memref<!tpu.dma_semaphore, #tpu.memory_space<semaphore_mem>>) {add = true}
      %dma_start3A_221 = arith.constant 4 : i32
      %dma_start3A_222 = arith.constant 4 : i32
      %dma_start3A_223 = arith.constant 0 : i32
      %dma_start3A_224 = tpu.memref_slice %arg7[%dma_start3A_221, %dma_start3A_223] : memref<8x128xf32, #tpu.memory_space<vmem>> -> memref<1x128xf32, #tpu.memory_space<vmem>>
      %dma_start3A_225 = tpu.memref_squeeze %dma_start3A_224 : memref<1x128xf32, #tpu.memory_space<vmem>> -> memref<128xf32, #tpu.memory_space<vmem>>
      %dma_start3A_226 = arith.constant 0 : i32
      %dma_start3A_227 = tpu.memref_slice %arg5[%dma_start3A_222, %dma_start3A_226] : memref<8x128xi32, #tpu.memory_space<vmem>> -> memref<1x128xi32, #tpu.memory_space<vmem>>
      %dma_start3A_228 = tpu.memref_squeeze %dma_start3A_227 : memref<1x128xi32, #tpu.memory_space<vmem>> -> memref<128xi32, #tpu.memory_space<vmem>>
      %dma_start3A_229 = arith.constant 0 : i32
      %dma_start3A_230 = tpu.memref_slice %arg10[%dma_start3A_229] : memref<50176xf32, #tpu.memory_space<vmem_shared>> -> memref<50176xf32, #tpu.memory_space<vmem_shared>>
      tpu.enqueue_indirect_dma source(%dma_start3A_225 : memref<128xf32, #tpu.memory_space<vmem>>) target(%dma_start3A_230 : memref<50176xf32, #tpu.memory_space<vmem_shared>>) offsets(%dma_start3A_228 : memref<128xi32, #tpu.memory_space<vmem>>) semaphore(%arg13 : memref<!tpu.dma_semaphore, #tpu.memory_space<semaphore_mem>>) {add = true}
      %dma_start3A_231 = arith.constant 5 : i32
      %dma_start3A_232 = arith.constant 5 : i32
      %dma_start3A_233 = arith.constant 0 : i32
      %dma_start3A_234 = tpu.memref_slice %arg7[%dma_start3A_231, %dma_start3A_233] : memref<8x128xf32, #tpu.memory_space<vmem>> -> memref<1x128xf32, #tpu.memory_space<vmem>>
      %dma_start3A_235 = tpu.memref_squeeze %dma_start3A_234 : memref<1x128xf32, #tpu.memory_space<vmem>> -> memref<128xf32, #tpu.memory_space<vmem>>
      %dma_start3A_236 = arith.constant 0 : i32
      %dma_start3A_237 = tpu.memref_slice %arg5[%dma_start3A_232, %dma_start3A_236] : memref<8x128xi32, #tpu.memory_space<vmem>> -> memref<1x128xi32, #tpu.memory_space<vmem>>
      %dma_start3A_238 = tpu.memref_squeeze %dma_start3A_237 : memref<1x128xi32, #tpu.memory_space<vmem>> -> memref<128xi32, #tpu.memory_space<vmem>>
      %dma_start3A_239 = arith.constant 0 : i32
      %dma_start3A_240 = tpu.memref_slice %arg10[%dma_start3A_239] : memref<50176xf32, #tpu.memory_space<vmem_shared>> -> memref<50176xf32, #tpu.memory_space<vmem_shared>>
      tpu.enqueue_indirect_dma source(%dma_start3A_235 : memref<128xf32, #tpu.memory_space<vmem>>) target(%dma_start3A_240 : memref<50176xf32, #tpu.memory_space<vmem_shared>>) offsets(%dma_start3A_238 : memref<128xi32, #tpu.memory_space<vmem>>) semaphore(%arg13 : memref<!tpu.dma_semaphore, #tpu.memory_space<semaphore_mem>>) {add = true}
      %dma_start3A_241 = arith.constant 6 : i32
      %dma_start3A_242 = arith.constant 6 : i32
      %dma_start3A_243 = arith.constant 0 : i32
      %dma_start3A_244 = tpu.memref_slice %arg7[%dma_start3A_241, %dma_start3A_243] : memref<8x128xf32, #tpu.memory_space<vmem>> -> memref<1x128xf32, #tpu.memory_space<vmem>>
      %dma_start3A_245 = tpu.memref_squeeze %dma_start3A_244 : memref<1x128xf32, #tpu.memory_space<vmem>> -> memref<128xf32, #tpu.memory_space<vmem>>
      %dma_start3A_246 = arith.constant 0 : i32
      %dma_start3A_247 = tpu.memref_slice %arg5[%dma_start3A_242, %dma_start3A_246] : memref<8x128xi32, #tpu.memory_space<vmem>> -> memref<1x128xi32, #tpu.memory_space<vmem>>
      %dma_start3A_248 = tpu.memref_squeeze %dma_start3A_247 : memref<1x128xi32, #tpu.memory_space<vmem>> -> memref<128xi32, #tpu.memory_space<vmem>>
      %dma_start3A_249 = arith.constant 0 : i32
      %dma_start3A_250 = tpu.memref_slice %arg10[%dma_start3A_249] : memref<50176xf32, #tpu.memory_space<vmem_shared>> -> memref<50176xf32, #tpu.memory_space<vmem_shared>>
      tpu.enqueue_indirect_dma source(%dma_start3A_245 : memref<128xf32, #tpu.memory_space<vmem>>) target(%dma_start3A_250 : memref<50176xf32, #tpu.memory_space<vmem_shared>>) offsets(%dma_start3A_248 : memref<128xi32, #tpu.memory_space<vmem>>) semaphore(%arg13 : memref<!tpu.dma_semaphore, #tpu.memory_space<semaphore_mem>>) {add = true}
      %dma_start3A_251 = arith.constant 7 : i32
      %dma_start3A_252 = arith.constant 7 : i32
      %dma_start3A_253 = arith.constant 0 : i32
      %dma_start3A_254 = tpu.memref_slice %arg7[%dma_start3A_251, %dma_start3A_253] : memref<8x128xf32, #tpu.memory_space<vmem>> -> memref<1x128xf32, #tpu.memory_space<vmem>>
      %dma_start3A_255 = tpu.memref_squeeze %dma_start3A_254 : memref<1x128xf32, #tpu.memory_space<vmem>> -> memref<128xf32, #tpu.memory_space<vmem>>
      %dma_start3A_256 = arith.constant 0 : i32
      %dma_start3A_257 = tpu.memref_slice %arg5[%dma_start3A_252, %dma_start3A_256] : memref<8x128xi32, #tpu.memory_space<vmem>> -> memref<1x128xi32, #tpu.memory_space<vmem>>
      %dma_start3A_258 = tpu.memref_squeeze %dma_start3A_257 : memref<1x128xi32, #tpu.memory_space<vmem>> -> memref<128xi32, #tpu.memory_space<vmem>>
      %dma_start3A_259 = arith.constant 0 : i32
      %dma_start3A_260 = tpu.memref_slice %arg10[%dma_start3A_259] : memref<50176xf32, #tpu.memory_space<vmem_shared>> -> memref<50176xf32, #tpu.memory_space<vmem_shared>>
      tpu.enqueue_indirect_dma source(%dma_start3A_255 : memref<128xf32, #tpu.memory_space<vmem>>) target(%dma_start3A_260 : memref<50176xf32, #tpu.memory_space<vmem_shared>>) offsets(%dma_start3A_258 : memref<128xi32, #tpu.memory_space<vmem>>) semaphore(%arg13 : memref<!tpu.dma_semaphore, #tpu.memory_space<semaphore_mem>>) {add = true}
      %dma_wait3A_261 = arith.constant 0 : i32
      %dma_wait3A_262 = arith.constant 0 : i32
      %dma_wait3A_263 = tpu.memref_slice %arg3[%dma_wait3A_261, %dma_wait3A_262] : memref<12544x128xf32, #tpu.memory_space<hbm>> -> memref<8x128xf32, #tpu.memory_space<hbm>>
      %dma_wait3A_264 = arith.constant 0 : i32
      %dma_wait3A_265 = arith.constant 0 : i32
      %dma_wait3A_266 = tpu.memref_slice %arg3[%dma_wait3A_264, %dma_wait3A_265] : memref<12544x128xf32, #tpu.memory_space<hbm>> -> memref<8x128xf32, #tpu.memory_space<hbm>>
      tpu.wait_dma2 semaphore(%arg13 : memref<!tpu.dma_semaphore, #tpu.memory_space<semaphore_mem>>) src(%dma_wait3A_266 : memref<8x128xf32, #tpu.memory_space<hbm>>) dst(%arg7 : memref<8x128xf32, #tpu.memory_space<vmem>>)
      %mul3A_267 = arith.constant 2 : i32
      %mul3A_268 = arith.muli %scan3A_160, %mul3A_267 : i32
      %add3A_269 = arith.constant 1 : i32
      %add3A_270 = arith.addi %mul3A_268, %add3A_269 : i32
      %add3A_271 = arith.constant 1 : i32
      %add3A_272 = arith.addi %add3A_270, %add3A_271 : i32
      %lt3A_273 = arith.constant 49 : i32
      %lt3A_274 = arith.cmpi slt, %add3A_272, %lt3A_273 : i32
      %convert_element_type3A_275 = arith.extui %lt3A_274 : i1 to i32
      %cond3A_276 = arith.constant 0 : i32
      %cond3A_277 = arith.cmpi ne, %convert_element_type3A_275, %cond3A_276 : i32
      scf.if %cond3A_277 {
        %add3A_376 = arith.constant 1 : i32
        %add3A_377 = arith.addi %add3A_270, %add3A_376 : i32
        %mul3A_378 = arith.constant 8 : i32
        %mul3A_379 = arith.muli %add3A_377, %mul3A_378 : i32
        %add3A_380 = arith.addi %mul3A_39, %mul3A_379 : i32
        %dma_start3A_381 = arith.constant 0 : i32
        %dma_start3A_382 = tpu.memref_slice %arg2[%add3A_380, %dma_start3A_381] : memref<12544x128xi32, #tpu.memory_space<hbm>> -> memref<8x128xi32, #tpu.memory_space<hbm>>
        %dma_start3A_383 = arith.constant 0 : i32
        %dma_start3A_384 = tpu.memref_slice %arg2[%add3A_380, %dma_start3A_383] : memref<12544x128xi32, #tpu.memory_space<hbm>> -> memref<8x128xi32, #tpu.memory_space<hbm>>
        tpu.enqueue_dma source(%dma_start3A_384 : memref<8x128xi32, #tpu.memory_space<hbm>>) target(%arg5 : memref<8x128xi32, #tpu.memory_space<vmem>>) target_semaphore(%arg11 : memref<!tpu.dma_semaphore, #tpu.memory_space<semaphore_mem>>)
        %dma_start3A_385 = arith.constant 0 : i32
        %dma_start3A_386 = tpu.memref_slice %arg3[%add3A_380, %dma_start3A_385] : memref<12544x128xf32, #tpu.memory_space<hbm>> -> memref<8x128xf32, #tpu.memory_space<hbm>>
        %dma_start3A_387 = arith.constant 0 : i32
        %dma_start3A_388 = tpu.memref_slice %arg3[%add3A_380, %dma_start3A_387] : memref<12544x128xf32, #tpu.memory_space<hbm>> -> memref<8x128xf32, #tpu.memory_space<hbm>>
        tpu.enqueue_dma source(%dma_start3A_388 : memref<8x128xf32, #tpu.memory_space<hbm>>) target(%arg7 : memref<8x128xf32, #tpu.memory_space<vmem>>) target_semaphore(%arg11 : memref<!tpu.dma_semaphore, #tpu.memory_space<semaphore_mem>>)
      } else {
      }
      %dma_wait3A_278 = arith.constant 0 : i32
      %dma_wait3A_279 = arith.constant 0 : i32
      %dma_wait3A_280 = tpu.memref_slice %arg2[%dma_wait3A_278, %dma_wait3A_279] : memref<12544x128xi32, #tpu.memory_space<hbm>> -> memref<8x128xi32, #tpu.memory_space<hbm>>
      %dma_wait3A_281 = arith.constant 0 : i32
      %dma_wait3A_282 = arith.constant 0 : i32
      %dma_wait3A_283 = tpu.memref_slice %arg2[%dma_wait3A_281, %dma_wait3A_282] : memref<12544x128xi32, #tpu.memory_space<hbm>> -> memref<8x128xi32, #tpu.memory_space<hbm>>
      tpu.wait_dma2 semaphore(%arg12 : memref<!tpu.dma_semaphore, #tpu.memory_space<semaphore_mem>>) src(%dma_wait3A_283 : memref<8x128xi32, #tpu.memory_space<hbm>>) dst(%arg6 : memref<8x128xi32, #tpu.memory_space<vmem>>)
      %dma_wait3A_284 = arith.constant 0 : i32
      %dma_wait3A_285 = arith.constant 0 : i32
      %dma_wait3A_286 = tpu.memref_slice %arg3[%dma_wait3A_284, %dma_wait3A_285] : memref<12544x128xf32, #tpu.memory_space<hbm>> -> memref<8x128xf32, #tpu.memory_space<hbm>>
      %dma_wait3A_287 = arith.constant 0 : i32
      %dma_wait3A_288 = arith.constant 0 : i32
      %dma_wait3A_289 = tpu.memref_slice %arg3[%dma_wait3A_287, %dma_wait3A_288] : memref<12544x128xf32, #tpu.memory_space<hbm>> -> memref<8x128xf32, #tpu.memory_space<hbm>>
      tpu.wait_dma2 semaphore(%arg12 : memref<!tpu.dma_semaphore, #tpu.memory_space<semaphore_mem>>) src(%dma_wait3A_289 : memref<8x128xf32, #tpu.memory_space<hbm>>) dst(%arg8 : memref<8x128xf32, #tpu.memory_space<vmem>>)
      %dma_start3A_290 = arith.constant 0 : i32
      %dma_start3A_291 = arith.constant 0 : i32
      %dma_start3A_292 = arith.constant 0 : i32
      %dma_start3A_293 = tpu.memref_slice %arg8[%dma_start3A_290, %dma_start3A_292] : memref<8x128xf32, #tpu.memory_space<vmem>> -> memref<1x128xf32, #tpu.memory_space<vmem>>
      %dma_start3A_294 = tpu.memref_squeeze %dma_start3A_293 : memref<1x128xf32, #tpu.memory_space<vmem>> -> memref<128xf32, #tpu.memory_space<vmem>>
      %dma_start3A_295 = arith.constant 0 : i32
      %dma_start3A_296 = tpu.memref_slice %arg6[%dma_start3A_291, %dma_start3A_295] : memref<8x128xi32, #tpu.memory_space<vmem>> -> memref<1x128xi32, #tpu.memory_space<vmem>>
      %dma_start3A_297 = tpu.memref_squeeze %dma_start3A_296 : memref<1x128xi32, #tpu.memory_space<vmem>> -> memref<128xi32, #tpu.memory_space<vmem>>
      %dma_start3A_298 = arith.constant 0 : i32
      %dma_start3A_299 = tpu.memref_slice %arg10[%dma_start3A_298] : memref<50176xf32, #tpu.memory_space<vmem_shared>> -> memref<50176xf32, #tpu.memory_space<vmem_shared>>
      tpu.enqueue_indirect_dma source(%dma_start3A_294 : memref<128xf32, #tpu.memory_space<vmem>>) target(%dma_start3A_299 : memref<50176xf32, #tpu.memory_space<vmem_shared>>) offsets(%dma_start3A_297 : memref<128xi32, #tpu.memory_space<vmem>>) semaphore(%arg13 : memref<!tpu.dma_semaphore, #tpu.memory_space<semaphore_mem>>) {add = true}
      %dma_start3A_300 = arith.constant 1 : i32
      %dma_start3A_301 = arith.constant 1 : i32
      %dma_start3A_302 = arith.constant 0 : i32
      %dma_start3A_303 = tpu.memref_slice %arg8[%dma_start3A_300, %dma_start3A_302] : memref<8x128xf32, #tpu.memory_space<vmem>> -> memref<1x128xf32, #tpu.memory_space<vmem>>
      %dma_start3A_304 = tpu.memref_squeeze %dma_start3A_303 : memref<1x128xf32, #tpu.memory_space<vmem>> -> memref<128xf32, #tpu.memory_space<vmem>>
      %dma_start3A_305 = arith.constant 0 : i32
      %dma_start3A_306 = tpu.memref_slice %arg6[%dma_start3A_301, %dma_start3A_305] : memref<8x128xi32, #tpu.memory_space<vmem>> -> memref<1x128xi32, #tpu.memory_space<vmem>>
      %dma_start3A_307 = tpu.memref_squeeze %dma_start3A_306 : memref<1x128xi32, #tpu.memory_space<vmem>> -> memref<128xi32, #tpu.memory_space<vmem>>
      %dma_start3A_308 = arith.constant 0 : i32
      %dma_start3A_309 = tpu.memref_slice %arg10[%dma_start3A_308] : memref<50176xf32, #tpu.memory_space<vmem_shared>> -> memref<50176xf32, #tpu.memory_space<vmem_shared>>
      tpu.enqueue_indirect_dma source(%dma_start3A_304 : memref<128xf32, #tpu.memory_space<vmem>>) target(%dma_start3A_309 : memref<50176xf32, #tpu.memory_space<vmem_shared>>) offsets(%dma_start3A_307 : memref<128xi32, #tpu.memory_space<vmem>>) semaphore(%arg13 : memref<!tpu.dma_semaphore, #tpu.memory_space<semaphore_mem>>) {add = true}
      %dma_start3A_310 = arith.constant 2 : i32
      %dma_start3A_311 = arith.constant 2 : i32
      %dma_start3A_312 = arith.constant 0 : i32
      %dma_start3A_313 = tpu.memref_slice %arg8[%dma_start3A_310, %dma_start3A_312] : memref<8x128xf32, #tpu.memory_space<vmem>> -> memref<1x128xf32, #tpu.memory_space<vmem>>
      %dma_start3A_314 = tpu.memref_squeeze %dma_start3A_313 : memref<1x128xf32, #tpu.memory_space<vmem>> -> memref<128xf32, #tpu.memory_space<vmem>>
      %dma_start3A_315 = arith.constant 0 : i32
      %dma_start3A_316 = tpu.memref_slice %arg6[%dma_start3A_311, %dma_start3A_315] : memref<8x128xi32, #tpu.memory_space<vmem>> -> memref<1x128xi32, #tpu.memory_space<vmem>>
      %dma_start3A_317 = tpu.memref_squeeze %dma_start3A_316 : memref<1x128xi32, #tpu.memory_space<vmem>> -> memref<128xi32, #tpu.memory_space<vmem>>
      %dma_start3A_318 = arith.constant 0 : i32
      %dma_start3A_319 = tpu.memref_slice %arg10[%dma_start3A_318] : memref<50176xf32, #tpu.memory_space<vmem_shared>> -> memref<50176xf32, #tpu.memory_space<vmem_shared>>
      tpu.enqueue_indirect_dma source(%dma_start3A_314 : memref<128xf32, #tpu.memory_space<vmem>>) target(%dma_start3A_319 : memref<50176xf32, #tpu.memory_space<vmem_shared>>) offsets(%dma_start3A_317 : memref<128xi32, #tpu.memory_space<vmem>>) semaphore(%arg13 : memref<!tpu.dma_semaphore, #tpu.memory_space<semaphore_mem>>) {add = true}
      %dma_start3A_320 = arith.constant 3 : i32
      %dma_start3A_321 = arith.constant 3 : i32
      %dma_start3A_322 = arith.constant 0 : i32
      %dma_start3A_323 = tpu.memref_slice %arg8[%dma_start3A_320, %dma_start3A_322] : memref<8x128xf32, #tpu.memory_space<vmem>> -> memref<1x128xf32, #tpu.memory_space<vmem>>
      %dma_start3A_324 = tpu.memref_squeeze %dma_start3A_323 : memref<1x128xf32, #tpu.memory_space<vmem>> -> memref<128xf32, #tpu.memory_space<vmem>>
      %dma_start3A_325 = arith.constant 0 : i32
      %dma_start3A_326 = tpu.memref_slice %arg6[%dma_start3A_321, %dma_start3A_325] : memref<8x128xi32, #tpu.memory_space<vmem>> -> memref<1x128xi32, #tpu.memory_space<vmem>>
      %dma_start3A_327 = tpu.memref_squeeze %dma_start3A_326 : memref<1x128xi32, #tpu.memory_space<vmem>> -> memref<128xi32, #tpu.memory_space<vmem>>
      %dma_start3A_328 = arith.constant 0 : i32
      %dma_start3A_329 = tpu.memref_slice %arg10[%dma_start3A_328] : memref<50176xf32, #tpu.memory_space<vmem_shared>> -> memref<50176xf32, #tpu.memory_space<vmem_shared>>
      tpu.enqueue_indirect_dma source(%dma_start3A_324 : memref<128xf32, #tpu.memory_space<vmem>>) target(%dma_start3A_329 : memref<50176xf32, #tpu.memory_space<vmem_shared>>) offsets(%dma_start3A_327 : memref<128xi32, #tpu.memory_space<vmem>>) semaphore(%arg13 : memref<!tpu.dma_semaphore, #tpu.memory_space<semaphore_mem>>) {add = true}
      %dma_start3A_330 = arith.constant 4 : i32
      %dma_start3A_331 = arith.constant 4 : i32
      %dma_start3A_332 = arith.constant 0 : i32
      %dma_start3A_333 = tpu.memref_slice %arg8[%dma_start3A_330, %dma_start3A_332] : memref<8x128xf32, #tpu.memory_space<vmem>> -> memref<1x128xf32, #tpu.memory_space<vmem>>
      %dma_start3A_334 = tpu.memref_squeeze %dma_start3A_333 : memref<1x128xf32, #tpu.memory_space<vmem>> -> memref<128xf32, #tpu.memory_space<vmem>>
      %dma_start3A_335 = arith.constant 0 : i32
      %dma_start3A_336 = tpu.memref_slice %arg6[%dma_start3A_331, %dma_start3A_335] : memref<8x128xi32, #tpu.memory_space<vmem>> -> memref<1x128xi32, #tpu.memory_space<vmem>>
      %dma_start3A_337 = tpu.memref_squeeze %dma_start3A_336 : memref<1x128xi32, #tpu.memory_space<vmem>> -> memref<128xi32, #tpu.memory_space<vmem>>
      %dma_start3A_338 = arith.constant 0 : i32
      %dma_start3A_339 = tpu.memref_slice %arg10[%dma_start3A_338] : memref<50176xf32, #tpu.memory_space<vmem_shared>> -> memref<50176xf32, #tpu.memory_space<vmem_shared>>
      tpu.enqueue_indirect_dma source(%dma_start3A_334 : memref<128xf32, #tpu.memory_space<vmem>>) target(%dma_start3A_339 : memref<50176xf32, #tpu.memory_space<vmem_shared>>) offsets(%dma_start3A_337 : memref<128xi32, #tpu.memory_space<vmem>>) semaphore(%arg13 : memref<!tpu.dma_semaphore, #tpu.memory_space<semaphore_mem>>) {add = true}
      %dma_start3A_340 = arith.constant 5 : i32
      %dma_start3A_341 = arith.constant 5 : i32
      %dma_start3A_342 = arith.constant 0 : i32
      %dma_start3A_343 = tpu.memref_slice %arg8[%dma_start3A_340, %dma_start3A_342] : memref<8x128xf32, #tpu.memory_space<vmem>> -> memref<1x128xf32, #tpu.memory_space<vmem>>
      %dma_start3A_344 = tpu.memref_squeeze %dma_start3A_343 : memref<1x128xf32, #tpu.memory_space<vmem>> -> memref<128xf32, #tpu.memory_space<vmem>>
      %dma_start3A_345 = arith.constant 0 : i32
      %dma_start3A_346 = tpu.memref_slice %arg6[%dma_start3A_341, %dma_start3A_345] : memref<8x128xi32, #tpu.memory_space<vmem>> -> memref<1x128xi32, #tpu.memory_space<vmem>>
      %dma_start3A_347 = tpu.memref_squeeze %dma_start3A_346 : memref<1x128xi32, #tpu.memory_space<vmem>> -> memref<128xi32, #tpu.memory_space<vmem>>
      %dma_start3A_348 = arith.constant 0 : i32
      %dma_start3A_349 = tpu.memref_slice %arg10[%dma_start3A_348] : memref<50176xf32, #tpu.memory_space<vmem_shared>> -> memref<50176xf32, #tpu.memory_space<vmem_shared>>
      tpu.enqueue_indirect_dma source(%dma_start3A_344 : memref<128xf32, #tpu.memory_space<vmem>>) target(%dma_start3A_349 : memref<50176xf32, #tpu.memory_space<vmem_shared>>) offsets(%dma_start3A_347 : memref<128xi32, #tpu.memory_space<vmem>>) semaphore(%arg13 : memref<!tpu.dma_semaphore, #tpu.memory_space<semaphore_mem>>) {add = true}
      %dma_start3A_350 = arith.constant 6 : i32
      %dma_start3A_351 = arith.constant 6 : i32
      %dma_start3A_352 = arith.constant 0 : i32
      %dma_start3A_353 = tpu.memref_slice %arg8[%dma_start3A_350, %dma_start3A_352] : memref<8x128xf32, #tpu.memory_space<vmem>> -> memref<1x128xf32, #tpu.memory_space<vmem>>
      %dma_start3A_354 = tpu.memref_squeeze %dma_start3A_353 : memref<1x128xf32, #tpu.memory_space<vmem>> -> memref<128xf32, #tpu.memory_space<vmem>>
      %dma_start3A_355 = arith.constant 0 : i32
      %dma_start3A_356 = tpu.memref_slice %arg6[%dma_start3A_351, %dma_start3A_355] : memref<8x128xi32, #tpu.memory_space<vmem>> -> memref<1x128xi32, #tpu.memory_space<vmem>>
      %dma_start3A_357 = tpu.memref_squeeze %dma_start3A_356 : memref<1x128xi32, #tpu.memory_space<vmem>> -> memref<128xi32, #tpu.memory_space<vmem>>
      %dma_start3A_358 = arith.constant 0 : i32
      %dma_start3A_359 = tpu.memref_slice %arg10[%dma_start3A_358] : memref<50176xf32, #tpu.memory_space<vmem_shared>> -> memref<50176xf32, #tpu.memory_space<vmem_shared>>
      tpu.enqueue_indirect_dma source(%dma_start3A_354 : memref<128xf32, #tpu.memory_space<vmem>>) target(%dma_start3A_359 : memref<50176xf32, #tpu.memory_space<vmem_shared>>) offsets(%dma_start3A_357 : memref<128xi32, #tpu.memory_space<vmem>>) semaphore(%arg13 : memref<!tpu.dma_semaphore, #tpu.memory_space<semaphore_mem>>) {add = true}
      %dma_start3A_360 = arith.constant 7 : i32
      %dma_start3A_361 = arith.constant 7 : i32
      %dma_start3A_362 = arith.constant 0 : i32
      %dma_start3A_363 = tpu.memref_slice %arg8[%dma_start3A_360, %dma_start3A_362] : memref<8x128xf32, #tpu.memory_space<vmem>> -> memref<1x128xf32, #tpu.memory_space<vmem>>
      %dma_start3A_364 = tpu.memref_squeeze %dma_start3A_363 : memref<1x128xf32, #tpu.memory_space<vmem>> -> memref<128xf32, #tpu.memory_space<vmem>>
      %dma_start3A_365 = arith.constant 0 : i32
      %dma_start3A_366 = tpu.memref_slice %arg6[%dma_start3A_361, %dma_start3A_365] : memref<8x128xi32, #tpu.memory_space<vmem>> -> memref<1x128xi32, #tpu.memory_space<vmem>>
      %dma_start3A_367 = tpu.memref_squeeze %dma_start3A_366 : memref<1x128xi32, #tpu.memory_space<vmem>> -> memref<128xi32, #tpu.memory_space<vmem>>
      %dma_start3A_368 = arith.constant 0 : i32
      %dma_start3A_369 = tpu.memref_slice %arg10[%dma_start3A_368] : memref<50176xf32, #tpu.memory_space<vmem_shared>> -> memref<50176xf32, #tpu.memory_space<vmem_shared>>
      tpu.enqueue_indirect_dma source(%dma_start3A_364 : memref<128xf32, #tpu.memory_space<vmem>>) target(%dma_start3A_369 : memref<50176xf32, #tpu.memory_space<vmem_shared>>) offsets(%dma_start3A_367 : memref<128xi32, #tpu.memory_space<vmem>>) semaphore(%arg13 : memref<!tpu.dma_semaphore, #tpu.memory_space<semaphore_mem>>) {add = true}
      %dma_wait3A_370 = arith.constant 0 : i32
      %dma_wait3A_371 = arith.constant 0 : i32
      %dma_wait3A_372 = tpu.memref_slice %arg3[%dma_wait3A_370, %dma_wait3A_371] : memref<12544x128xf32, #tpu.memory_space<hbm>> -> memref<8x128xf32, #tpu.memory_space<hbm>>
      %dma_wait3A_373 = arith.constant 0 : i32
      %dma_wait3A_374 = arith.constant 0 : i32
      %dma_wait3A_375 = tpu.memref_slice %arg3[%dma_wait3A_373, %dma_wait3A_374] : memref<12544x128xf32, #tpu.memory_space<hbm>> -> memref<8x128xf32, #tpu.memory_space<hbm>>
      tpu.wait_dma2 semaphore(%arg13 : memref<!tpu.dma_semaphore, #tpu.memory_space<semaphore_mem>>) src(%dma_wait3A_375 : memref<8x128xf32, #tpu.memory_space<hbm>>) dst(%arg8 : memref<8x128xf32, #tpu.memory_space<vmem>>)
    }
    %scan3A_54 = arith.constant 24 : i32
    %dma_wait3A = arith.constant 0 : i32
    %dma_wait3A_55 = arith.constant 0 : i32
    %dma_wait3A_56 = tpu.memref_slice %arg2[%dma_wait3A, %dma_wait3A_55] : memref<12544x128xi32, #tpu.memory_space<hbm>> -> memref<8x128xi32, #tpu.memory_space<hbm>>
    %dma_wait3A_57 = arith.constant 0 : i32
    %dma_wait3A_58 = arith.constant 0 : i32
    %dma_wait3A_59 = tpu.memref_slice %arg2[%dma_wait3A_57, %dma_wait3A_58] : memref<12544x128xi32, #tpu.memory_space<hbm>> -> memref<8x128xi32, #tpu.memory_space<hbm>>
    tpu.wait_dma2 semaphore(%arg11 : memref<!tpu.dma_semaphore, #tpu.memory_space<semaphore_mem>>) src(%dma_wait3A_59 : memref<8x128xi32, #tpu.memory_space<hbm>>) dst(%arg5 : memref<8x128xi32, #tpu.memory_space<vmem>>)
    %dma_wait3A_60 = arith.constant 0 : i32
    %dma_wait3A_61 = arith.constant 0 : i32
    %dma_wait3A_62 = tpu.memref_slice %arg3[%dma_wait3A_60, %dma_wait3A_61] : memref<12544x128xf32, #tpu.memory_space<hbm>> -> memref<8x128xf32, #tpu.memory_space<hbm>>
    %dma_wait3A_63 = arith.constant 0 : i32
    %dma_wait3A_64 = arith.constant 0 : i32
    %dma_wait3A_65 = tpu.memref_slice %arg3[%dma_wait3A_63, %dma_wait3A_64] : memref<12544x128xf32, #tpu.memory_space<hbm>> -> memref<8x128xf32, #tpu.memory_space<hbm>>
    tpu.wait_dma2 semaphore(%arg11 : memref<!tpu.dma_semaphore, #tpu.memory_space<semaphore_mem>>) src(%dma_wait3A_65 : memref<8x128xf32, #tpu.memory_space<hbm>>) dst(%arg7 : memref<8x128xf32, #tpu.memory_space<vmem>>)
    %dma_start3A_66 = arith.constant 0 : i32
    %dma_start3A_67 = arith.constant 0 : i32
    %dma_start3A_68 = arith.constant 0 : i32
    %dma_start3A_69 = tpu.memref_slice %arg7[%dma_start3A_66, %dma_start3A_68] : memref<8x128xf32, #tpu.memory_space<vmem>> -> memref<1x128xf32, #tpu.memory_space<vmem>>
    %dma_start3A_70 = tpu.memref_squeeze %dma_start3A_69 : memref<1x128xf32, #tpu.memory_space<vmem>> -> memref<128xf32, #tpu.memory_space<vmem>>
    %dma_start3A_71 = arith.constant 0 : i32
    %dma_start3A_72 = tpu.memref_slice %arg5[%dma_start3A_67, %dma_start3A_71] : memref<8x128xi32, #tpu.memory_space<vmem>> -> memref<1x128xi32, #tpu.memory_space<vmem>>
    %dma_start3A_73 = tpu.memref_squeeze %dma_start3A_72 : memref<1x128xi32, #tpu.memory_space<vmem>> -> memref<128xi32, #tpu.memory_space<vmem>>
    %dma_start3A_74 = arith.constant 0 : i32
    %dma_start3A_75 = tpu.memref_slice %arg10[%dma_start3A_74] : memref<50176xf32, #tpu.memory_space<vmem_shared>> -> memref<50176xf32, #tpu.memory_space<vmem_shared>>
    tpu.enqueue_indirect_dma source(%dma_start3A_70 : memref<128xf32, #tpu.memory_space<vmem>>) target(%dma_start3A_75 : memref<50176xf32, #tpu.memory_space<vmem_shared>>) offsets(%dma_start3A_73 : memref<128xi32, #tpu.memory_space<vmem>>) semaphore(%arg13 : memref<!tpu.dma_semaphore, #tpu.memory_space<semaphore_mem>>) {add = true}
    %dma_start3A_76 = arith.constant 1 : i32
    %dma_start3A_77 = arith.constant 1 : i32
    %dma_start3A_78 = arith.constant 0 : i32
    %dma_start3A_79 = tpu.memref_slice %arg7[%dma_start3A_76, %dma_start3A_78] : memref<8x128xf32, #tpu.memory_space<vmem>> -> memref<1x128xf32, #tpu.memory_space<vmem>>
    %dma_start3A_80 = tpu.memref_squeeze %dma_start3A_79 : memref<1x128xf32, #tpu.memory_space<vmem>> -> memref<128xf32, #tpu.memory_space<vmem>>
    %dma_start3A_81 = arith.constant 0 : i32
    %dma_start3A_82 = tpu.memref_slice %arg5[%dma_start3A_77, %dma_start3A_81] : memref<8x128xi32, #tpu.memory_space<vmem>> -> memref<1x128xi32, #tpu.memory_space<vmem>>
    %dma_start3A_83 = tpu.memref_squeeze %dma_start3A_82 : memref<1x128xi32, #tpu.memory_space<vmem>> -> memref<128xi32, #tpu.memory_space<vmem>>
    %dma_start3A_84 = arith.constant 0 : i32
    %dma_start3A_85 = tpu.memref_slice %arg10[%dma_start3A_84] : memref<50176xf32, #tpu.memory_space<vmem_shared>> -> memref<50176xf32, #tpu.memory_space<vmem_shared>>
    tpu.enqueue_indirect_dma source(%dma_start3A_80 : memref<128xf32, #tpu.memory_space<vmem>>) target(%dma_start3A_85 : memref<50176xf32, #tpu.memory_space<vmem_shared>>) offsets(%dma_start3A_83 : memref<128xi32, #tpu.memory_space<vmem>>) semaphore(%arg13 : memref<!tpu.dma_semaphore, #tpu.memory_space<semaphore_mem>>) {add = true}
    %dma_start3A_86 = arith.constant 2 : i32
    %dma_start3A_87 = arith.constant 2 : i32
    %dma_start3A_88 = arith.constant 0 : i32
    %dma_start3A_89 = tpu.memref_slice %arg7[%dma_start3A_86, %dma_start3A_88] : memref<8x128xf32, #tpu.memory_space<vmem>> -> memref<1x128xf32, #tpu.memory_space<vmem>>
    %dma_start3A_90 = tpu.memref_squeeze %dma_start3A_89 : memref<1x128xf32, #tpu.memory_space<vmem>> -> memref<128xf32, #tpu.memory_space<vmem>>
    %dma_start3A_91 = arith.constant 0 : i32
    %dma_start3A_92 = tpu.memref_slice %arg5[%dma_start3A_87, %dma_start3A_91] : memref<8x128xi32, #tpu.memory_space<vmem>> -> memref<1x128xi32, #tpu.memory_space<vmem>>
    %dma_start3A_93 = tpu.memref_squeeze %dma_start3A_92 : memref<1x128xi32, #tpu.memory_space<vmem>> -> memref<128xi32, #tpu.memory_space<vmem>>
    %dma_start3A_94 = arith.constant 0 : i32
    %dma_start3A_95 = tpu.memref_slice %arg10[%dma_start3A_94] : memref<50176xf32, #tpu.memory_space<vmem_shared>> -> memref<50176xf32, #tpu.memory_space<vmem_shared>>
    tpu.enqueue_indirect_dma source(%dma_start3A_90 : memref<128xf32, #tpu.memory_space<vmem>>) target(%dma_start3A_95 : memref<50176xf32, #tpu.memory_space<vmem_shared>>) offsets(%dma_start3A_93 : memref<128xi32, #tpu.memory_space<vmem>>) semaphore(%arg13 : memref<!tpu.dma_semaphore, #tpu.memory_space<semaphore_mem>>) {add = true}
    %dma_start3A_96 = arith.constant 3 : i32
    %dma_start3A_97 = arith.constant 3 : i32
    %dma_start3A_98 = arith.constant 0 : i32
    %dma_start3A_99 = tpu.memref_slice %arg7[%dma_start3A_96, %dma_start3A_98] : memref<8x128xf32, #tpu.memory_space<vmem>> -> memref<1x128xf32, #tpu.memory_space<vmem>>
    %dma_start3A_100 = tpu.memref_squeeze %dma_start3A_99 : memref<1x128xf32, #tpu.memory_space<vmem>> -> memref<128xf32, #tpu.memory_space<vmem>>
    %dma_start3A_101 = arith.constant 0 : i32
    %dma_start3A_102 = tpu.memref_slice %arg5[%dma_start3A_97, %dma_start3A_101] : memref<8x128xi32, #tpu.memory_space<vmem>> -> memref<1x128xi32, #tpu.memory_space<vmem>>
    %dma_start3A_103 = tpu.memref_squeeze %dma_start3A_102 : memref<1x128xi32, #tpu.memory_space<vmem>> -> memref<128xi32, #tpu.memory_space<vmem>>
    %dma_start3A_104 = arith.constant 0 : i32
    %dma_start3A_105 = tpu.memref_slice %arg10[%dma_start3A_104] : memref<50176xf32, #tpu.memory_space<vmem_shared>> -> memref<50176xf32, #tpu.memory_space<vmem_shared>>
    tpu.enqueue_indirect_dma source(%dma_start3A_100 : memref<128xf32, #tpu.memory_space<vmem>>) target(%dma_start3A_105 : memref<50176xf32, #tpu.memory_space<vmem_shared>>) offsets(%dma_start3A_103 : memref<128xi32, #tpu.memory_space<vmem>>) semaphore(%arg13 : memref<!tpu.dma_semaphore, #tpu.memory_space<semaphore_mem>>) {add = true}
    %dma_start3A_106 = arith.constant 4 : i32
    %dma_start3A_107 = arith.constant 4 : i32
    %dma_start3A_108 = arith.constant 0 : i32
    %dma_start3A_109 = tpu.memref_slice %arg7[%dma_start3A_106, %dma_start3A_108] : memref<8x128xf32, #tpu.memory_space<vmem>> -> memref<1x128xf32, #tpu.memory_space<vmem>>
    %dma_start3A_110 = tpu.memref_squeeze %dma_start3A_109 : memref<1x128xf32, #tpu.memory_space<vmem>> -> memref<128xf32, #tpu.memory_space<vmem>>
    %dma_start3A_111 = arith.constant 0 : i32
    %dma_start3A_112 = tpu.memref_slice %arg5[%dma_start3A_107, %dma_start3A_111] : memref<8x128xi32, #tpu.memory_space<vmem>> -> memref<1x128xi32, #tpu.memory_space<vmem>>
    %dma_start3A_113 = tpu.memref_squeeze %dma_start3A_112 : memref<1x128xi32, #tpu.memory_space<vmem>> -> memref<128xi32, #tpu.memory_space<vmem>>
    %dma_start3A_114 = arith.constant 0 : i32
    %dma_start3A_115 = tpu.memref_slice %arg10[%dma_start3A_114] : memref<50176xf32, #tpu.memory_space<vmem_shared>> -> memref<50176xf32, #tpu.memory_space<vmem_shared>>
    tpu.enqueue_indirect_dma source(%dma_start3A_110 : memref<128xf32, #tpu.memory_space<vmem>>) target(%dma_start3A_115 : memref<50176xf32, #tpu.memory_space<vmem_shared>>) offsets(%dma_start3A_113 : memref<128xi32, #tpu.memory_space<vmem>>) semaphore(%arg13 : memref<!tpu.dma_semaphore, #tpu.memory_space<semaphore_mem>>) {add = true}
    %dma_start3A_116 = arith.constant 5 : i32
    %dma_start3A_117 = arith.constant 5 : i32
    %dma_start3A_118 = arith.constant 0 : i32
    %dma_start3A_119 = tpu.memref_slice %arg7[%dma_start3A_116, %dma_start3A_118] : memref<8x128xf32, #tpu.memory_space<vmem>> -> memref<1x128xf32, #tpu.memory_space<vmem>>
    %dma_start3A_120 = tpu.memref_squeeze %dma_start3A_119 : memref<1x128xf32, #tpu.memory_space<vmem>> -> memref<128xf32, #tpu.memory_space<vmem>>
    %dma_start3A_121 = arith.constant 0 : i32
    %dma_start3A_122 = tpu.memref_slice %arg5[%dma_start3A_117, %dma_start3A_121] : memref<8x128xi32, #tpu.memory_space<vmem>> -> memref<1x128xi32, #tpu.memory_space<vmem>>
    %dma_start3A_123 = tpu.memref_squeeze %dma_start3A_122 : memref<1x128xi32, #tpu.memory_space<vmem>> -> memref<128xi32, #tpu.memory_space<vmem>>
    %dma_start3A_124 = arith.constant 0 : i32
    %dma_start3A_125 = tpu.memref_slice %arg10[%dma_start3A_124] : memref<50176xf32, #tpu.memory_space<vmem_shared>> -> memref<50176xf32, #tpu.memory_space<vmem_shared>>
    tpu.enqueue_indirect_dma source(%dma_start3A_120 : memref<128xf32, #tpu.memory_space<vmem>>) target(%dma_start3A_125 : memref<50176xf32, #tpu.memory_space<vmem_shared>>) offsets(%dma_start3A_123 : memref<128xi32, #tpu.memory_space<vmem>>) semaphore(%arg13 : memref<!tpu.dma_semaphore, #tpu.memory_space<semaphore_mem>>) {add = true}
    %dma_start3A_126 = arith.constant 6 : i32
    %dma_start3A_127 = arith.constant 6 : i32
    %dma_start3A_128 = arith.constant 0 : i32
    %dma_start3A_129 = tpu.memref_slice %arg7[%dma_start3A_126, %dma_start3A_128] : memref<8x128xf32, #tpu.memory_space<vmem>> -> memref<1x128xf32, #tpu.memory_space<vmem>>
    %dma_start3A_130 = tpu.memref_squeeze %dma_start3A_129 : memref<1x128xf32, #tpu.memory_space<vmem>> -> memref<128xf32, #tpu.memory_space<vmem>>
    %dma_start3A_131 = arith.constant 0 : i32
    %dma_start3A_132 = tpu.memref_slice %arg5[%dma_start3A_127, %dma_start3A_131] : memref<8x128xi32, #tpu.memory_space<vmem>> -> memref<1x128xi32, #tpu.memory_space<vmem>>
    %dma_start3A_133 = tpu.memref_squeeze %dma_start3A_132 : memref<1x128xi32, #tpu.memory_space<vmem>> -> memref<128xi32, #tpu.memory_space<vmem>>
    %dma_start3A_134 = arith.constant 0 : i32
    %dma_start3A_135 = tpu.memref_slice %arg10[%dma_start3A_134] : memref<50176xf32, #tpu.memory_space<vmem_shared>> -> memref<50176xf32, #tpu.memory_space<vmem_shared>>
    tpu.enqueue_indirect_dma source(%dma_start3A_130 : memref<128xf32, #tpu.memory_space<vmem>>) target(%dma_start3A_135 : memref<50176xf32, #tpu.memory_space<vmem_shared>>) offsets(%dma_start3A_133 : memref<128xi32, #tpu.memory_space<vmem>>) semaphore(%arg13 : memref<!tpu.dma_semaphore, #tpu.memory_space<semaphore_mem>>) {add = true}
    %dma_start3A_136 = arith.constant 7 : i32
    %dma_start3A_137 = arith.constant 7 : i32
    %dma_start3A_138 = arith.constant 0 : i32
    %dma_start3A_139 = tpu.memref_slice %arg7[%dma_start3A_136, %dma_start3A_138] : memref<8x128xf32, #tpu.memory_space<vmem>> -> memref<1x128xf32, #tpu.memory_space<vmem>>
    %dma_start3A_140 = tpu.memref_squeeze %dma_start3A_139 : memref<1x128xf32, #tpu.memory_space<vmem>> -> memref<128xf32, #tpu.memory_space<vmem>>
    %dma_start3A_141 = arith.constant 0 : i32
    %dma_start3A_142 = tpu.memref_slice %arg5[%dma_start3A_137, %dma_start3A_141] : memref<8x128xi32, #tpu.memory_space<vmem>> -> memref<1x128xi32, #tpu.memory_space<vmem>>
    %dma_start3A_143 = tpu.memref_squeeze %dma_start3A_142 : memref<1x128xi32, #tpu.memory_space<vmem>> -> memref<128xi32, #tpu.memory_space<vmem>>
    %dma_start3A_144 = arith.constant 0 : i32
    %dma_start3A_145 = tpu.memref_slice %arg10[%dma_start3A_144] : memref<50176xf32, #tpu.memory_space<vmem_shared>> -> memref<50176xf32, #tpu.memory_space<vmem_shared>>
    tpu.enqueue_indirect_dma source(%dma_start3A_140 : memref<128xf32, #tpu.memory_space<vmem>>) target(%dma_start3A_145 : memref<50176xf32, #tpu.memory_space<vmem_shared>>) offsets(%dma_start3A_143 : memref<128xi32, #tpu.memory_space<vmem>>) semaphore(%arg13 : memref<!tpu.dma_semaphore, #tpu.memory_space<semaphore_mem>>) {add = true}
    %dma_wait3A_146 = arith.constant 0 : i32
    %dma_wait3A_147 = arith.constant 0 : i32
    %dma_wait3A_148 = tpu.memref_slice %arg3[%dma_wait3A_146, %dma_wait3A_147] : memref<12544x128xf32, #tpu.memory_space<hbm>> -> memref<8x128xf32, #tpu.memory_space<hbm>>
    %dma_wait3A_149 = arith.constant 0 : i32
    %dma_wait3A_150 = arith.constant 0 : i32
    %dma_wait3A_151 = tpu.memref_slice %arg3[%dma_wait3A_149, %dma_wait3A_150] : memref<12544x128xf32, #tpu.memory_space<hbm>> -> memref<8x128xf32, #tpu.memory_space<hbm>>
    tpu.wait_dma2 semaphore(%arg13 : memref<!tpu.dma_semaphore, #tpu.memory_space<semaphore_mem>>) src(%dma_wait3A_151 : memref<8x128xf32, #tpu.memory_space<hbm>>) dst(%arg7 : memref<8x128xf32, #tpu.memory_space<vmem>>)
    %barrier3A_152 = arith.constant 0 : index
    tpu.barrier barrier_id(%barrier3A_152)
    %mul3A_153 = arith.constant 3136 : i32
    %mul3A_154 = arith.muli %arg1, %mul3A_153 : i32
    "tpu.region"() ({
      %run_scoped3A = tpu.sem_alloc : memref<!tpu.dma_semaphore, #tpu.memory_space<semaphore_mem>>
      %dma_start3A_160 = tpu.memref_slice %arg10[%mul3A_154] : memref<50176xf32, #tpu.memory_space<vmem_shared>> -> memref<3136xf32, #tpu.memory_space<vmem_shared>>
      %dma_start3A_161 = tpu.memref_slice %arg10[%mul3A_154] : memref<50176xf32, #tpu.memory_space<vmem_shared>> -> memref<3136xf32, #tpu.memory_space<vmem_shared>>
      tpu.enqueue_dma source(%dma_start3A_161 : memref<3136xf32, #tpu.memory_space<vmem_shared>>) target(%arg9 : memref<3136xf32, #tpu.memory_space<vmem>>) target_semaphore(%run_scoped3A : memref<!tpu.dma_semaphore, #tpu.memory_space<semaphore_mem>>)
      %dma_wait3A_162 = tpu.memref_slice %arg10[%mul3A_154] : memref<50176xf32, #tpu.memory_space<vmem_shared>> -> memref<3136xf32, #tpu.memory_space<vmem_shared>>
      %dma_wait3A_163 = tpu.memref_slice %arg10[%mul3A_154] : memref<50176xf32, #tpu.memory_space<vmem_shared>> -> memref<3136xf32, #tpu.memory_space<vmem_shared>>
      tpu.wait_dma2 semaphore(%run_scoped3A : memref<!tpu.dma_semaphore, #tpu.memory_space<semaphore_mem>>) src(%dma_wait3A_163 : memref<3136xf32, #tpu.memory_space<vmem_shared>>) dst(%arg9 : memref<3136xf32, #tpu.memory_space<vmem>>)
      tpu.yield
    }) : () -> ()
    %mul3A_155 = arith.constant 50176 : i32
    %mul3A_156 = arith.muli %arg0, %mul3A_155 : i32
    %mul3A_157 = arith.constant 3136 : i32
    %mul3A_158 = arith.muli %arg1, %mul3A_157 : i32
    %add3A_159 = arith.addi %mul3A_156, %mul3A_158 : i32
    "tpu.region"() ({
      %run_scoped3A = tpu.sem_alloc : memref<!tpu.dma_semaphore, #tpu.memory_space<semaphore_mem>>
      %dma_start3A_160 = tpu.memref_slice %arg4[%add3A_159] : memref<100352xf32, #tpu.memory_space<hbm>> -> memref<3136xf32, #tpu.memory_space<hbm>>
      %dma_start3A_161 = tpu.memref_slice %arg4[%add3A_159] : memref<100352xf32, #tpu.memory_space<hbm>> -> memref<3136xf32, #tpu.memory_space<hbm>>
      tpu.enqueue_dma source(%arg9 : memref<3136xf32, #tpu.memory_space<vmem>>) target(%dma_start3A_161 : memref<3136xf32, #tpu.memory_space<hbm>>) target_semaphore(%run_scoped3A : memref<!tpu.dma_semaphore, #tpu.memory_space<semaphore_mem>>)
      %dma_wait3A_162 = tpu.memref_slice %arg4[%add3A_159] : memref<100352xf32, #tpu.memory_space<hbm>> -> memref<3136xf32, #tpu.memory_space<hbm>>
      %dma_wait3A_163 = tpu.memref_slice %arg4[%add3A_159] : memref<100352xf32, #tpu.memory_space<hbm>> -> memref<3136xf32, #tpu.memory_space<hbm>>
      tpu.wait_dma2 semaphore(%run_scoped3A : memref<!tpu.dma_semaphore, #tpu.memory_space<semaphore_mem>>) src(%arg9 : memref<3136xf32, #tpu.memory_space<vmem>>) dst(%dma_wait3A_163 : memref<3136xf32, #tpu.memory_space<hbm>>)
      tpu.yield
    }) : () -> ()
    return
  }
}

#map = affine_map<(d0, d1) -> (0)>
module attributes {stable_mosaic.version = 14 : i64} {
  func.func @_agg_kernel(%arg0: i32, %arg1: i32, %arg2: memref<802816xf32, #tpu.memory_space<hbm>>, %arg3: memref<1600000xi32, #tpu.memory_space<hbm>>, %arg4: memref<1600000xf32, #tpu.memory_space<hbm>>, %arg5: memref<1605632xf32, #tpu.memory_space<hbm>>, %arg6: memref<50176xf32, #tpu.memory_space<vmem>>, %arg7: memref<50176xf32, #tpu.memory_space<vmem>>, %arg8: memref<4096xi32, #tpu.memory_space<vmem>>, %arg9: memref<4096xi32, #tpu.memory_space<vmem>>, %arg10: memref<4096xf32, #tpu.memory_space<vmem>>, %arg11: memref<4096xf32, #tpu.memory_space<vmem>>, %arg12: memref<!tpu.dma_semaphore, #tpu.memory_space<semaphore_mem>>, %arg13: memref<!tpu.dma_semaphore, #tpu.memory_space<semaphore_mem>>) attributes {dimension_semantics = [#tpu.dimension_semantics<core_parallel>, #tpu.dimension_semantics<subcore_parallel>], iteration_bounds = array<i64: 2, 16>, scalar_prefetch = 0 : i64, scratch_operands = 8 : i64, tpu.core_type = #tpu.core_type<sc_vector_subcore>, window_params = [{transform_indices = #map}, {transform_indices = #map}, {transform_indices = #map}, {transform_indices = #map}]} {
    %mul3A = arith.constant 50176 : i32
    %mul3A_0 = arith.muli %arg1, %mul3A : i32
    "tpu.region"() ({
      %run_scoped3A = tpu.sem_alloc : memref<!tpu.dma_semaphore, #tpu.memory_space<semaphore_mem>>
      %dma_start3A_85 = tpu.memref_slice %arg2[%mul3A_0] : memref<802816xf32, #tpu.memory_space<hbm>> -> memref<50176xf32, #tpu.memory_space<hbm>>
      %dma_start3A_86 = tpu.memref_slice %arg2[%mul3A_0] : memref<802816xf32, #tpu.memory_space<hbm>> -> memref<50176xf32, #tpu.memory_space<hbm>>
      tpu.enqueue_dma source(%dma_start3A_86 : memref<50176xf32, #tpu.memory_space<hbm>>) target(%arg6 : memref<50176xf32, #tpu.memory_space<vmem>>) target_semaphore(%run_scoped3A : memref<!tpu.dma_semaphore, #tpu.memory_space<semaphore_mem>>)
      %dma_wait3A_87 = tpu.memref_slice %arg2[%mul3A_0] : memref<802816xf32, #tpu.memory_space<hbm>> -> memref<50176xf32, #tpu.memory_space<hbm>>
      %dma_wait3A_88 = tpu.memref_slice %arg2[%mul3A_0] : memref<802816xf32, #tpu.memory_space<hbm>> -> memref<50176xf32, #tpu.memory_space<hbm>>
      tpu.wait_dma2 semaphore(%run_scoped3A : memref<!tpu.dma_semaphore, #tpu.memory_space<semaphore_mem>>) src(%dma_wait3A_88 : memref<50176xf32, #tpu.memory_space<hbm>>) dst(%arg6 : memref<50176xf32, #tpu.memory_space<vmem>>)
      tpu.yield
    }) : () -> ()
    %scan3A = arith.constant 0 : i32
    %scan3A_1 = arith.constant 0 : i32
    %scan3A_2 = arith.constant 3136 : i32
    %scan3A_3 = arith.addi %scan3A_1, %scan3A_2 : i32
    %scan3A_4 = arith.constant 8 : i32
    scf.for %scan3A_85 = %scan3A_1 to %scan3A_3 step %scan3A_4  : i32 {
      %broadcast_in_dim3A = arith.constant 0.000000e+00 : f32
      %broadcast_in_dim3A_86 = vector.broadcast %broadcast_in_dim3A : f32 to vector<16xf32>
      %mul3A_87 = arith.constant 16 : i32
      %mul3A_88 = arith.muli %scan3A_85, %mul3A_87 : i32
      %swap3A = arith.index_cast %mul3A_88 : i32 to index
      %swap3A_89 = tpu.vector_load %arg7[%swap3A] {strides = array<i32>} : memref<50176xf32, #tpu.memory_space<vmem>>, vector<16xf32>,
      tpu.vector_store %arg7[%swap3A], %broadcast_in_dim3A_86 {strides = array<i32>} : memref<50176xf32, #tpu.memory_space<vmem>>, vector<16xf32>,
      %scan3A_90 = arith.constant 1 : i32
      %scan3A_91 = arith.addi %scan3A_85, %scan3A_90 : i32
      %broadcast_in_dim3A_92 = arith.constant 0.000000e+00 : f32
      %broadcast_in_dim3A_93 = vector.broadcast %broadcast_in_dim3A_92 : f32 to vector<16xf32>
      %mul3A_94 = arith.constant 16 : i32
      %mul3A_95 = arith.muli %scan3A_91, %mul3A_94 : i32
      %swap3A_96 = arith.index_cast %mul3A_95 : i32 to index
      %swap3A_97 = tpu.vector_load %arg7[%swap3A_96] {strides = array<i32>} : memref<50176xf32, #tpu.memory_space<vmem>>, vector<16xf32>,
      tpu.vector_store %arg7[%swap3A_96], %broadcast_in_dim3A_93 {strides = array<i32>} : memref<50176xf32, #tpu.memory_space<vmem>>, vector<16xf32>,
      %scan3A_98 = arith.constant 2 : i32
      %scan3A_99 = arith.addi %scan3A_85, %scan3A_98 : i32
      %broadcast_in_dim3A_100 = arith.constant 0.000000e+00 : f32
      %broadcast_in_dim3A_101 = vector.broadcast %broadcast_in_dim3A_100 : f32 to vector<16xf32>
      %mul3A_102 = arith.constant 16 : i32
      %mul3A_103 = arith.muli %scan3A_99, %mul3A_102 : i32
      %swap3A_104 = arith.index_cast %mul3A_103 : i32 to index
      %swap3A_105 = tpu.vector_load %arg7[%swap3A_104] {strides = array<i32>} : memref<50176xf32, #tpu.memory_space<vmem>>, vector<16xf32>,
      tpu.vector_store %arg7[%swap3A_104], %broadcast_in_dim3A_101 {strides = array<i32>} : memref<50176xf32, #tpu.memory_space<vmem>>, vector<16xf32>,
      %scan3A_106 = arith.constant 3 : i32
      %scan3A_107 = arith.addi %scan3A_85, %scan3A_106 : i32
      %broadcast_in_dim3A_108 = arith.constant 0.000000e+00 : f32
      %broadcast_in_dim3A_109 = vector.broadcast %broadcast_in_dim3A_108 : f32 to vector<16xf32>
      %mul3A_110 = arith.constant 16 : i32
      %mul3A_111 = arith.muli %scan3A_107, %mul3A_110 : i32
      %swap3A_112 = arith.index_cast %mul3A_111 : i32 to index
      %swap3A_113 = tpu.vector_load %arg7[%swap3A_112] {strides = array<i32>} : memref<50176xf32, #tpu.memory_space<vmem>>, vector<16xf32>,
      tpu.vector_store %arg7[%swap3A_112], %broadcast_in_dim3A_109 {strides = array<i32>} : memref<50176xf32, #tpu.memory_space<vmem>>, vector<16xf32>,
      %scan3A_114 = arith.constant 4 : i32
      %scan3A_115 = arith.addi %scan3A_85, %scan3A_114 : i32
      %broadcast_in_dim3A_116 = arith.constant 0.000000e+00 : f32
      %broadcast_in_dim3A_117 = vector.broadcast %broadcast_in_dim3A_116 : f32 to vector<16xf32>
      %mul3A_118 = arith.constant 16 : i32
      %mul3A_119 = arith.muli %scan3A_115, %mul3A_118 : i32
      %swap3A_120 = arith.index_cast %mul3A_119 : i32 to index
      %swap3A_121 = tpu.vector_load %arg7[%swap3A_120] {strides = array<i32>} : memref<50176xf32, #tpu.memory_space<vmem>>, vector<16xf32>,
      tpu.vector_store %arg7[%swap3A_120], %broadcast_in_dim3A_117 {strides = array<i32>} : memref<50176xf32, #tpu.memory_space<vmem>>, vector<16xf32>,
      %scan3A_122 = arith.constant 5 : i32
      %scan3A_123 = arith.addi %scan3A_85, %scan3A_122 : i32
      %broadcast_in_dim3A_124 = arith.constant 0.000000e+00 : f32
      %broadcast_in_dim3A_125 = vector.broadcast %broadcast_in_dim3A_124 : f32 to vector<16xf32>
      %mul3A_126 = arith.constant 16 : i32
      %mul3A_127 = arith.muli %scan3A_123, %mul3A_126 : i32
      %swap3A_128 = arith.index_cast %mul3A_127 : i32 to index
      %swap3A_129 = tpu.vector_load %arg7[%swap3A_128] {strides = array<i32>} : memref<50176xf32, #tpu.memory_space<vmem>>, vector<16xf32>,
      tpu.vector_store %arg7[%swap3A_128], %broadcast_in_dim3A_125 {strides = array<i32>} : memref<50176xf32, #tpu.memory_space<vmem>>, vector<16xf32>,
      %scan3A_130 = arith.constant 6 : i32
      %scan3A_131 = arith.addi %scan3A_85, %scan3A_130 : i32
      %broadcast_in_dim3A_132 = arith.constant 0.000000e+00 : f32
      %broadcast_in_dim3A_133 = vector.broadcast %broadcast_in_dim3A_132 : f32 to vector<16xf32>
      %mul3A_134 = arith.constant 16 : i32
      %mul3A_135 = arith.muli %scan3A_131, %mul3A_134 : i32
      %swap3A_136 = arith.index_cast %mul3A_135 : i32 to index
      %swap3A_137 = tpu.vector_load %arg7[%swap3A_136] {strides = array<i32>} : memref<50176xf32, #tpu.memory_space<vmem>>, vector<16xf32>,
      tpu.vector_store %arg7[%swap3A_136], %broadcast_in_dim3A_133 {strides = array<i32>} : memref<50176xf32, #tpu.memory_space<vmem>>, vector<16xf32>,
      %scan3A_138 = arith.constant 7 : i32
      %scan3A_139 = arith.addi %scan3A_85, %scan3A_138 : i32
      %broadcast_in_dim3A_140 = arith.constant 0.000000e+00 : f32
      %broadcast_in_dim3A_141 = vector.broadcast %broadcast_in_dim3A_140 : f32 to vector<16xf32>
      %mul3A_142 = arith.constant 16 : i32
      %mul3A_143 = arith.muli %scan3A_139, %mul3A_142 : i32
      %swap3A_144 = arith.index_cast %mul3A_143 : i32 to index
      %swap3A_145 = tpu.vector_load %arg7[%swap3A_144] {strides = array<i32>} : memref<50176xf32, #tpu.memory_space<vmem>>, vector<16xf32>,
      tpu.vector_store %arg7[%swap3A_144], %broadcast_in_dim3A_141 {strides = array<i32>} : memref<50176xf32, #tpu.memory_space<vmem>>, vector<16xf32>,
    }
    %scan3A_5 = arith.constant 3136 : i32
    %mul3A_6 = arith.constant 800000 : i32
    %mul3A_7 = arith.muli %arg0, %mul3A_6 : i32
    %add3A = arith.constant 0 : i32
    %add3A_8 = arith.addi %mul3A_7, %add3A : i32
    %dma_start3A = arith.constant 0 : i32
    %dma_start3A_9 = tpu.memref_slice %arg8[%dma_start3A] : memref<4096xi32, #tpu.memory_space<vmem>> -> memref<4096xi32, #tpu.memory_space<vmem>>
    %dma_start3A_10 = tpu.memref_slice %arg3[%add3A_8] : memref<1600000xi32, #tpu.memory_space<hbm>> -> memref<4096xi32, #tpu.memory_space<hbm>>
    %dma_start3A_11 = arith.constant 0 : i32
    %dma_start3A_12 = tpu.memref_slice %arg8[%dma_start3A_11] : memref<4096xi32, #tpu.memory_space<vmem>> -> memref<4096xi32, #tpu.memory_space<vmem>>
    %dma_start3A_13 = tpu.memref_slice %arg3[%add3A_8] : memref<1600000xi32, #tpu.memory_space<hbm>> -> memref<4096xi32, #tpu.memory_space<hbm>>
    tpu.enqueue_dma source(%dma_start3A_13 : memref<4096xi32, #tpu.memory_space<hbm>>) target(%dma_start3A_12 : memref<4096xi32, #tpu.memory_space<vmem>>) target_semaphore(%arg12 : memref<!tpu.dma_semaphore, #tpu.memory_space<semaphore_mem>>)
    %add3A_14 = arith.constant 0 : i32
    %add3A_15 = arith.addi %mul3A_7, %add3A_14 : i32
    %dma_start3A_16 = arith.constant 0 : i32
    %dma_start3A_17 = tpu.memref_slice %arg10[%dma_start3A_16] : memref<4096xf32, #tpu.memory_space<vmem>> -> memref<4096xf32, #tpu.memory_space<vmem>>
    %dma_start3A_18 = tpu.memref_slice %arg4[%add3A_15] : memref<1600000xf32, #tpu.memory_space<hbm>> -> memref<4096xf32, #tpu.memory_space<hbm>>
    %dma_start3A_19 = arith.constant 0 : i32
    %dma_start3A_20 = tpu.memref_slice %arg10[%dma_start3A_19] : memref<4096xf32, #tpu.memory_space<vmem>> -> memref<4096xf32, #tpu.memory_space<vmem>>
    %dma_start3A_21 = tpu.memref_slice %arg4[%add3A_15] : memref<1600000xf32, #tpu.memory_space<hbm>> -> memref<4096xf32, #tpu.memory_space<hbm>>
    tpu.enqueue_dma source(%dma_start3A_21 : memref<4096xf32, #tpu.memory_space<hbm>>) target(%dma_start3A_20 : memref<4096xf32, #tpu.memory_space<vmem>>) target_semaphore(%arg12 : memref<!tpu.dma_semaphore, #tpu.memory_space<semaphore_mem>>)
    %scan3A_22 = arith.constant 0 : i32
    %scan3A_23 = arith.constant 0 : i32
    %scan3A_24 = arith.constant 97 : i32
    %scan3A_25 = arith.addi %scan3A_23, %scan3A_24 : i32
    %scan3A_26 = arith.constant 1 : i32
    scf.for %scan3A_85 = %scan3A_23 to %scan3A_25 step %scan3A_26  : i32 {
      %mul3A_86 = arith.constant 2 : i32
      %mul3A_87 = arith.muli %scan3A_85, %mul3A_86 : i32
      %add3A_88 = arith.constant 0 : i32
      %add3A_89 = arith.addi %mul3A_87, %add3A_88 : i32
      %add3A_90 = arith.constant 1 : i32
      %add3A_91 = arith.addi %add3A_89, %add3A_90 : i32
      %lt3A = arith.constant 195 : i32
      %lt3A_92 = arith.cmpi slt, %add3A_91, %lt3A : i32
      %convert_element_type3A = arith.extui %lt3A_92 : i1 to i32
      %cond3A = arith.constant 0 : i32
      %cond3A_93 = arith.cmpi ne, %convert_element_type3A, %cond3A : i32
      scf.if %cond3A_93 {
        %add3A_143 = arith.constant 1 : i32
        %add3A_144 = arith.addi %add3A_89, %add3A_143 : i32
        %mul3A_145 = arith.constant 4096 : i32
        %mul3A_146 = arith.muli %add3A_144, %mul3A_145 : i32
        %add3A_147 = arith.addi %mul3A_7, %mul3A_146 : i32
        %dma_start3A_148 = arith.constant 0 : i32
        %dma_start3A_149 = tpu.memref_slice %arg9[%dma_start3A_148] : memref<4096xi32, #tpu.memory_space<vmem>> -> memref<4096xi32, #tpu.memory_space<vmem>>
        %dma_start3A_150 = tpu.memref_slice %arg3[%add3A_147] : memref<1600000xi32, #tpu.memory_space<hbm>> -> memref<4096xi32, #tpu.memory_space<hbm>>
        %dma_start3A_151 = arith.constant 0 : i32
        %dma_start3A_152 = tpu.memref_slice %arg9[%dma_start3A_151] : memref<4096xi32, #tpu.memory_space<vmem>> -> memref<4096xi32, #tpu.memory_space<vmem>>
        %dma_start3A_153 = tpu.memref_slice %arg3[%add3A_147] : memref<1600000xi32, #tpu.memory_space<hbm>> -> memref<4096xi32, #tpu.memory_space<hbm>>
        tpu.enqueue_dma source(%dma_start3A_153 : memref<4096xi32, #tpu.memory_space<hbm>>) target(%dma_start3A_152 : memref<4096xi32, #tpu.memory_space<vmem>>) target_semaphore(%arg13 : memref<!tpu.dma_semaphore, #tpu.memory_space<semaphore_mem>>)
        %mul3A_154 = arith.constant 4096 : i32
        %mul3A_155 = arith.muli %add3A_144, %mul3A_154 : i32
        %add3A_156 = arith.addi %mul3A_7, %mul3A_155 : i32
        %dma_start3A_157 = arith.constant 0 : i32
        %dma_start3A_158 = tpu.memref_slice %arg11[%dma_start3A_157] : memref<4096xf32, #tpu.memory_space<vmem>> -> memref<4096xf32, #tpu.memory_space<vmem>>
        %dma_start3A_159 = tpu.memref_slice %arg4[%add3A_156] : memref<1600000xf32, #tpu.memory_space<hbm>> -> memref<4096xf32, #tpu.memory_space<hbm>>
        %dma_start3A_160 = arith.constant 0 : i32
        %dma_start3A_161 = tpu.memref_slice %arg11[%dma_start3A_160] : memref<4096xf32, #tpu.memory_space<vmem>> -> memref<4096xf32, #tpu.memory_space<vmem>>
        %dma_start3A_162 = tpu.memref_slice %arg4[%add3A_156] : memref<1600000xf32, #tpu.memory_space<hbm>> -> memref<4096xf32, #tpu.memory_space<hbm>>
        tpu.enqueue_dma source(%dma_start3A_162 : memref<4096xf32, #tpu.memory_space<hbm>>) target(%dma_start3A_161 : memref<4096xf32, #tpu.memory_space<vmem>>) target_semaphore(%arg13 : memref<!tpu.dma_semaphore, #tpu.memory_space<semaphore_mem>>)
      } else {
      }
      %dma_wait3A_94 = arith.constant 0 : i32
      %dma_wait3A_95 = tpu.memref_slice %arg8[%dma_wait3A_94] : memref<4096xi32, #tpu.memory_space<vmem>> -> memref<4096xi32, #tpu.memory_space<vmem>>
      %dma_wait3A_96 = arith.constant 0 : i32
      %dma_wait3A_97 = tpu.memref_slice %arg3[%dma_wait3A_96] : memref<1600000xi32, #tpu.memory_space<hbm>> -> memref<4096xi32, #tpu.memory_space<hbm>>
      %dma_wait3A_98 = arith.constant 0 : i32
      %dma_wait3A_99 = tpu.memref_slice %arg8[%dma_wait3A_98] : memref<4096xi32, #tpu.memory_space<vmem>> -> memref<4096xi32, #tpu.memory_space<vmem>>
      %dma_wait3A_100 = arith.constant 0 : i32
      %dma_wait3A_101 = tpu.memref_slice %arg3[%dma_wait3A_100] : memref<1600000xi32, #tpu.memory_space<hbm>> -> memref<4096xi32, #tpu.memory_space<hbm>>
      tpu.wait_dma2 semaphore(%arg12 : memref<!tpu.dma_semaphore, #tpu.memory_space<semaphore_mem>>) src(%dma_wait3A_101 : memref<4096xi32, #tpu.memory_space<hbm>>) dst(%dma_wait3A_99 : memref<4096xi32, #tpu.memory_space<vmem>>)
      %dma_wait3A_102 = arith.constant 0 : i32
      %dma_wait3A_103 = tpu.memref_slice %arg10[%dma_wait3A_102] : memref<4096xf32, #tpu.memory_space<vmem>> -> memref<4096xf32, #tpu.memory_space<vmem>>
      %dma_wait3A_104 = arith.constant 0 : i32
      %dma_wait3A_105 = tpu.memref_slice %arg4[%dma_wait3A_104] : memref<1600000xf32, #tpu.memory_space<hbm>> -> memref<4096xf32, #tpu.memory_space<hbm>>
      %dma_wait3A_106 = arith.constant 0 : i32
      %dma_wait3A_107 = tpu.memref_slice %arg10[%dma_wait3A_106] : memref<4096xf32, #tpu.memory_space<vmem>> -> memref<4096xf32, #tpu.memory_space<vmem>>
      %dma_wait3A_108 = arith.constant 0 : i32
      %dma_wait3A_109 = tpu.memref_slice %arg4[%dma_wait3A_108] : memref<1600000xf32, #tpu.memory_space<hbm>> -> memref<4096xf32, #tpu.memory_space<hbm>>
      tpu.wait_dma2 semaphore(%arg12 : memref<!tpu.dma_semaphore, #tpu.memory_space<semaphore_mem>>) src(%dma_wait3A_109 : memref<4096xf32, #tpu.memory_space<hbm>>) dst(%dma_wait3A_107 : memref<4096xf32, #tpu.memory_space<vmem>>)
      %parallel_loop3A_110 = arith.constant 0 : i32
      %parallel_loop3A_111 = arith.constant 4096 : i32
      %parallel_loop3A_112 = arith.constant 16 : i32
      scf.for %parallel_loop3A_143 = %parallel_loop3A_110 to %parallel_loop3A_111 step %parallel_loop3A_112  : i32 {
        %parallel_loop3A_144 = arith.index_cast %parallel_loop3A_143 : i32 to index
        %parallel_loop3A_145 = tpu.vector_load %arg8[%parallel_loop3A_144] {strides = array<i32>} : memref<4096xi32, #tpu.memory_space<vmem>>, vector<16xi32>,
        %parallel_loop3A_146 = arith.constant 65535 : i32
        %parallel_loop3A_147 = vector.broadcast %parallel_loop3A_146 : i32 to vector<16xi32>
        %parallel_loop3A_148 = arith.andi %parallel_loop3A_145, %parallel_loop3A_147 : vector<16xi32>
        %parallel_loop3A_149 = arith.constant 16 : i32
        %parallel_loop3A_150 = vector.broadcast %parallel_loop3A_149 : i32 to vector<16xi32>
        %parallel_loop3A_151 = arith.shrui %parallel_loop3A_145, %parallel_loop3A_150 : vector<16xi32>
        %parallel_loop3A_152 = arith.index_cast %parallel_loop3A_143 : i32 to index
        %parallel_loop3A_153 = tpu.vector_load %arg10[%parallel_loop3A_152] {strides = array<i32>} : memref<4096xf32, #tpu.memory_space<vmem>>, vector<16xf32>,
        %parallel_loop3A_154 = tpu.vector_load_idx %arg6[%parallel_loop3A_148] : memref<50176xf32, #tpu.memory_space<vmem>>[vector<16xi32>], vector<16xf32>,
        %parallel_loop3A_155 = arith.mulf %parallel_loop3A_154, %parallel_loop3A_153 : vector<16xf32>
        tpu.vector_store_idx %arg7[%parallel_loop3A_151], %parallel_loop3A_155 {add = true} : memref<50176xf32, #tpu.memory_space<vmem>>[vector<16xi32>], vector<16xf32>,
      } {sc.loop_unroll_factor = 8 : i64, sc.parallel_access}
      %mul3A_113 = arith.constant 2 : i32
      %mul3A_114 = arith.muli %scan3A_85, %mul3A_113 : i32
      %add3A_115 = arith.constant 1 : i32
      %add3A_116 = arith.addi %mul3A_114, %add3A_115 : i32
      %add3A_117 = arith.constant 1 : i32
      %add3A_118 = arith.addi %add3A_116, %add3A_117 : i32
      %lt3A_119 = arith.constant 195 : i32
      %lt3A_120 = arith.cmpi slt, %add3A_118, %lt3A_119 : i32
      %convert_element_type3A_121 = arith.extui %lt3A_120 : i1 to i32
      %cond3A_122 = arith.constant 0 : i32
      %cond3A_123 = arith.cmpi ne, %convert_element_type3A_121, %cond3A_122 : i32
      scf.if %cond3A_123 {
        %add3A_143 = arith.constant 1 : i32
        %add3A_144 = arith.addi %add3A_116, %add3A_143 : i32
        %mul3A_145 = arith.constant 4096 : i32
        %mul3A_146 = arith.muli %add3A_144, %mul3A_145 : i32
        %add3A_147 = arith.addi %mul3A_7, %mul3A_146 : i32
        %dma_start3A_148 = arith.constant 0 : i32
        %dma_start3A_149 = tpu.memref_slice %arg8[%dma_start3A_148] : memref<4096xi32, #tpu.memory_space<vmem>> -> memref<4096xi32, #tpu.memory_space<vmem>>
        %dma_start3A_150 = tpu.memref_slice %arg3[%add3A_147] : memref<1600000xi32, #tpu.memory_space<hbm>> -> memref<4096xi32, #tpu.memory_space<hbm>>
        %dma_start3A_151 = arith.constant 0 : i32
        %dma_start3A_152 = tpu.memref_slice %arg8[%dma_start3A_151] : memref<4096xi32, #tpu.memory_space<vmem>> -> memref<4096xi32, #tpu.memory_space<vmem>>
        %dma_start3A_153 = tpu.memref_slice %arg3[%add3A_147] : memref<1600000xi32, #tpu.memory_space<hbm>> -> memref<4096xi32, #tpu.memory_space<hbm>>
        tpu.enqueue_dma source(%dma_start3A_153 : memref<4096xi32, #tpu.memory_space<hbm>>) target(%dma_start3A_152 : memref<4096xi32, #tpu.memory_space<vmem>>) target_semaphore(%arg12 : memref<!tpu.dma_semaphore, #tpu.memory_space<semaphore_mem>>)
        %mul3A_154 = arith.constant 4096 : i32
        %mul3A_155 = arith.muli %add3A_144, %mul3A_154 : i32
        %add3A_156 = arith.addi %mul3A_7, %mul3A_155 : i32
        %dma_start3A_157 = arith.constant 0 : i32
        %dma_start3A_158 = tpu.memref_slice %arg10[%dma_start3A_157] : memref<4096xf32, #tpu.memory_space<vmem>> -> memref<4096xf32, #tpu.memory_space<vmem>>
        %dma_start3A_159 = tpu.memref_slice %arg4[%add3A_156] : memref<1600000xf32, #tpu.memory_space<hbm>> -> memref<4096xf32, #tpu.memory_space<hbm>>
        %dma_start3A_160 = arith.constant 0 : i32
        %dma_start3A_161 = tpu.memref_slice %arg10[%dma_start3A_160] : memref<4096xf32, #tpu.memory_space<vmem>> -> memref<4096xf32, #tpu.memory_space<vmem>>
        %dma_start3A_162 = tpu.memref_slice %arg4[%add3A_156] : memref<1600000xf32, #tpu.memory_space<hbm>> -> memref<4096xf32, #tpu.memory_space<hbm>>
        tpu.enqueue_dma source(%dma_start3A_162 : memref<4096xf32, #tpu.memory_space<hbm>>) target(%dma_start3A_161 : memref<4096xf32, #tpu.memory_space<vmem>>) target_semaphore(%arg12 : memref<!tpu.dma_semaphore, #tpu.memory_space<semaphore_mem>>)
      } else {
      }
      %dma_wait3A_124 = arith.constant 0 : i32
      %dma_wait3A_125 = tpu.memref_slice %arg9[%dma_wait3A_124] : memref<4096xi32, #tpu.memory_space<vmem>> -> memref<4096xi32, #tpu.memory_space<vmem>>
      %dma_wait3A_126 = arith.constant 0 : i32
      %dma_wait3A_127 = tpu.memref_slice %arg3[%dma_wait3A_126] : memref<1600000xi32, #tpu.memory_space<hbm>> -> memref<4096xi32, #tpu.memory_space<hbm>>
      %dma_wait3A_128 = arith.constant 0 : i32
      %dma_wait3A_129 = tpu.memref_slice %arg9[%dma_wait3A_128] : memref<4096xi32, #tpu.memory_space<vmem>> -> memref<4096xi32, #tpu.memory_space<vmem>>
      %dma_wait3A_130 = arith.constant 0 : i32
      %dma_wait3A_131 = tpu.memref_slice %arg3[%dma_wait3A_130] : memref<1600000xi32, #tpu.memory_space<hbm>> -> memref<4096xi32, #tpu.memory_space<hbm>>
      tpu.wait_dma2 semaphore(%arg13 : memref<!tpu.dma_semaphore, #tpu.memory_space<semaphore_mem>>) src(%dma_wait3A_131 : memref<4096xi32, #tpu.memory_space<hbm>>) dst(%dma_wait3A_129 : memref<4096xi32, #tpu.memory_space<vmem>>)
      %dma_wait3A_132 = arith.constant 0 : i32
      %dma_wait3A_133 = tpu.memref_slice %arg11[%dma_wait3A_132] : memref<4096xf32, #tpu.memory_space<vmem>> -> memref<4096xf32, #tpu.memory_space<vmem>>
      %dma_wait3A_134 = arith.constant 0 : i32
      %dma_wait3A_135 = tpu.memref_slice %arg4[%dma_wait3A_134] : memref<1600000xf32, #tpu.memory_space<hbm>> -> memref<4096xf32, #tpu.memory_space<hbm>>
      %dma_wait3A_136 = arith.constant 0 : i32
      %dma_wait3A_137 = tpu.memref_slice %arg11[%dma_wait3A_136] : memref<4096xf32, #tpu.memory_space<vmem>> -> memref<4096xf32, #tpu.memory_space<vmem>>
      %dma_wait3A_138 = arith.constant 0 : i32
      %dma_wait3A_139 = tpu.memref_slice %arg4[%dma_wait3A_138] : memref<1600000xf32, #tpu.memory_space<hbm>> -> memref<4096xf32, #tpu.memory_space<hbm>>
      tpu.wait_dma2 semaphore(%arg13 : memref<!tpu.dma_semaphore, #tpu.memory_space<semaphore_mem>>) src(%dma_wait3A_139 : memref<4096xf32, #tpu.memory_space<hbm>>) dst(%dma_wait3A_137 : memref<4096xf32, #tpu.memory_space<vmem>>)
      %parallel_loop3A_140 = arith.constant 0 : i32
      %parallel_loop3A_141 = arith.constant 4096 : i32
      %parallel_loop3A_142 = arith.constant 16 : i32
      scf.for %parallel_loop3A_143 = %parallel_loop3A_140 to %parallel_loop3A_141 step %parallel_loop3A_142  : i32 {
        %parallel_loop3A_144 = arith.index_cast %parallel_loop3A_143 : i32 to index
        %parallel_loop3A_145 = tpu.vector_load %arg9[%parallel_loop3A_144] {strides = array<i32>} : memref<4096xi32, #tpu.memory_space<vmem>>, vector<16xi32>,
        %parallel_loop3A_146 = arith.constant 65535 : i32
        %parallel_loop3A_147 = vector.broadcast %parallel_loop3A_146 : i32 to vector<16xi32>
        %parallel_loop3A_148 = arith.andi %parallel_loop3A_145, %parallel_loop3A_147 : vector<16xi32>
        %parallel_loop3A_149 = arith.constant 16 : i32
        %parallel_loop3A_150 = vector.broadcast %parallel_loop3A_149 : i32 to vector<16xi32>
        %parallel_loop3A_151 = arith.shrui %parallel_loop3A_145, %parallel_loop3A_150 : vector<16xi32>
        %parallel_loop3A_152 = arith.index_cast %parallel_loop3A_143 : i32 to index
        %parallel_loop3A_153 = tpu.vector_load %arg11[%parallel_loop3A_152] {strides = array<i32>} : memref<4096xf32, #tpu.memory_space<vmem>>, vector<16xf32>,
        %parallel_loop3A_154 = tpu.vector_load_idx %arg6[%parallel_loop3A_148] : memref<50176xf32, #tpu.memory_space<vmem>>[vector<16xi32>], vector<16xf32>,
        %parallel_loop3A_155 = arith.mulf %parallel_loop3A_154, %parallel_loop3A_153 : vector<16xf32>
        tpu.vector_store_idx %arg7[%parallel_loop3A_151], %parallel_loop3A_155 {add = true} : memref<50176xf32, #tpu.memory_space<vmem>>[vector<16xi32>], vector<16xf32>,
      } {sc.loop_unroll_factor = 8 : i64, sc.parallel_access}
    }
    %scan3A_27 = arith.constant 97 : i32
    %add3A_28 = arith.constant 798720 : i32
    %add3A_29 = arith.addi %mul3A_7, %add3A_28 : i32
    %dma_start3A_30 = arith.constant 0 : i32
    %dma_start3A_31 = tpu.memref_slice %arg9[%dma_start3A_30] : memref<4096xi32, #tpu.memory_space<vmem>> -> memref<1280xi32, #tpu.memory_space<vmem>>
    %dma_start3A_32 = tpu.memref_slice %arg3[%add3A_29] : memref<1600000xi32, #tpu.memory_space<hbm>> -> memref<1280xi32, #tpu.memory_space<hbm>>
    %dma_start3A_33 = arith.constant 0 : i32
    %dma_start3A_34 = tpu.memref_slice %arg9[%dma_start3A_33] : memref<4096xi32, #tpu.memory_space<vmem>> -> memref<1280xi32, #tpu.memory_space<vmem>>
    %dma_start3A_35 = tpu.memref_slice %arg3[%add3A_29] : memref<1600000xi32, #tpu.memory_space<hbm>> -> memref<1280xi32, #tpu.memory_space<hbm>>
    tpu.enqueue_dma source(%dma_start3A_35 : memref<1280xi32, #tpu.memory_space<hbm>>) target(%dma_start3A_34 : memref<1280xi32, #tpu.memory_space<vmem>>) target_semaphore(%arg13 : memref<!tpu.dma_semaphore, #tpu.memory_space<semaphore_mem>>)
    %add3A_36 = arith.constant 798720 : i32
    %add3A_37 = arith.addi %mul3A_7, %add3A_36 : i32
    %dma_start3A_38 = arith.constant 0 : i32
    %dma_start3A_39 = tpu.memref_slice %arg11[%dma_start3A_38] : memref<4096xf32, #tpu.memory_space<vmem>> -> memref<1280xf32, #tpu.memory_space<vmem>>
    %dma_start3A_40 = tpu.memref_slice %arg4[%add3A_37] : memref<1600000xf32, #tpu.memory_space<hbm>> -> memref<1280xf32, #tpu.memory_space<hbm>>
    %dma_start3A_41 = arith.constant 0 : i32
    %dma_start3A_42 = tpu.memref_slice %arg11[%dma_start3A_41] : memref<4096xf32, #tpu.memory_space<vmem>> -> memref<1280xf32, #tpu.memory_space<vmem>>
    %dma_start3A_43 = tpu.memref_slice %arg4[%add3A_37] : memref<1600000xf32, #tpu.memory_space<hbm>> -> memref<1280xf32, #tpu.memory_space<hbm>>
    tpu.enqueue_dma source(%dma_start3A_43 : memref<1280xf32, #tpu.memory_space<hbm>>) target(%dma_start3A_42 : memref<1280xf32, #tpu.memory_space<vmem>>) target_semaphore(%arg13 : memref<!tpu.dma_semaphore, #tpu.memory_space<semaphore_mem>>)
    %dma_wait3A = arith.constant 0 : i32
    %dma_wait3A_44 = tpu.memref_slice %arg8[%dma_wait3A] : memref<4096xi32, #tpu.memory_space<vmem>> -> memref<4096xi32, #tpu.memory_space<vmem>>
    %dma_wait3A_45 = arith.constant 0 : i32
    %dma_wait3A_46 = tpu.memref_slice %arg3[%dma_wait3A_45] : memref<1600000xi32, #tpu.memory_space<hbm>> -> memref<4096xi32, #tpu.memory_space<hbm>>
    %dma_wait3A_47 = arith.constant 0 : i32
    %dma_wait3A_48 = tpu.memref_slice %arg8[%dma_wait3A_47] : memref<4096xi32, #tpu.memory_space<vmem>> -> memref<4096xi32, #tpu.memory_space<vmem>>
    %dma_wait3A_49 = arith.constant 0 : i32
    %dma_wait3A_50 = tpu.memref_slice %arg3[%dma_wait3A_49] : memref<1600000xi32, #tpu.memory_space<hbm>> -> memref<4096xi32, #tpu.memory_space<hbm>>
    tpu.wait_dma2 semaphore(%arg12 : memref<!tpu.dma_semaphore, #tpu.memory_space<semaphore_mem>>) src(%dma_wait3A_50 : memref<4096xi32, #tpu.memory_space<hbm>>) dst(%dma_wait3A_48 : memref<4096xi32, #tpu.memory_space<vmem>>)
    %dma_wait3A_51 = arith.constant 0 : i32
    %dma_wait3A_52 = tpu.memref_slice %arg10[%dma_wait3A_51] : memref<4096xf32, #tpu.memory_space<vmem>> -> memref<4096xf32, #tpu.memory_space<vmem>>
    %dma_wait3A_53 = arith.constant 0 : i32
    %dma_wait3A_54 = tpu.memref_slice %arg4[%dma_wait3A_53] : memref<1600000xf32, #tpu.memory_space<hbm>> -> memref<4096xf32, #tpu.memory_space<hbm>>
    %dma_wait3A_55 = arith.constant 0 : i32
    %dma_wait3A_56 = tpu.memref_slice %arg10[%dma_wait3A_55] : memref<4096xf32, #tpu.memory_space<vmem>> -> memref<4096xf32, #tpu.memory_space<vmem>>
    %dma_wait3A_57 = arith.constant 0 : i32
    %dma_wait3A_58 = tpu.memref_slice %arg4[%dma_wait3A_57] : memref<1600000xf32, #tpu.memory_space<hbm>> -> memref<4096xf32, #tpu.memory_space<hbm>>
    tpu.wait_dma2 semaphore(%arg12 : memref<!tpu.dma_semaphore, #tpu.memory_space<semaphore_mem>>) src(%dma_wait3A_58 : memref<4096xf32, #tpu.memory_space<hbm>>) dst(%dma_wait3A_56 : memref<4096xf32, #tpu.memory_space<vmem>>)
    %parallel_loop3A = arith.constant 0 : i32
    %parallel_loop3A_59 = arith.constant 4096 : i32
    %parallel_loop3A_60 = arith.constant 16 : i32
    scf.for %parallel_loop3A_85 = %parallel_loop3A to %parallel_loop3A_59 step %parallel_loop3A_60  : i32 {
      %parallel_loop3A_86 = arith.index_cast %parallel_loop3A_85 : i32 to index
      %parallel_loop3A_87 = tpu.vector_load %arg8[%parallel_loop3A_86] {strides = array<i32>} : memref<4096xi32, #tpu.memory_space<vmem>>, vector<16xi32>,
      %parallel_loop3A_88 = arith.constant 65535 : i32
      %parallel_loop3A_89 = vector.broadcast %parallel_loop3A_88 : i32 to vector<16xi32>
      %parallel_loop3A_90 = arith.andi %parallel_loop3A_87, %parallel_loop3A_89 : vector<16xi32>
      %parallel_loop3A_91 = arith.constant 16 : i32
      %parallel_loop3A_92 = vector.broadcast %parallel_loop3A_91 : i32 to vector<16xi32>
      %parallel_loop3A_93 = arith.shrui %parallel_loop3A_87, %parallel_loop3A_92 : vector<16xi32>
      %parallel_loop3A_94 = arith.index_cast %parallel_loop3A_85 : i32 to index
      %parallel_loop3A_95 = tpu.vector_load %arg10[%parallel_loop3A_94] {strides = array<i32>} : memref<4096xf32, #tpu.memory_space<vmem>>, vector<16xf32>,
      %parallel_loop3A_96 = tpu.vector_load_idx %arg6[%parallel_loop3A_90] : memref<50176xf32, #tpu.memory_space<vmem>>[vector<16xi32>], vector<16xf32>,
      %parallel_loop3A_97 = arith.mulf %parallel_loop3A_96, %parallel_loop3A_95 : vector<16xf32>
      tpu.vector_store_idx %arg7[%parallel_loop3A_93], %parallel_loop3A_97 {add = true} : memref<50176xf32, #tpu.memory_space<vmem>>[vector<16xi32>], vector<16xf32>,
    } {sc.loop_unroll_factor = 8 : i64, sc.parallel_access}
    %dma_wait3A_61 = arith.constant 0 : i32
    %dma_wait3A_62 = tpu.memref_slice %arg9[%dma_wait3A_61] : memref<4096xi32, #tpu.memory_space<vmem>> -> memref<1280xi32, #tpu.memory_space<vmem>>
    %dma_wait3A_63 = arith.constant 0 : i32
    %dma_wait3A_64 = tpu.memref_slice %arg3[%dma_wait3A_63] : memref<1600000xi32, #tpu.memory_space<hbm>> -> memref<1280xi32, #tpu.memory_space<hbm>>
    %dma_wait3A_65 = arith.constant 0 : i32
    %dma_wait3A_66 = tpu.memref_slice %arg9[%dma_wait3A_65] : memref<4096xi32, #tpu.memory_space<vmem>> -> memref<1280xi32, #tpu.memory_space<vmem>>
    %dma_wait3A_67 = arith.constant 0 : i32
    %dma_wait3A_68 = tpu.memref_slice %arg3[%dma_wait3A_67] : memref<1600000xi32, #tpu.memory_space<hbm>> -> memref<1280xi32, #tpu.memory_space<hbm>>
    tpu.wait_dma2 semaphore(%arg13 : memref<!tpu.dma_semaphore, #tpu.memory_space<semaphore_mem>>) src(%dma_wait3A_68 : memref<1280xi32, #tpu.memory_space<hbm>>) dst(%dma_wait3A_66 : memref<1280xi32, #tpu.memory_space<vmem>>)
    %dma_wait3A_69 = arith.constant 0 : i32
    %dma_wait3A_70 = tpu.memref_slice %arg11[%dma_wait3A_69] : memref<4096xf32, #tpu.memory_space<vmem>> -> memref<1280xf32, #tpu.memory_space<vmem>>
    %dma_wait3A_71 = arith.constant 0 : i32
    %dma_wait3A_72 = tpu.memref_slice %arg4[%dma_wait3A_71] : memref<1600000xf32, #tpu.memory_space<hbm>> -> memref<1280xf32, #tpu.memory_space<hbm>>
    %dma_wait3A_73 = arith.constant 0 : i32
    %dma_wait3A_74 = tpu.memref_slice %arg11[%dma_wait3A_73] : memref<4096xf32, #tpu.memory_space<vmem>> -> memref<1280xf32, #tpu.memory_space<vmem>>
    %dma_wait3A_75 = arith.constant 0 : i32
    %dma_wait3A_76 = tpu.memref_slice %arg4[%dma_wait3A_75] : memref<1600000xf32, #tpu.memory_space<hbm>> -> memref<1280xf32, #tpu.memory_space<hbm>>
    tpu.wait_dma2 semaphore(%arg13 : memref<!tpu.dma_semaphore, #tpu.memory_space<semaphore_mem>>) src(%dma_wait3A_76 : memref<1280xf32, #tpu.memory_space<hbm>>) dst(%dma_wait3A_74 : memref<1280xf32, #tpu.memory_space<vmem>>)
    %parallel_loop3A_77 = arith.constant 0 : i32
    %parallel_loop3A_78 = arith.constant 1280 : i32
    %parallel_loop3A_79 = arith.constant 16 : i32
    scf.for %parallel_loop3A_85 = %parallel_loop3A_77 to %parallel_loop3A_78 step %parallel_loop3A_79  : i32 {
      %parallel_loop3A_86 = arith.index_cast %parallel_loop3A_85 : i32 to index
      %parallel_loop3A_87 = tpu.vector_load %arg9[%parallel_loop3A_86] {strides = array<i32>} : memref<4096xi32, #tpu.memory_space<vmem>>, vector<16xi32>,
      %parallel_loop3A_88 = arith.constant 65535 : i32
      %parallel_loop3A_89 = vector.broadcast %parallel_loop3A_88 : i32 to vector<16xi32>
      %parallel_loop3A_90 = arith.andi %parallel_loop3A_87, %parallel_loop3A_89 : vector<16xi32>
      %parallel_loop3A_91 = arith.constant 16 : i32
      %parallel_loop3A_92 = vector.broadcast %parallel_loop3A_91 : i32 to vector<16xi32>
      %parallel_loop3A_93 = arith.shrui %parallel_loop3A_87, %parallel_loop3A_92 : vector<16xi32>
      %parallel_loop3A_94 = arith.index_cast %parallel_loop3A_85 : i32 to index
      %parallel_loop3A_95 = tpu.vector_load %arg11[%parallel_loop3A_94] {strides = array<i32>} : memref<4096xf32, #tpu.memory_space<vmem>>, vector<16xf32>,
      %parallel_loop3A_96 = tpu.vector_load_idx %arg6[%parallel_loop3A_90] : memref<50176xf32, #tpu.memory_space<vmem>>[vector<16xi32>], vector<16xf32>,
      %parallel_loop3A_97 = arith.mulf %parallel_loop3A_96, %parallel_loop3A_95 : vector<16xf32>
      tpu.vector_store_idx %arg7[%parallel_loop3A_93], %parallel_loop3A_97 {add = true} : memref<50176xf32, #tpu.memory_space<vmem>>[vector<16xi32>], vector<16xf32>,
    } {sc.loop_unroll_factor = 8 : i64, sc.parallel_access}
    %mul3A_80 = arith.constant 16 : i32
    %mul3A_81 = arith.muli %arg0, %mul3A_80 : i32
    %add3A_82 = arith.addi %mul3A_81, %arg1 : i32
    %mul3A_83 = arith.constant 50176 : i32
    %mul3A_84 = arith.muli %add3A_82, %mul3A_83 : i32
    "tpu.region"() ({
      %run_scoped3A = tpu.sem_alloc : memref<!tpu.dma_semaphore, #tpu.memory_space<semaphore_mem>>
      %dma_start3A_85 = tpu.memref_slice %arg5[%mul3A_84] : memref<1605632xf32, #tpu.memory_space<hbm>> -> memref<50176xf32, #tpu.memory_space<hbm>>
      %dma_start3A_86 = tpu.memref_slice %arg5[%mul3A_84] : memref<1605632xf32, #tpu.memory_space<hbm>> -> memref<50176xf32, #tpu.memory_space<hbm>>
      tpu.enqueue_dma source(%arg7 : memref<50176xf32, #tpu.memory_space<vmem>>) target(%dma_start3A_86 : memref<50176xf32, #tpu.memory_space<hbm>>) target_semaphore(%run_scoped3A : memref<!tpu.dma_semaphore, #tpu.memory_space<semaphore_mem>>)
      %dma_wait3A_87 = tpu.memref_slice %arg5[%mul3A_84] : memref<1605632xf32, #tpu.memory_space<hbm>> -> memref<50176xf32, #tpu.memory_space<hbm>>
      %dma_wait3A_88 = tpu.memref_slice %arg5[%mul3A_84] : memref<1605632xf32, #tpu.memory_space<hbm>> -> memref<50176xf32, #tpu.memory_space<hbm>>
      tpu.wait_dma2 semaphore(%run_scoped3A : memref<!tpu.dma_semaphore, #tpu.memory_space<semaphore_mem>>) src(%arg7 : memref<50176xf32, #tpu.memory_space<vmem>>) dst(%dma_wait3A_88 : memref<50176xf32, #tpu.memory_space<hbm>>)
      tpu.yield
    }) : () -> ()
    return
  }
}

#map = affine_map<(d0, d1) -> (0)>
module attributes {stable_mosaic.version = 14 : i64} {
  func.func @_agg_kernel(%arg0: i32, %arg1: i32, %arg2: memref<802816xf32, #tpu.memory_space<hbm>>, %arg3: memref<1600000xi32, #tpu.memory_space<hbm>>, %arg4: memref<1600000xf32, #tpu.memory_space<hbm>>, %arg5: memref<1605632xf32, #tpu.memory_space<hbm>>, %arg6: memref<50176xf32, #tpu.memory_space<vmem>>, %arg7: memref<50176xf32, #tpu.memory_space<vmem>>, %arg8: memref<4096xi32, #tpu.memory_space<vmem>>, %arg9: memref<4096xi32, #tpu.memory_space<vmem>>, %arg10: memref<4096xf32, #tpu.memory_space<vmem>>, %arg11: memref<4096xf32, #tpu.memory_space<vmem>>, %arg12: memref<!tpu.dma_semaphore, #tpu.memory_space<semaphore_mem>>, %arg13: memref<!tpu.dma_semaphore, #tpu.memory_space<semaphore_mem>>) attributes {dimension_semantics = [#tpu.dimension_semantics<core_parallel>, #tpu.dimension_semantics<subcore_parallel>], iteration_bounds = array<i64: 2, 16>, scalar_prefetch = 0 : i64, scratch_operands = 8 : i64, tpu.core_type = #tpu.core_type<sc_vector_subcore>, window_params = [{transform_indices = #map}, {transform_indices = #map}, {transform_indices = #map}, {transform_indices = #map}]} {
    %mul3A = arith.constant 50176 : i32
    %mul3A_0 = arith.muli %arg1, %mul3A : i32
    "tpu.region"() ({
      %run_scoped3A = tpu.sem_alloc : memref<!tpu.dma_semaphore, #tpu.memory_space<semaphore_mem>>
      %dma_start3A_85 = tpu.memref_slice %arg2[%mul3A_0] : memref<802816xf32, #tpu.memory_space<hbm>> -> memref<50176xf32, #tpu.memory_space<hbm>>
      %dma_start3A_86 = tpu.memref_slice %arg2[%mul3A_0] : memref<802816xf32, #tpu.memory_space<hbm>> -> memref<50176xf32, #tpu.memory_space<hbm>>
      tpu.enqueue_dma source(%dma_start3A_86 : memref<50176xf32, #tpu.memory_space<hbm>>) target(%arg6 : memref<50176xf32, #tpu.memory_space<vmem>>) target_semaphore(%run_scoped3A : memref<!tpu.dma_semaphore, #tpu.memory_space<semaphore_mem>>)
      %dma_wait3A_87 = tpu.memref_slice %arg2[%mul3A_0] : memref<802816xf32, #tpu.memory_space<hbm>> -> memref<50176xf32, #tpu.memory_space<hbm>>
      %dma_wait3A_88 = tpu.memref_slice %arg2[%mul3A_0] : memref<802816xf32, #tpu.memory_space<hbm>> -> memref<50176xf32, #tpu.memory_space<hbm>>
      tpu.wait_dma2 semaphore(%run_scoped3A : memref<!tpu.dma_semaphore, #tpu.memory_space<semaphore_mem>>) src(%dma_wait3A_88 : memref<50176xf32, #tpu.memory_space<hbm>>) dst(%arg6 : memref<50176xf32, #tpu.memory_space<vmem>>)
      tpu.yield
    }) : () -> ()
    %scan3A = arith.constant 0 : i32
    %scan3A_1 = arith.constant 0 : i32
    %scan3A_2 = arith.constant 3136 : i32
    %scan3A_3 = arith.addi %scan3A_1, %scan3A_2 : i32
    %scan3A_4 = arith.constant 8 : i32
    scf.for %scan3A_85 = %scan3A_1 to %scan3A_3 step %scan3A_4  : i32 {
      %broadcast_in_dim3A = arith.constant 0.000000e+00 : f32
      %broadcast_in_dim3A_86 = vector.broadcast %broadcast_in_dim3A : f32 to vector<16xf32>
      %mul3A_87 = arith.constant 16 : i32
      %mul3A_88 = arith.muli %scan3A_85, %mul3A_87 : i32
      %swap3A = arith.index_cast %mul3A_88 : i32 to index
      %swap3A_89 = tpu.vector_load %arg7[%swap3A] {strides = array<i32>} : memref<50176xf32, #tpu.memory_space<vmem>>, vector<16xf32>,
      tpu.vector_store %arg7[%swap3A], %broadcast_in_dim3A_86 {strides = array<i32>} : memref<50176xf32, #tpu.memory_space<vmem>>, vector<16xf32>,
      %scan3A_90 = arith.constant 1 : i32
      %scan3A_91 = arith.addi %scan3A_85, %scan3A_90 : i32
      %broadcast_in_dim3A_92 = arith.constant 0.000000e+00 : f32
      %broadcast_in_dim3A_93 = vector.broadcast %broadcast_in_dim3A_92 : f32 to vector<16xf32>
      %mul3A_94 = arith.constant 16 : i32
      %mul3A_95 = arith.muli %scan3A_91, %mul3A_94 : i32
      %swap3A_96 = arith.index_cast %mul3A_95 : i32 to index
      %swap3A_97 = tpu.vector_load %arg7[%swap3A_96] {strides = array<i32>} : memref<50176xf32, #tpu.memory_space<vmem>>, vector<16xf32>,
      tpu.vector_store %arg7[%swap3A_96], %broadcast_in_dim3A_93 {strides = array<i32>} : memref<50176xf32, #tpu.memory_space<vmem>>, vector<16xf32>,
      %scan3A_98 = arith.constant 2 : i32
      %scan3A_99 = arith.addi %scan3A_85, %scan3A_98 : i32
      %broadcast_in_dim3A_100 = arith.constant 0.000000e+00 : f32
      %broadcast_in_dim3A_101 = vector.broadcast %broadcast_in_dim3A_100 : f32 to vector<16xf32>
      %mul3A_102 = arith.constant 16 : i32
      %mul3A_103 = arith.muli %scan3A_99, %mul3A_102 : i32
      %swap3A_104 = arith.index_cast %mul3A_103 : i32 to index
      %swap3A_105 = tpu.vector_load %arg7[%swap3A_104] {strides = array<i32>} : memref<50176xf32, #tpu.memory_space<vmem>>, vector<16xf32>,
      tpu.vector_store %arg7[%swap3A_104], %broadcast_in_dim3A_101 {strides = array<i32>} : memref<50176xf32, #tpu.memory_space<vmem>>, vector<16xf32>,
      %scan3A_106 = arith.constant 3 : i32
      %scan3A_107 = arith.addi %scan3A_85, %scan3A_106 : i32
      %broadcast_in_dim3A_108 = arith.constant 0.000000e+00 : f32
      %broadcast_in_dim3A_109 = vector.broadcast %broadcast_in_dim3A_108 : f32 to vector<16xf32>
      %mul3A_110 = arith.constant 16 : i32
      %mul3A_111 = arith.muli %scan3A_107, %mul3A_110 : i32
      %swap3A_112 = arith.index_cast %mul3A_111 : i32 to index
      %swap3A_113 = tpu.vector_load %arg7[%swap3A_112] {strides = array<i32>} : memref<50176xf32, #tpu.memory_space<vmem>>, vector<16xf32>,
      tpu.vector_store %arg7[%swap3A_112], %broadcast_in_dim3A_109 {strides = array<i32>} : memref<50176xf32, #tpu.memory_space<vmem>>, vector<16xf32>,
      %scan3A_114 = arith.constant 4 : i32
      %scan3A_115 = arith.addi %scan3A_85, %scan3A_114 : i32
      %broadcast_in_dim3A_116 = arith.constant 0.000000e+00 : f32
      %broadcast_in_dim3A_117 = vector.broadcast %broadcast_in_dim3A_116 : f32 to vector<16xf32>
      %mul3A_118 = arith.constant 16 : i32
      %mul3A_119 = arith.muli %scan3A_115, %mul3A_118 : i32
      %swap3A_120 = arith.index_cast %mul3A_119 : i32 to index
      %swap3A_121 = tpu.vector_load %arg7[%swap3A_120] {strides = array<i32>} : memref<50176xf32, #tpu.memory_space<vmem>>, vector<16xf32>,
      tpu.vector_store %arg7[%swap3A_120], %broadcast_in_dim3A_117 {strides = array<i32>} : memref<50176xf32, #tpu.memory_space<vmem>>, vector<16xf32>,
      %scan3A_122 = arith.constant 5 : i32
      %scan3A_123 = arith.addi %scan3A_85, %scan3A_122 : i32
      %broadcast_in_dim3A_124 = arith.constant 0.000000e+00 : f32
      %broadcast_in_dim3A_125 = vector.broadcast %broadcast_in_dim3A_124 : f32 to vector<16xf32>
      %mul3A_126 = arith.constant 16 : i32
      %mul3A_127 = arith.muli %scan3A_123, %mul3A_126 : i32
      %swap3A_128 = arith.index_cast %mul3A_127 : i32 to index
      %swap3A_129 = tpu.vector_load %arg7[%swap3A_128] {strides = array<i32>} : memref<50176xf32, #tpu.memory_space<vmem>>, vector<16xf32>,
      tpu.vector_store %arg7[%swap3A_128], %broadcast_in_dim3A_125 {strides = array<i32>} : memref<50176xf32, #tpu.memory_space<vmem>>, vector<16xf32>,
      %scan3A_130 = arith.constant 6 : i32
      %scan3A_131 = arith.addi %scan3A_85, %scan3A_130 : i32
      %broadcast_in_dim3A_132 = arith.constant 0.000000e+00 : f32
      %broadcast_in_dim3A_133 = vector.broadcast %broadcast_in_dim3A_132 : f32 to vector<16xf32>
      %mul3A_134 = arith.constant 16 : i32
      %mul3A_135 = arith.muli %scan3A_131, %mul3A_134 : i32
      %swap3A_136 = arith.index_cast %mul3A_135 : i32 to index
      %swap3A_137 = tpu.vector_load %arg7[%swap3A_136] {strides = array<i32>} : memref<50176xf32, #tpu.memory_space<vmem>>, vector<16xf32>,
      tpu.vector_store %arg7[%swap3A_136], %broadcast_in_dim3A_133 {strides = array<i32>} : memref<50176xf32, #tpu.memory_space<vmem>>, vector<16xf32>,
      %scan3A_138 = arith.constant 7 : i32
      %scan3A_139 = arith.addi %scan3A_85, %scan3A_138 : i32
      %broadcast_in_dim3A_140 = arith.constant 0.000000e+00 : f32
      %broadcast_in_dim3A_141 = vector.broadcast %broadcast_in_dim3A_140 : f32 to vector<16xf32>
      %mul3A_142 = arith.constant 16 : i32
      %mul3A_143 = arith.muli %scan3A_139, %mul3A_142 : i32
      %swap3A_144 = arith.index_cast %mul3A_143 : i32 to index
      %swap3A_145 = tpu.vector_load %arg7[%swap3A_144] {strides = array<i32>} : memref<50176xf32, #tpu.memory_space<vmem>>, vector<16xf32>,
      tpu.vector_store %arg7[%swap3A_144], %broadcast_in_dim3A_141 {strides = array<i32>} : memref<50176xf32, #tpu.memory_space<vmem>>, vector<16xf32>,
    }
    %scan3A_5 = arith.constant 3136 : i32
    %mul3A_6 = arith.constant 800000 : i32
    %mul3A_7 = arith.muli %arg0, %mul3A_6 : i32
    %add3A = arith.constant 0 : i32
    %add3A_8 = arith.addi %mul3A_7, %add3A : i32
    %dma_start3A = arith.constant 0 : i32
    %dma_start3A_9 = tpu.memref_slice %arg8[%dma_start3A] : memref<4096xi32, #tpu.memory_space<vmem>> -> memref<4096xi32, #tpu.memory_space<vmem>>
    %dma_start3A_10 = tpu.memref_slice %arg3[%add3A_8] : memref<1600000xi32, #tpu.memory_space<hbm>> -> memref<4096xi32, #tpu.memory_space<hbm>>
    %dma_start3A_11 = arith.constant 0 : i32
    %dma_start3A_12 = tpu.memref_slice %arg8[%dma_start3A_11] : memref<4096xi32, #tpu.memory_space<vmem>> -> memref<4096xi32, #tpu.memory_space<vmem>>
    %dma_start3A_13 = tpu.memref_slice %arg3[%add3A_8] : memref<1600000xi32, #tpu.memory_space<hbm>> -> memref<4096xi32, #tpu.memory_space<hbm>>
    tpu.enqueue_dma source(%dma_start3A_13 : memref<4096xi32, #tpu.memory_space<hbm>>) target(%dma_start3A_12 : memref<4096xi32, #tpu.memory_space<vmem>>) target_semaphore(%arg12 : memref<!tpu.dma_semaphore, #tpu.memory_space<semaphore_mem>>)
    %add3A_14 = arith.constant 0 : i32
    %add3A_15 = arith.addi %mul3A_7, %add3A_14 : i32
    %dma_start3A_16 = arith.constant 0 : i32
    %dma_start3A_17 = tpu.memref_slice %arg10[%dma_start3A_16] : memref<4096xf32, #tpu.memory_space<vmem>> -> memref<4096xf32, #tpu.memory_space<vmem>>
    %dma_start3A_18 = tpu.memref_slice %arg4[%add3A_15] : memref<1600000xf32, #tpu.memory_space<hbm>> -> memref<4096xf32, #tpu.memory_space<hbm>>
    %dma_start3A_19 = arith.constant 0 : i32
    %dma_start3A_20 = tpu.memref_slice %arg10[%dma_start3A_19] : memref<4096xf32, #tpu.memory_space<vmem>> -> memref<4096xf32, #tpu.memory_space<vmem>>
    %dma_start3A_21 = tpu.memref_slice %arg4[%add3A_15] : memref<1600000xf32, #tpu.memory_space<hbm>> -> memref<4096xf32, #tpu.memory_space<hbm>>
    tpu.enqueue_dma source(%dma_start3A_21 : memref<4096xf32, #tpu.memory_space<hbm>>) target(%dma_start3A_20 : memref<4096xf32, #tpu.memory_space<vmem>>) target_semaphore(%arg12 : memref<!tpu.dma_semaphore, #tpu.memory_space<semaphore_mem>>)
    %scan3A_22 = arith.constant 0 : i32
    %scan3A_23 = arith.constant 0 : i32
    %scan3A_24 = arith.constant 97 : i32
    %scan3A_25 = arith.addi %scan3A_23, %scan3A_24 : i32
    %scan3A_26 = arith.constant 1 : i32
    scf.for %scan3A_85 = %scan3A_23 to %scan3A_25 step %scan3A_26  : i32 {
      %mul3A_86 = arith.constant 2 : i32
      %mul3A_87 = arith.muli %scan3A_85, %mul3A_86 : i32
      %add3A_88 = arith.constant 0 : i32
      %add3A_89 = arith.addi %mul3A_87, %add3A_88 : i32
      %add3A_90 = arith.constant 1 : i32
      %add3A_91 = arith.addi %add3A_89, %add3A_90 : i32
      %lt3A = arith.constant 195 : i32
      %lt3A_92 = arith.cmpi slt, %add3A_91, %lt3A : i32
      %convert_element_type3A = arith.extui %lt3A_92 : i1 to i32
      %cond3A = arith.constant 0 : i32
      %cond3A_93 = arith.cmpi ne, %convert_element_type3A, %cond3A : i32
      scf.if %cond3A_93 {
        %add3A_143 = arith.constant 1 : i32
        %add3A_144 = arith.addi %add3A_89, %add3A_143 : i32
        %mul3A_145 = arith.constant 4096 : i32
        %mul3A_146 = arith.muli %add3A_144, %mul3A_145 : i32
        %add3A_147 = arith.addi %mul3A_7, %mul3A_146 : i32
        %dma_start3A_148 = arith.constant 0 : i32
        %dma_start3A_149 = tpu.memref_slice %arg9[%dma_start3A_148] : memref<4096xi32, #tpu.memory_space<vmem>> -> memref<4096xi32, #tpu.memory_space<vmem>>
        %dma_start3A_150 = tpu.memref_slice %arg3[%add3A_147] : memref<1600000xi32, #tpu.memory_space<hbm>> -> memref<4096xi32, #tpu.memory_space<hbm>>
        %dma_start3A_151 = arith.constant 0 : i32
        %dma_start3A_152 = tpu.memref_slice %arg9[%dma_start3A_151] : memref<4096xi32, #tpu.memory_space<vmem>> -> memref<4096xi32, #tpu.memory_space<vmem>>
        %dma_start3A_153 = tpu.memref_slice %arg3[%add3A_147] : memref<1600000xi32, #tpu.memory_space<hbm>> -> memref<4096xi32, #tpu.memory_space<hbm>>
        tpu.enqueue_dma source(%dma_start3A_153 : memref<4096xi32, #tpu.memory_space<hbm>>) target(%dma_start3A_152 : memref<4096xi32, #tpu.memory_space<vmem>>) target_semaphore(%arg13 : memref<!tpu.dma_semaphore, #tpu.memory_space<semaphore_mem>>)
        %mul3A_154 = arith.constant 4096 : i32
        %mul3A_155 = arith.muli %add3A_144, %mul3A_154 : i32
        %add3A_156 = arith.addi %mul3A_7, %mul3A_155 : i32
        %dma_start3A_157 = arith.constant 0 : i32
        %dma_start3A_158 = tpu.memref_slice %arg11[%dma_start3A_157] : memref<4096xf32, #tpu.memory_space<vmem>> -> memref<4096xf32, #tpu.memory_space<vmem>>
        %dma_start3A_159 = tpu.memref_slice %arg4[%add3A_156] : memref<1600000xf32, #tpu.memory_space<hbm>> -> memref<4096xf32, #tpu.memory_space<hbm>>
        %dma_start3A_160 = arith.constant 0 : i32
        %dma_start3A_161 = tpu.memref_slice %arg11[%dma_start3A_160] : memref<4096xf32, #tpu.memory_space<vmem>> -> memref<4096xf32, #tpu.memory_space<vmem>>
        %dma_start3A_162 = tpu.memref_slice %arg4[%add3A_156] : memref<1600000xf32, #tpu.memory_space<hbm>> -> memref<4096xf32, #tpu.memory_space<hbm>>
        tpu.enqueue_dma source(%dma_start3A_162 : memref<4096xf32, #tpu.memory_space<hbm>>) target(%dma_start3A_161 : memref<4096xf32, #tpu.memory_space<vmem>>) target_semaphore(%arg13 : memref<!tpu.dma_semaphore, #tpu.memory_space<semaphore_mem>>)
      } else {
      }
      %dma_wait3A_94 = arith.constant 0 : i32
      %dma_wait3A_95 = tpu.memref_slice %arg8[%dma_wait3A_94] : memref<4096xi32, #tpu.memory_space<vmem>> -> memref<4096xi32, #tpu.memory_space<vmem>>
      %dma_wait3A_96 = arith.constant 0 : i32
      %dma_wait3A_97 = tpu.memref_slice %arg3[%dma_wait3A_96] : memref<1600000xi32, #tpu.memory_space<hbm>> -> memref<4096xi32, #tpu.memory_space<hbm>>
      %dma_wait3A_98 = arith.constant 0 : i32
      %dma_wait3A_99 = tpu.memref_slice %arg8[%dma_wait3A_98] : memref<4096xi32, #tpu.memory_space<vmem>> -> memref<4096xi32, #tpu.memory_space<vmem>>
      %dma_wait3A_100 = arith.constant 0 : i32
      %dma_wait3A_101 = tpu.memref_slice %arg3[%dma_wait3A_100] : memref<1600000xi32, #tpu.memory_space<hbm>> -> memref<4096xi32, #tpu.memory_space<hbm>>
      tpu.wait_dma2 semaphore(%arg12 : memref<!tpu.dma_semaphore, #tpu.memory_space<semaphore_mem>>) src(%dma_wait3A_101 : memref<4096xi32, #tpu.memory_space<hbm>>) dst(%dma_wait3A_99 : memref<4096xi32, #tpu.memory_space<vmem>>)
      %dma_wait3A_102 = arith.constant 0 : i32
      %dma_wait3A_103 = tpu.memref_slice %arg10[%dma_wait3A_102] : memref<4096xf32, #tpu.memory_space<vmem>> -> memref<4096xf32, #tpu.memory_space<vmem>>
      %dma_wait3A_104 = arith.constant 0 : i32
      %dma_wait3A_105 = tpu.memref_slice %arg4[%dma_wait3A_104] : memref<1600000xf32, #tpu.memory_space<hbm>> -> memref<4096xf32, #tpu.memory_space<hbm>>
      %dma_wait3A_106 = arith.constant 0 : i32
      %dma_wait3A_107 = tpu.memref_slice %arg10[%dma_wait3A_106] : memref<4096xf32, #tpu.memory_space<vmem>> -> memref<4096xf32, #tpu.memory_space<vmem>>
      %dma_wait3A_108 = arith.constant 0 : i32
      %dma_wait3A_109 = tpu.memref_slice %arg4[%dma_wait3A_108] : memref<1600000xf32, #tpu.memory_space<hbm>> -> memref<4096xf32, #tpu.memory_space<hbm>>
      tpu.wait_dma2 semaphore(%arg12 : memref<!tpu.dma_semaphore, #tpu.memory_space<semaphore_mem>>) src(%dma_wait3A_109 : memref<4096xf32, #tpu.memory_space<hbm>>) dst(%dma_wait3A_107 : memref<4096xf32, #tpu.memory_space<vmem>>)
      %parallel_loop3A_110 = arith.constant 0 : i32
      %parallel_loop3A_111 = arith.constant 4096 : i32
      %parallel_loop3A_112 = arith.constant 16 : i32
      scf.for %parallel_loop3A_143 = %parallel_loop3A_110 to %parallel_loop3A_111 step %parallel_loop3A_112  : i32 {
        %parallel_loop3A_144 = arith.index_cast %parallel_loop3A_143 : i32 to index
        %parallel_loop3A_145 = tpu.vector_load %arg8[%parallel_loop3A_144] {strides = array<i32>} : memref<4096xi32, #tpu.memory_space<vmem>>, vector<16xi32>,
        %parallel_loop3A_146 = arith.constant 65535 : i32
        %parallel_loop3A_147 = vector.broadcast %parallel_loop3A_146 : i32 to vector<16xi32>
        %parallel_loop3A_148 = arith.andi %parallel_loop3A_145, %parallel_loop3A_147 : vector<16xi32>
        %parallel_loop3A_149 = arith.constant 16 : i32
        %parallel_loop3A_150 = vector.broadcast %parallel_loop3A_149 : i32 to vector<16xi32>
        %parallel_loop3A_151 = arith.shrui %parallel_loop3A_145, %parallel_loop3A_150 : vector<16xi32>
        %parallel_loop3A_152 = arith.index_cast %parallel_loop3A_143 : i32 to index
        %parallel_loop3A_153 = tpu.vector_load %arg10[%parallel_loop3A_152] {strides = array<i32>} : memref<4096xf32, #tpu.memory_space<vmem>>, vector<16xf32>,
        %parallel_loop3A_154 = tpu.vector_load_idx %arg6[%parallel_loop3A_148] : memref<50176xf32, #tpu.memory_space<vmem>>[vector<16xi32>], vector<16xf32>,
        %parallel_loop3A_155 = arith.mulf %parallel_loop3A_154, %parallel_loop3A_153 : vector<16xf32>
        tpu.vector_store_idx %arg7[%parallel_loop3A_151], %parallel_loop3A_155 {add = true} : memref<50176xf32, #tpu.memory_space<vmem>>[vector<16xi32>], vector<16xf32>,
      } {sc.loop_unroll_factor = 8 : i64, sc.parallel_access}
      %mul3A_113 = arith.constant 2 : i32
      %mul3A_114 = arith.muli %scan3A_85, %mul3A_113 : i32
      %add3A_115 = arith.constant 1 : i32
      %add3A_116 = arith.addi %mul3A_114, %add3A_115 : i32
      %add3A_117 = arith.constant 1 : i32
      %add3A_118 = arith.addi %add3A_116, %add3A_117 : i32
      %lt3A_119 = arith.constant 195 : i32
      %lt3A_120 = arith.cmpi slt, %add3A_118, %lt3A_119 : i32
      %convert_element_type3A_121 = arith.extui %lt3A_120 : i1 to i32
      %cond3A_122 = arith.constant 0 : i32
      %cond3A_123 = arith.cmpi ne, %convert_element_type3A_121, %cond3A_122 : i32
      scf.if %cond3A_123 {
        %add3A_143 = arith.constant 1 : i32
        %add3A_144 = arith.addi %add3A_116, %add3A_143 : i32
        %mul3A_145 = arith.constant 4096 : i32
        %mul3A_146 = arith.muli %add3A_144, %mul3A_145 : i32
        %add3A_147 = arith.addi %mul3A_7, %mul3A_146 : i32
        %dma_start3A_148 = arith.constant 0 : i32
        %dma_start3A_149 = tpu.memref_slice %arg8[%dma_start3A_148] : memref<4096xi32, #tpu.memory_space<vmem>> -> memref<4096xi32, #tpu.memory_space<vmem>>
        %dma_start3A_150 = tpu.memref_slice %arg3[%add3A_147] : memref<1600000xi32, #tpu.memory_space<hbm>> -> memref<4096xi32, #tpu.memory_space<hbm>>
        %dma_start3A_151 = arith.constant 0 : i32
        %dma_start3A_152 = tpu.memref_slice %arg8[%dma_start3A_151] : memref<4096xi32, #tpu.memory_space<vmem>> -> memref<4096xi32, #tpu.memory_space<vmem>>
        %dma_start3A_153 = tpu.memref_slice %arg3[%add3A_147] : memref<1600000xi32, #tpu.memory_space<hbm>> -> memref<4096xi32, #tpu.memory_space<hbm>>
        tpu.enqueue_dma source(%dma_start3A_153 : memref<4096xi32, #tpu.memory_space<hbm>>) target(%dma_start3A_152 : memref<4096xi32, #tpu.memory_space<vmem>>) target_semaphore(%arg12 : memref<!tpu.dma_semaphore, #tpu.memory_space<semaphore_mem>>)
        %mul3A_154 = arith.constant 4096 : i32
        %mul3A_155 = arith.muli %add3A_144, %mul3A_154 : i32
        %add3A_156 = arith.addi %mul3A_7, %mul3A_155 : i32
        %dma_start3A_157 = arith.constant 0 : i32
        %dma_start3A_158 = tpu.memref_slice %arg10[%dma_start3A_157] : memref<4096xf32, #tpu.memory_space<vmem>> -> memref<4096xf32, #tpu.memory_space<vmem>>
        %dma_start3A_159 = tpu.memref_slice %arg4[%add3A_156] : memref<1600000xf32, #tpu.memory_space<hbm>> -> memref<4096xf32, #tpu.memory_space<hbm>>
        %dma_start3A_160 = arith.constant 0 : i32
        %dma_start3A_161 = tpu.memref_slice %arg10[%dma_start3A_160] : memref<4096xf32, #tpu.memory_space<vmem>> -> memref<4096xf32, #tpu.memory_space<vmem>>
        %dma_start3A_162 = tpu.memref_slice %arg4[%add3A_156] : memref<1600000xf32, #tpu.memory_space<hbm>> -> memref<4096xf32, #tpu.memory_space<hbm>>
        tpu.enqueue_dma source(%dma_start3A_162 : memref<4096xf32, #tpu.memory_space<hbm>>) target(%dma_start3A_161 : memref<4096xf32, #tpu.memory_space<vmem>>) target_semaphore(%arg12 : memref<!tpu.dma_semaphore, #tpu.memory_space<semaphore_mem>>)
      } else {
      }
      %dma_wait3A_124 = arith.constant 0 : i32
      %dma_wait3A_125 = tpu.memref_slice %arg9[%dma_wait3A_124] : memref<4096xi32, #tpu.memory_space<vmem>> -> memref<4096xi32, #tpu.memory_space<vmem>>
      %dma_wait3A_126 = arith.constant 0 : i32
      %dma_wait3A_127 = tpu.memref_slice %arg3[%dma_wait3A_126] : memref<1600000xi32, #tpu.memory_space<hbm>> -> memref<4096xi32, #tpu.memory_space<hbm>>
      %dma_wait3A_128 = arith.constant 0 : i32
      %dma_wait3A_129 = tpu.memref_slice %arg9[%dma_wait3A_128] : memref<4096xi32, #tpu.memory_space<vmem>> -> memref<4096xi32, #tpu.memory_space<vmem>>
      %dma_wait3A_130 = arith.constant 0 : i32
      %dma_wait3A_131 = tpu.memref_slice %arg3[%dma_wait3A_130] : memref<1600000xi32, #tpu.memory_space<hbm>> -> memref<4096xi32, #tpu.memory_space<hbm>>
      tpu.wait_dma2 semaphore(%arg13 : memref<!tpu.dma_semaphore, #tpu.memory_space<semaphore_mem>>) src(%dma_wait3A_131 : memref<4096xi32, #tpu.memory_space<hbm>>) dst(%dma_wait3A_129 : memref<4096xi32, #tpu.memory_space<vmem>>)
      %dma_wait3A_132 = arith.constant 0 : i32
      %dma_wait3A_133 = tpu.memref_slice %arg11[%dma_wait3A_132] : memref<4096xf32, #tpu.memory_space<vmem>> -> memref<4096xf32, #tpu.memory_space<vmem>>
      %dma_wait3A_134 = arith.constant 0 : i32
      %dma_wait3A_135 = tpu.memref_slice %arg4[%dma_wait3A_134] : memref<1600000xf32, #tpu.memory_space<hbm>> -> memref<4096xf32, #tpu.memory_space<hbm>>
      %dma_wait3A_136 = arith.constant 0 : i32
      %dma_wait3A_137 = tpu.memref_slice %arg11[%dma_wait3A_136] : memref<4096xf32, #tpu.memory_space<vmem>> -> memref<4096xf32, #tpu.memory_space<vmem>>
      %dma_wait3A_138 = arith.constant 0 : i32
      %dma_wait3A_139 = tpu.memref_slice %arg4[%dma_wait3A_138] : memref<1600000xf32, #tpu.memory_space<hbm>> -> memref<4096xf32, #tpu.memory_space<hbm>>
      tpu.wait_dma2 semaphore(%arg13 : memref<!tpu.dma_semaphore, #tpu.memory_space<semaphore_mem>>) src(%dma_wait3A_139 : memref<4096xf32, #tpu.memory_space<hbm>>) dst(%dma_wait3A_137 : memref<4096xf32, #tpu.memory_space<vmem>>)
      %parallel_loop3A_140 = arith.constant 0 : i32
      %parallel_loop3A_141 = arith.constant 4096 : i32
      %parallel_loop3A_142 = arith.constant 16 : i32
      scf.for %parallel_loop3A_143 = %parallel_loop3A_140 to %parallel_loop3A_141 step %parallel_loop3A_142  : i32 {
        %parallel_loop3A_144 = arith.index_cast %parallel_loop3A_143 : i32 to index
        %parallel_loop3A_145 = tpu.vector_load %arg9[%parallel_loop3A_144] {strides = array<i32>} : memref<4096xi32, #tpu.memory_space<vmem>>, vector<16xi32>,
        %parallel_loop3A_146 = arith.constant 65535 : i32
        %parallel_loop3A_147 = vector.broadcast %parallel_loop3A_146 : i32 to vector<16xi32>
        %parallel_loop3A_148 = arith.andi %parallel_loop3A_145, %parallel_loop3A_147 : vector<16xi32>
        %parallel_loop3A_149 = arith.constant 16 : i32
        %parallel_loop3A_150 = vector.broadcast %parallel_loop3A_149 : i32 to vector<16xi32>
        %parallel_loop3A_151 = arith.shrui %parallel_loop3A_145, %parallel_loop3A_150 : vector<16xi32>
        %parallel_loop3A_152 = arith.index_cast %parallel_loop3A_143 : i32 to index
        %parallel_loop3A_153 = tpu.vector_load %arg11[%parallel_loop3A_152] {strides = array<i32>} : memref<4096xf32, #tpu.memory_space<vmem>>, vector<16xf32>,
        %parallel_loop3A_154 = tpu.vector_load_idx %arg6[%parallel_loop3A_148] : memref<50176xf32, #tpu.memory_space<vmem>>[vector<16xi32>], vector<16xf32>,
        %parallel_loop3A_155 = arith.mulf %parallel_loop3A_154, %parallel_loop3A_153 : vector<16xf32>
        tpu.vector_store_idx %arg7[%parallel_loop3A_151], %parallel_loop3A_155 {add = true} : memref<50176xf32, #tpu.memory_space<vmem>>[vector<16xi32>], vector<16xf32>,
      } {sc.loop_unroll_factor = 8 : i64, sc.parallel_access}
    }
    %scan3A_27 = arith.constant 97 : i32
    %add3A_28 = arith.constant 798720 : i32
    %add3A_29 = arith.addi %mul3A_7, %add3A_28 : i32
    %dma_start3A_30 = arith.constant 0 : i32
    %dma_start3A_31 = tpu.memref_slice %arg9[%dma_start3A_30] : memref<4096xi32, #tpu.memory_space<vmem>> -> memref<1280xi32, #tpu.memory_space<vmem>>
    %dma_start3A_32 = tpu.memref_slice %arg3[%add3A_29] : memref<1600000xi32, #tpu.memory_space<hbm>> -> memref<1280xi32, #tpu.memory_space<hbm>>
    %dma_start3A_33 = arith.constant 0 : i32
    %dma_start3A_34 = tpu.memref_slice %arg9[%dma_start3A_33] : memref<4096xi32, #tpu.memory_space<vmem>> -> memref<1280xi32, #tpu.memory_space<vmem>>
    %dma_start3A_35 = tpu.memref_slice %arg3[%add3A_29] : memref<1600000xi32, #tpu.memory_space<hbm>> -> memref<1280xi32, #tpu.memory_space<hbm>>
    tpu.enqueue_dma source(%dma_start3A_35 : memref<1280xi32, #tpu.memory_space<hbm>>) target(%dma_start3A_34 : memref<1280xi32, #tpu.memory_space<vmem>>) target_semaphore(%arg13 : memref<!tpu.dma_semaphore, #tpu.memory_space<semaphore_mem>>)
    %add3A_36 = arith.constant 798720 : i32
    %add3A_37 = arith.addi %mul3A_7, %add3A_36 : i32
    %dma_start3A_38 = arith.constant 0 : i32
    %dma_start3A_39 = tpu.memref_slice %arg11[%dma_start3A_38] : memref<4096xf32, #tpu.memory_space<vmem>> -> memref<1280xf32, #tpu.memory_space<vmem>>
    %dma_start3A_40 = tpu.memref_slice %arg4[%add3A_37] : memref<1600000xf32, #tpu.memory_space<hbm>> -> memref<1280xf32, #tpu.memory_space<hbm>>
    %dma_start3A_41 = arith.constant 0 : i32
    %dma_start3A_42 = tpu.memref_slice %arg11[%dma_start3A_41] : memref<4096xf32, #tpu.memory_space<vmem>> -> memref<1280xf32, #tpu.memory_space<vmem>>
    %dma_start3A_43 = tpu.memref_slice %arg4[%add3A_37] : memref<1600000xf32, #tpu.memory_space<hbm>> -> memref<1280xf32, #tpu.memory_space<hbm>>
    tpu.enqueue_dma source(%dma_start3A_43 : memref<1280xf32, #tpu.memory_space<hbm>>) target(%dma_start3A_42 : memref<1280xf32, #tpu.memory_space<vmem>>) target_semaphore(%arg13 : memref<!tpu.dma_semaphore, #tpu.memory_space<semaphore_mem>>)
    %dma_wait3A = arith.constant 0 : i32
    %dma_wait3A_44 = tpu.memref_slice %arg8[%dma_wait3A] : memref<4096xi32, #tpu.memory_space<vmem>> -> memref<4096xi32, #tpu.memory_space<vmem>>
    %dma_wait3A_45 = arith.constant 0 : i32
    %dma_wait3A_46 = tpu.memref_slice %arg3[%dma_wait3A_45] : memref<1600000xi32, #tpu.memory_space<hbm>> -> memref<4096xi32, #tpu.memory_space<hbm>>
    %dma_wait3A_47 = arith.constant 0 : i32
    %dma_wait3A_48 = tpu.memref_slice %arg8[%dma_wait3A_47] : memref<4096xi32, #tpu.memory_space<vmem>> -> memref<4096xi32, #tpu.memory_space<vmem>>
    %dma_wait3A_49 = arith.constant 0 : i32
    %dma_wait3A_50 = tpu.memref_slice %arg3[%dma_wait3A_49] : memref<1600000xi32, #tpu.memory_space<hbm>> -> memref<4096xi32, #tpu.memory_space<hbm>>
    tpu.wait_dma2 semaphore(%arg12 : memref<!tpu.dma_semaphore, #tpu.memory_space<semaphore_mem>>) src(%dma_wait3A_50 : memref<4096xi32, #tpu.memory_space<hbm>>) dst(%dma_wait3A_48 : memref<4096xi32, #tpu.memory_space<vmem>>)
    %dma_wait3A_51 = arith.constant 0 : i32
    %dma_wait3A_52 = tpu.memref_slice %arg10[%dma_wait3A_51] : memref<4096xf32, #tpu.memory_space<vmem>> -> memref<4096xf32, #tpu.memory_space<vmem>>
    %dma_wait3A_53 = arith.constant 0 : i32
    %dma_wait3A_54 = tpu.memref_slice %arg4[%dma_wait3A_53] : memref<1600000xf32, #tpu.memory_space<hbm>> -> memref<4096xf32, #tpu.memory_space<hbm>>
    %dma_wait3A_55 = arith.constant 0 : i32
    %dma_wait3A_56 = tpu.memref_slice %arg10[%dma_wait3A_55] : memref<4096xf32, #tpu.memory_space<vmem>> -> memref<4096xf32, #tpu.memory_space<vmem>>
    %dma_wait3A_57 = arith.constant 0 : i32
    %dma_wait3A_58 = tpu.memref_slice %arg4[%dma_wait3A_57] : memref<1600000xf32, #tpu.memory_space<hbm>> -> memref<4096xf32, #tpu.memory_space<hbm>>
    tpu.wait_dma2 semaphore(%arg12 : memref<!tpu.dma_semaphore, #tpu.memory_space<semaphore_mem>>) src(%dma_wait3A_58 : memref<4096xf32, #tpu.memory_space<hbm>>) dst(%dma_wait3A_56 : memref<4096xf32, #tpu.memory_space<vmem>>)
    %parallel_loop3A = arith.constant 0 : i32
    %parallel_loop3A_59 = arith.constant 4096 : i32
    %parallel_loop3A_60 = arith.constant 16 : i32
    scf.for %parallel_loop3A_85 = %parallel_loop3A to %parallel_loop3A_59 step %parallel_loop3A_60  : i32 {
      %parallel_loop3A_86 = arith.index_cast %parallel_loop3A_85 : i32 to index
      %parallel_loop3A_87 = tpu.vector_load %arg8[%parallel_loop3A_86] {strides = array<i32>} : memref<4096xi32, #tpu.memory_space<vmem>>, vector<16xi32>,
      %parallel_loop3A_88 = arith.constant 65535 : i32
      %parallel_loop3A_89 = vector.broadcast %parallel_loop3A_88 : i32 to vector<16xi32>
      %parallel_loop3A_90 = arith.andi %parallel_loop3A_87, %parallel_loop3A_89 : vector<16xi32>
      %parallel_loop3A_91 = arith.constant 16 : i32
      %parallel_loop3A_92 = vector.broadcast %parallel_loop3A_91 : i32 to vector<16xi32>
      %parallel_loop3A_93 = arith.shrui %parallel_loop3A_87, %parallel_loop3A_92 : vector<16xi32>
      %parallel_loop3A_94 = arith.index_cast %parallel_loop3A_85 : i32 to index
      %parallel_loop3A_95 = tpu.vector_load %arg10[%parallel_loop3A_94] {strides = array<i32>} : memref<4096xf32, #tpu.memory_space<vmem>>, vector<16xf32>,
      %parallel_loop3A_96 = tpu.vector_load_idx %arg6[%parallel_loop3A_90] : memref<50176xf32, #tpu.memory_space<vmem>>[vector<16xi32>], vector<16xf32>,
      %parallel_loop3A_97 = arith.mulf %parallel_loop3A_96, %parallel_loop3A_95 : vector<16xf32>
      tpu.vector_store_idx %arg7[%parallel_loop3A_93], %parallel_loop3A_97 {add = true} : memref<50176xf32, #tpu.memory_space<vmem>>[vector<16xi32>], vector<16xf32>,
    } {sc.loop_unroll_factor = 8 : i64, sc.parallel_access}
    %dma_wait3A_61 = arith.constant 0 : i32
    %dma_wait3A_62 = tpu.memref_slice %arg9[%dma_wait3A_61] : memref<4096xi32, #tpu.memory_space<vmem>> -> memref<1280xi32, #tpu.memory_space<vmem>>
    %dma_wait3A_63 = arith.constant 0 : i32
    %dma_wait3A_64 = tpu.memref_slice %arg3[%dma_wait3A_63] : memref<1600000xi32, #tpu.memory_space<hbm>> -> memref<1280xi32, #tpu.memory_space<hbm>>
    %dma_wait3A_65 = arith.constant 0 : i32
    %dma_wait3A_66 = tpu.memref_slice %arg9[%dma_wait3A_65] : memref<4096xi32, #tpu.memory_space<vmem>> -> memref<1280xi32, #tpu.memory_space<vmem>>
    %dma_wait3A_67 = arith.constant 0 : i32
    %dma_wait3A_68 = tpu.memref_slice %arg3[%dma_wait3A_67] : memref<1600000xi32, #tpu.memory_space<hbm>> -> memref<1280xi32, #tpu.memory_space<hbm>>
    tpu.wait_dma2 semaphore(%arg13 : memref<!tpu.dma_semaphore, #tpu.memory_space<semaphore_mem>>) src(%dma_wait3A_68 : memref<1280xi32, #tpu.memory_space<hbm>>) dst(%dma_wait3A_66 : memref<1280xi32, #tpu.memory_space<vmem>>)
    %dma_wait3A_69 = arith.constant 0 : i32
    %dma_wait3A_70 = tpu.memref_slice %arg11[%dma_wait3A_69] : memref<4096xf32, #tpu.memory_space<vmem>> -> memref<1280xf32, #tpu.memory_space<vmem>>
    %dma_wait3A_71 = arith.constant 0 : i32
    %dma_wait3A_72 = tpu.memref_slice %arg4[%dma_wait3A_71] : memref<1600000xf32, #tpu.memory_space<hbm>> -> memref<1280xf32, #tpu.memory_space<hbm>>
    %dma_wait3A_73 = arith.constant 0 : i32
    %dma_wait3A_74 = tpu.memref_slice %arg11[%dma_wait3A_73] : memref<4096xf32, #tpu.memory_space<vmem>> -> memref<1280xf32, #tpu.memory_space<vmem>>
    %dma_wait3A_75 = arith.constant 0 : i32
    %dma_wait3A_76 = tpu.memref_slice %arg4[%dma_wait3A_75] : memref<1600000xf32, #tpu.memory_space<hbm>> -> memref<1280xf32, #tpu.memory_space<hbm>>
    tpu.wait_dma2 semaphore(%arg13 : memref<!tpu.dma_semaphore, #tpu.memory_space<semaphore_mem>>) src(%dma_wait3A_76 : memref<1280xf32, #tpu.memory_space<hbm>>) dst(%dma_wait3A_74 : memref<1280xf32, #tpu.memory_space<vmem>>)
    %parallel_loop3A_77 = arith.constant 0 : i32
    %parallel_loop3A_78 = arith.constant 1280 : i32
    %parallel_loop3A_79 = arith.constant 16 : i32
    scf.for %parallel_loop3A_85 = %parallel_loop3A_77 to %parallel_loop3A_78 step %parallel_loop3A_79  : i32 {
      %parallel_loop3A_86 = arith.index_cast %parallel_loop3A_85 : i32 to index
      %parallel_loop3A_87 = tpu.vector_load %arg9[%parallel_loop3A_86] {strides = array<i32>} : memref<4096xi32, #tpu.memory_space<vmem>>, vector<16xi32>,
      %parallel_loop3A_88 = arith.constant 65535 : i32
      %parallel_loop3A_89 = vector.broadcast %parallel_loop3A_88 : i32 to vector<16xi32>
      %parallel_loop3A_90 = arith.andi %parallel_loop3A_87, %parallel_loop3A_89 : vector<16xi32>
      %parallel_loop3A_91 = arith.constant 16 : i32
      %parallel_loop3A_92 = vector.broadcast %parallel_loop3A_91 : i32 to vector<16xi32>
      %parallel_loop3A_93 = arith.shrui %parallel_loop3A_87, %parallel_loop3A_92 : vector<16xi32>
      %parallel_loop3A_94 = arith.index_cast %parallel_loop3A_85 : i32 to index
      %parallel_loop3A_95 = tpu.vector_load %arg11[%parallel_loop3A_94] {strides = array<i32>} : memref<4096xf32, #tpu.memory_space<vmem>>, vector<16xf32>,
      %parallel_loop3A_96 = tpu.vector_load_idx %arg6[%parallel_loop3A_90] : memref<50176xf32, #tpu.memory_space<vmem>>[vector<16xi32>], vector<16xf32>,
      %parallel_loop3A_97 = arith.mulf %parallel_loop3A_96, %parallel_loop3A_95 : vector<16xf32>
      tpu.vector_store_idx %arg7[%parallel_loop3A_93], %parallel_loop3A_97 {add = true} : memref<50176xf32, #tpu.memory_space<vmem>>[vector<16xi32>], vector<16xf32>,
    } {sc.loop_unroll_factor = 8 : i64, sc.parallel_access}
    %mul3A_80 = arith.constant 16 : i32
    %mul3A_81 = arith.muli %arg0, %mul3A_80 : i32
    %add3A_82 = arith.addi %mul3A_81, %arg1 : i32
    %mul3A_83 = arith.constant 50176 : i32
    %mul3A_84 = arith.muli %add3A_82, %mul3A_83 : i32
    "tpu.region"() ({
      %run_scoped3A = tpu.sem_alloc : memref<!tpu.dma_semaphore, #tpu.memory_space<semaphore_mem>>
      %dma_start3A_85 = tpu.memref_slice %arg5[%mul3A_84] : memref<1605632xf32, #tpu.memory_space<hbm>> -> memref<50176xf32, #tpu.memory_space<hbm>>
      %dma_start3A_86 = tpu.memref_slice %arg5[%mul3A_84] : memref<1605632xf32, #tpu.memory_space<hbm>> -> memref<50176xf32, #tpu.memory_space<hbm>>
      tpu.enqueue_dma source(%arg7 : memref<50176xf32, #tpu.memory_space<vmem>>) target(%dma_start3A_86 : memref<50176xf32, #tpu.memory_space<hbm>>) target_semaphore(%run_scoped3A : memref<!tpu.dma_semaphore, #tpu.memory_space<semaphore_mem>>)
      %dma_wait3A_87 = tpu.memref_slice %arg5[%mul3A_84] : memref<1605632xf32, #tpu.memory_space<hbm>> -> memref<50176xf32, #tpu.memory_space<hbm>>
      %dma_wait3A_88 = tpu.memref_slice %arg5[%mul3A_84] : memref<1605632xf32, #tpu.memory_space<hbm>> -> memref<50176xf32, #tpu.memory_space<hbm>>
      tpu.wait_dma2 semaphore(%run_scoped3A : memref<!tpu.dma_semaphore, #tpu.memory_space<semaphore_mem>>) src(%arg7 : memref<50176xf32, #tpu.memory_space<vmem>>) dst(%dma_wait3A_88 : memref<50176xf32, #tpu.memory_space<hbm>>)
      tpu.yield
    }) : () -> ()
    return
  }
}

module attributes {stable_mosaic.version = 14 : i64} {
  func.func @_pack_body(%arg0: i32, %arg1: memref<2x16384xi32, #tpu.memory_space<vmem>>, %arg2: memref<1x16384xf32, #tpu.memory_space<vmem>>, %arg3: memref<1x16384xi32, #tpu.memory_space<vmem>>, %arg4: memref<1x16384xi32, #tpu.memory_space<vmem>>, %arg5: memref<1x16384xf32, #tpu.memory_space<vmem>>) attributes {dimension_semantics = [#tpu.dimension_semantics<arbitrary>], iteration_bounds = array<i64: 98>, scalar_prefetch = 0 : i64, scratch_operands = 0 : i64, tpu.core_type = #tpu.core_type<tc>, window_params = [{transform_indices = @transform_0, window_bounds = array<i64: 2, 16384>}, {transform_indices = @transform_1, window_bounds = array<i64: 1, 16384>}, {transform_indices = @transform_2, window_bounds = array<i64: 1, 16384>}, {transform_indices = @transform_3, window_bounds = array<i64: 1, 16384>}, {transform_indices = @transform_4, window_bounds = array<i64: 1, 16384>}]} {
    %mul3A = arith.constant 16384 : i32
    %mul3A_0 = arith.muli %arg0, %mul3A : i32
    %iota3A = tpu.iota {dimensions = array<i32: 1>} : vector<1x16384xi32>
    %add3A = vector.broadcast %mul3A_0 : i32 to vector<1x16384xi32>
    %add3A_1 = arith.addi %add3A, %iota3A : vector<1x16384xi32>
    %lt3A = arith.constant 1600000 : i32
    %lt3A_2 = vector.broadcast %lt3A : i32 to vector<1x16384xi32>
    %lt3A_3 = arith.cmpi slt, %add3A_1, %lt3A_2 : vector<1x16384xi32>
    %get3A = arith.constant 0 : index
    %get3A_4 = arith.constant 0 : index
    %get3A_5 = vector.load %arg1[%get3A, %get3A_4] : memref<2x16384xi32, #tpu.memory_space<vmem>>, vector<1x16384xi32>
    %get3A_6 = arith.constant 1 : index
    %get3A_7 = arith.constant 0 : index
    %get3A_8 = vector.load %arg1[%get3A_6, %get3A_7] : memref<2x16384xi32, #tpu.memory_space<vmem>>, vector<1x16384xi32>
    %shift_left3A = arith.constant 16 : i32
    %shift_left3A_9 = vector.broadcast %shift_left3A : i32 to vector<1x16384xi32>
    %shift_left3A_10 = arith.shli %get3A_8, %shift_left3A_9 : vector<1x16384xi32>
    %or3A = arith.ori %get3A_5, %shift_left3A_10 : vector<1x16384xi32>
    %swap3A = arith.constant 0 : index
    %swap3A_11 = arith.constant 0 : index
    %swap3A_12 = vector.load %arg3[%swap3A, %swap3A_11] : memref<1x16384xi32, #tpu.memory_space<vmem>>, vector<1x16384xi32>
    tpu.vector_store %arg3[%swap3A, %swap3A_11], %or3A {strides = array<i32>} : memref<1x16384xi32, #tpu.memory_space<vmem>>, vector<1x16384xi32>,
    %jit3A = arith.constant 0 : i32
    %broadcast_in_dim3A = vector.broadcast %jit3A : i32 to vector<1x16384xi32>
    %select_n3A = arith.select %lt3A_3, %get3A_8, %broadcast_in_dim3A : vector<1x16384xi1>, vector<1x16384xi32>
    %swap3A_13 = arith.constant 0 : index
    %swap3A_14 = arith.constant 0 : index
    %swap3A_15 = vector.load %arg4[%swap3A_13, %swap3A_14] : memref<1x16384xi32, #tpu.memory_space<vmem>>, vector<1x16384xi32>
    tpu.vector_store %arg4[%swap3A_13, %swap3A_14], %select_n3A {strides = array<i32>} : memref<1x16384xi32, #tpu.memory_space<vmem>>, vector<1x16384xi32>,
    %get3A_16 = arith.constant 0 : index
    %get3A_17 = arith.constant 0 : index
    %get3A_18 = vector.load %arg2[%get3A_16, %get3A_17] : memref<1x16384xf32, #tpu.memory_space<vmem>>, vector<1x16384xf32>
    %jit3A_19 = arith.constant 0.000000e+00 : f32
    %broadcast_in_dim3A_20 = vector.broadcast %jit3A_19 : f32 to vector<1x16384xf32>
    %select_n3A_21 = arith.select %lt3A_3, %get3A_18, %broadcast_in_dim3A_20 : vector<1x16384xi1>, vector<1x16384xf32>
    %swap3A_22 = arith.constant 0 : index
    %swap3A_23 = arith.constant 0 : index
    %swap3A_24 = vector.load %arg5[%swap3A_22, %swap3A_23] : memref<1x16384xf32, #tpu.memory_space<vmem>>, vector<1x16384xf32>
    tpu.vector_store %arg5[%swap3A_22, %swap3A_23], %select_n3A_21 {strides = array<i32>} : memref<1x16384xf32, #tpu.memory_space<vmem>>, vector<1x16384xf32>,
    return
  }
  func.func @transform_0(%arg0: i32) -> (i32, i32) {
    %c0_i32 = arith.constant 0 : i32
    %c0_i32_0 = arith.constant 0 : i32
    return %c0_i32, %arg0 : i32, i32
  }
  func.func @transform_1(%arg0: i32) -> (i32, i32) {
    %c0_i32 = arith.constant 0 : i32
    %c0_i32_0 = arith.constant 0 : i32
    return %c0_i32, %arg0 : i32, i32
  }
  func.func @transform_2(%arg0: i32) -> (i32, i32) {
    %c0_i32 = arith.constant 0 : i32
    %c0_i32_0 = arith.constant 0 : i32
    return %c0_i32, %arg0 : i32, i32
  }
  func.func @transform_3(%arg0: i32) -> (i32, i32) {
    %c0_i32 = arith.constant 0 : i32
    %c0_i32_0 = arith.constant 0 : i32
    return %c0_i32, %arg0 : i32, i32
  }
  func.func @transform_4(%arg0: i32) -> (i32, i32) {
    %c0_i32 = arith.constant 0 : i32
    %c0_i32_0 = arith.constant 0 : i32
    return %c0_i32, %arg0 : i32, i32
  }
}

module attributes {stable_mosaic.version = 14 : i64} {
  func.func @_prep1_body(%arg0: i32, %arg1: memref<2x1024xf32, #tpu.memory_space<vmem>>, %arg2: memref<1024x50xf32, #tpu.memory_space<vmem>>, %arg3: memref<50x16xf32, #tpu.memory_space<vmem>>, %arg4: memref<1x1024xf32, #tpu.memory_space<vmem>>, %arg5: memref<16x1024xf32, #tpu.memory_space<vmem>>) attributes {dimension_semantics = [#tpu.dimension_semantics<arbitrary>], iteration_bounds = array<i64: 49>, scalar_prefetch = 0 : i64, scratch_operands = 0 : i64, tpu.core_type = #tpu.core_type<tc>, window_params = [{transform_indices = @transform_0, window_bounds = array<i64: 2, 1024>}, {transform_indices = @transform_1, window_bounds = array<i64: 1024, 50>}, {pipeline_mode = #tpu.pipeline_mode<synchronous>, transform_indices = @transform_2, window_bounds = array<i64: 50, 16>}, {transform_indices = @transform_3, window_bounds = array<i64: 1, 1024>}, {transform_indices = @transform_4, window_bounds = array<i64: 16, 1024>}]} {
    %get3A = arith.constant 0 : index
    %get3A_0 = arith.constant 0 : index
    %get3A_1 = vector.load %arg1[%get3A, %get3A_0] : memref<2x1024xf32, #tpu.memory_space<vmem>>, vector<1x1024xf32>
    %get3A_2 = arith.constant 1 : index
    %get3A_3 = arith.constant 0 : index
    %get3A_4 = vector.load %arg1[%get3A_2, %get3A_3] : memref<2x1024xf32, #tpu.memory_space<vmem>>, vector<1x1024xf32>
    %add3A = arith.addf %get3A_1, %get3A_4 : vector<1x1024xf32>
    %add3A_5 = arith.constant 1.000000e+00 : f32
    %add3A_6 = vector.broadcast %add3A_5 : f32 to vector<1x1024xf32>
    %add3A_7 = arith.addf %add3A, %add3A_6 : vector<1x1024xf32>
    %rsqrt3A = math.rsqrt %add3A_7 : vector<1x1024xf32>
    %swap3A = arith.constant 0 : index
    %swap3A_8 = arith.constant 0 : index
    %swap3A_9 = vector.load %arg4[%swap3A, %swap3A_8] : memref<1x1024xf32, #tpu.memory_space<vmem>>, vector<1x1024xf32>
    tpu.vector_store %arg4[%swap3A, %swap3A_8], %rsqrt3A {strides = array<i32>} : memref<1x1024xf32, #tpu.memory_space<vmem>>, vector<1x1024xf32>,
    %get3A_10 = arith.constant 0 : index
    %get3A_11 = arith.constant 0 : index
    %get3A_12 = vector.load %arg3[%get3A_10, %get3A_11] : memref<50x16xf32, #tpu.memory_space<vmem>>, vector<50x16xf32>
    %get3A_13 = arith.constant 0 : index
    %get3A_14 = arith.constant 0 : index
    %get3A_15 = vector.load %arg2[%get3A_13, %get3A_14] : memref<1024x50xf32, #tpu.memory_space<vmem>>, vector<1024x50xf32>
    %dot_general3A = arith.constant dense<0.000000e+00> : vector<16x1024xf32>
    %dot_general3A_16 = tpu.matmul %get3A_12, %get3A_15, %dot_general3A {dimension_numbers = #tpu.dot_dimension_numbers<[0], [1], [1], [0], [0, 1, 1, 0], [], []>, transpose_lhs_hint = false} : vector<50x16xf32>, vector<1024x50xf32>, vector<16x1024xf32> -> vector<16x1024xf32>
    %mul3A = vector.broadcast %rsqrt3A : vector<1x1024xf32> to vector<16x1024xf32>
    %mul3A_17 = arith.mulf %dot_general3A_16, %mul3A : vector<16x1024xf32>
    %swap3A_18 = arith.constant 0 : index
    %swap3A_19 = arith.constant 0 : index
    %swap3A_20 = vector.load %arg5[%swap3A_18, %swap3A_19] : memref<16x1024xf32, #tpu.memory_space<vmem>>, vector<16x1024xf32>
    tpu.vector_store %arg5[%swap3A_18, %swap3A_19], %mul3A_17 {strides = array<i32>} : memref<16x1024xf32, #tpu.memory_space<vmem>>, vector<16x1024xf32>,
    return
  }
  func.func @transform_0(%arg0: i32) -> (i32, i32) {
    %c0_i32 = arith.constant 0 : i32
    %c0_i32_0 = arith.constant 0 : i32
    return %c0_i32, %arg0 : i32, i32
  }
  func.func @transform_1(%arg0: i32) -> (i32, i32) {
    %c0_i32 = arith.constant 0 : i32
    %c0_i32_0 = arith.constant 0 : i32
    return %arg0, %c0_i32 : i32, i32
  }
  func.func @transform_2(%arg0: i32) -> (i32, i32) {
    %c0_i32 = arith.constant 0 : i32
    %c0_i32_0 = arith.constant 0 : i32
    %c0_i32_1 = arith.constant 0 : i32
    return %c0_i32, %c0_i32_0 : i32, i32
  }
  func.func @transform_3(%arg0: i32) -> (i32, i32) {
    %c0_i32 = arith.constant 0 : i32
    %c0_i32_0 = arith.constant 0 : i32
    return %c0_i32, %arg0 : i32, i32
  }
  func.func @transform_4(%arg0: i32) -> (i32, i32) {
    %c0_i32 = arith.constant 0 : i32
    %c0_i32_0 = arith.constant 0 : i32
    return %c0_i32, %arg0 : i32, i32
  }
}

module attributes {stable_mosaic.version = 14 : i64} {
  func.func @_mid_body(%arg0: i32, %arg1: memref<2x16x1024xf32, #tpu.memory_space<vmem>>, %arg2: memref<16x1024xf32, #tpu.memory_space<vmem>>, %arg3: memref<1x1024xf32, #tpu.memory_space<vmem>>, %arg4: memref<16x128xf32, #tpu.memory_space<vmem>>, %arg5: memref<16x16xf32, #tpu.memory_space<vmem>>, %arg6: memref<16x1024xf32, #tpu.memory_space<vmem>>) attributes {dimension_semantics = [#tpu.dimension_semantics<arbitrary>], iteration_bounds = array<i64: 49>, scalar_prefetch = 0 : i64, scratch_operands = 0 : i64, tpu.core_type = #tpu.core_type<tc>, window_params = [{transform_indices = @transform_0, window_bounds = array<i64: 2, 16, 1024>}, {transform_indices = @transform_1, window_bounds = array<i64: 16, 1024>}, {transform_indices = @transform_2, window_bounds = array<i64: 1, 1024>}, {pipeline_mode = #tpu.pipeline_mode<synchronous>, transform_indices = @transform_3, window_bounds = array<i64: 16, 128>}, {pipeline_mode = #tpu.pipeline_mode<synchronous>, transform_indices = @transform_4, window_bounds = array<i64: 16, 16>}, {transform_indices = @transform_5, window_bounds = array<i64: 16, 1024>}]} {
    %get3A = arith.constant 0 : index
    %get3A_0 = arith.constant 0 : index
    %get3A_1 = arith.constant 0 : index
    %get3A_2 = vector.load %arg1[%get3A, %get3A_0, %get3A_1] : memref<2x16x1024xf32, #tpu.memory_space<vmem>>, vector<1x16x1024xf32>
    %get3A_3 = vector.shape_cast %get3A_2 : vector<1x16x1024xf32> to vector<16x1024xf32>
    %get3A_4 = arith.constant 1 : index
    %get3A_5 = arith.constant 0 : index
    %get3A_6 = arith.constant 0 : index
    %get3A_7 = vector.load %arg1[%get3A_4, %get3A_5, %get3A_6] : memref<2x16x1024xf32, #tpu.memory_space<vmem>>, vector<1x16x1024xf32>
    %get3A_8 = vector.shape_cast %get3A_7 : vector<1x16x1024xf32> to vector<16x1024xf32>
    %add3A = arith.addf %get3A_3, %get3A_8 : vector<16x1024xf32>
    %get3A_9 = arith.constant 0 : index
    %get3A_10 = arith.constant 0 : index
    %get3A_11 = vector.load %arg3[%get3A_9, %get3A_10] : memref<1x1024xf32, #tpu.memory_space<vmem>>, vector<1x1024xf32>
    %get3A_12 = arith.constant 0 : index
    %get3A_13 = arith.constant 0 : index
    %get3A_14 = vector.load %arg2[%get3A_12, %get3A_13] : memref<16x1024xf32, #tpu.memory_space<vmem>>, vector<16x1024xf32>
    %add3A_15 = arith.addf %add3A, %get3A_14 : vector<16x1024xf32>
    %mul3A = vector.broadcast %get3A_11 : vector<1x1024xf32> to vector<16x1024xf32>
    %mul3A_16 = arith.mulf %mul3A, %add3A_15 : vector<16x1024xf32>
    %get3A_17 = arith.constant 0 : index
    %get3A_18 = arith.constant 0 : index
    %get3A_19 = vector.load %arg4[%get3A_17, %get3A_18] : memref<16x128xf32, #tpu.memory_space<vmem>>, vector<16x1xf32>
    %add3A_20 = vector.broadcast %get3A_19 : vector<16x1xf32> to vector<16x1024xf32>
    %add3A_21 = arith.addf %mul3A_16, %add3A_20 : vector<16x1024xf32>
    %max3A = arith.constant 0.000000e+00 : f32
    %max3A_22 = vector.broadcast %max3A : f32 to vector<16x1024xf32>
    %max3A_23 = arith.maximumf %add3A_21, %max3A_22 : vector<16x1024xf32>
    %get3A_24 = arith.constant 0 : index
    %get3A_25 = arith.constant 0 : index
    %get3A_26 = vector.load %arg5[%get3A_24, %get3A_25] : memref<16x16xf32, #tpu.memory_space<vmem>>, vector<16x16xf32>
    %dot_general3A = arith.constant dense<0.000000e+00> : vector<16x1024xf32>
    %dot_general3A_27 = tpu.matmul %get3A_26, %max3A_23, %dot_general3A {dimension_numbers = #tpu.dot_dimension_numbers<[0], [0], [1], [1], [0, 1, 1, 1], [], []>, transpose_lhs_hint = false} : vector<16x16xf32>, vector<16x1024xf32>, vector<16x1024xf32> -> vector<16x1024xf32>
    %mul3A_28 = vector.broadcast %get3A_11 : vector<1x1024xf32> to vector<16x1024xf32>
    %mul3A_29 = arith.mulf %dot_general3A_27, %mul3A_28 : vector<16x1024xf32>
    %swap3A = arith.constant 0 : index
    %swap3A_30 = arith.constant 0 : index
    %swap3A_31 = vector.load %arg6[%swap3A, %swap3A_30] : memref<16x1024xf32, #tpu.memory_space<vmem>>, vector<16x1024xf32>
    tpu.vector_store %arg6[%swap3A, %swap3A_30], %mul3A_29 {strides = array<i32>} : memref<16x1024xf32, #tpu.memory_space<vmem>>, vector<16x1024xf32>,
    return
  }
  func.func @transform_0(%arg0: i32) -> (i32, i32, i32) {
    %c0_i32 = arith.constant 0 : i32
    %c0_i32_0 = arith.constant 0 : i32
    %c0_i32_1 = arith.constant 0 : i32
    return %c0_i32, %c0_i32_0, %arg0 : i32, i32, i32
  }
  func.func @transform_1(%arg0: i32) -> (i32, i32) {
    %c0_i32 = arith.constant 0 : i32
    %c0_i32_0 = arith.constant 0 : i32
    return %c0_i32, %arg0 : i32, i32
  }
  func.func @transform_2(%arg0: i32) -> (i32, i32) {
    %c0_i32 = arith.constant 0 : i32
    %c0_i32_0 = arith.constant 0 : i32
    return %c0_i32, %arg0 : i32, i32
  }
  func.func @transform_3(%arg0: i32) -> (i32, i32) {
    %c0_i32 = arith.constant 0 : i32
    %c0_i32_0 = arith.constant 0 : i32
    %c0_i32_1 = arith.constant 0 : i32
    return %c0_i32, %c0_i32_0 : i32, i32
  }
  func.func @transform_4(%arg0: i32) -> (i32, i32) {
    %c0_i32 = arith.constant 0 : i32
    %c0_i32_0 = arith.constant 0 : i32
    %c0_i32_1 = arith.constant 0 : i32
    return %c0_i32, %c0_i32_0 : i32, i32
  }
  func.func @transform_5(%arg0: i32) -> (i32, i32) {
    %c0_i32 = arith.constant 0 : i32
    %c0_i32_0 = arith.constant 0 : i32
    return %c0_i32, %arg0 : i32, i32
  }
}

module attributes {stable_mosaic.version = 14 : i64} {
  func.func @_fin_body(%arg0: i32, %arg1: memref<2x16x1024xf32, #tpu.memory_space<vmem>>, %arg2: memref<16x1024xf32, #tpu.memory_space<vmem>>, %arg3: memref<1x1024xf32, #tpu.memory_space<vmem>>, %arg4: memref<16x128xf32, #tpu.memory_space<vmem>>, %arg5: memref<16x128xf32, #tpu.memory_space<vmem>>, %arg6: memref<1x128xf32, #tpu.memory_space<vmem>>, %arg7: memref<1x1024xf32, #tpu.memory_space<vmem>>) attributes {dimension_semantics = [#tpu.dimension_semantics<arbitrary>], iteration_bounds = array<i64: 49>, scalar_prefetch = 0 : i64, scratch_operands = 0 : i64, tpu.core_type = #tpu.core_type<tc>, window_params = [{transform_indices = @transform_0, window_bounds = array<i64: 2, 16, 1024>}, {transform_indices = @transform_1, window_bounds = array<i64: 16, 1024>}, {transform_indices = @transform_2, window_bounds = array<i64: 1, 1024>}, {pipeline_mode = #tpu.pipeline_mode<synchronous>, transform_indices = @transform_3, window_bounds = array<i64: 16, 128>}, {pipeline_mode = #tpu.pipeline_mode<synchronous>, transform_indices = @transform_4, window_bounds = array<i64: 16, 128>}, {pipeline_mode = #tpu.pipeline_mode<synchronous>, transform_indices = @transform_5, window_bounds = array<i64: 1, 128>}, {transform_indices = @transform_6, window_bounds = array<i64: 1, 1024>}]} {
    %get3A = arith.constant 0 : index
    %get3A_0 = arith.constant 0 : index
    %get3A_1 = arith.constant 0 : index
    %get3A_2 = vector.load %arg1[%get3A, %get3A_0, %get3A_1] : memref<2x16x1024xf32, #tpu.memory_space<vmem>>, vector<1x16x1024xf32>
    %get3A_3 = vector.shape_cast %get3A_2 : vector<1x16x1024xf32> to vector<16x1024xf32>
    %get3A_4 = arith.constant 1 : index
    %get3A_5 = arith.constant 0 : index
    %get3A_6 = arith.constant 0 : index
    %get3A_7 = vector.load %arg1[%get3A_4, %get3A_5, %get3A_6] : memref<2x16x1024xf32, #tpu.memory_space<vmem>>, vector<1x16x1024xf32>
    %get3A_8 = vector.shape_cast %get3A_7 : vector<1x16x1024xf32> to vector<16x1024xf32>
    %add3A = arith.addf %get3A_3, %get3A_8 : vector<16x1024xf32>
    %get3A_9 = arith.constant 0 : index
    %get3A_10 = arith.constant 0 : index
    %get3A_11 = vector.load %arg3[%get3A_9, %get3A_10] : memref<1x1024xf32, #tpu.memory_space<vmem>>, vector<1x1024xf32>
    %get3A_12 = arith.constant 0 : index
    %get3A_13 = arith.constant 0 : index
    %get3A_14 = vector.load %arg2[%get3A_12, %get3A_13] : memref<16x1024xf32, #tpu.memory_space<vmem>>, vector<16x1024xf32>
    %add3A_15 = arith.addf %add3A, %get3A_14 : vector<16x1024xf32>
    %mul3A = vector.broadcast %get3A_11 : vector<1x1024xf32> to vector<16x1024xf32>
    %mul3A_16 = arith.mulf %mul3A, %add3A_15 : vector<16x1024xf32>
    %get3A_17 = arith.constant 0 : index
    %get3A_18 = arith.constant 0 : index
    %get3A_19 = vector.load %arg4[%get3A_17, %get3A_18] : memref<16x128xf32, #tpu.memory_space<vmem>>, vector<16x1xf32>
    %add3A_20 = vector.broadcast %get3A_19 : vector<16x1xf32> to vector<16x1024xf32>
    %add3A_21 = arith.addf %mul3A_16, %add3A_20 : vector<16x1024xf32>
    %get3A_22 = arith.constant 0 : index
    %get3A_23 = arith.constant 0 : index
    %get3A_24 = vector.load %arg5[%get3A_22, %get3A_23] : memref<16x128xf32, #tpu.memory_space<vmem>>, vector<16x1xf32>
    %mul3A_25 = vector.broadcast %get3A_24 : vector<16x1xf32> to vector<16x1024xf32>
    %mul3A_26 = arith.mulf %mul3A_25, %add3A_21 : vector<16x1024xf32>
    %reduce_sum3A = arith.constant dense<0.000000e+00> : vector<1024xf32>
    %reduce_sum3A_27 = vector.multi_reduction <add>, %mul3A_26, %reduce_sum3A [0] : vector<16x1024xf32> to vector<1024xf32>
    %broadcast_in_dim3A = vector.shape_cast %reduce_sum3A_27 : vector<1024xf32> to vector<1x1024xf32>
    %get3A_28 = arith.constant 0 : index
    %get3A_29 = arith.constant 0 : index
    %get3A_30 = vector.load %arg6[%get3A_28, %get3A_29] : memref<1x128xf32, #tpu.memory_space<vmem>>, vector<1x1xf32>
    %add3A_31 = vector.broadcast %get3A_30 : vector<1x1xf32> to vector<1x1024xf32>
    %add3A_32 = arith.addf %broadcast_in_dim3A, %add3A_31 : vector<1x1024xf32>
    %logistic3A = arith.negf %add3A_32 : vector<1x1024xf32>
    %logistic3A_33 = math.exp %logistic3A : vector<1x1024xf32>
    %logistic3A_34 = arith.constant 1.000000e+00 : f32
    %logistic3A_35 = vector.broadcast %logistic3A_34 : f32 to vector<1x1024xf32>
    %logistic3A_36 = arith.addf %logistic3A_35, %logistic3A_33 : vector<1x1024xf32>
    %logistic3A_37 = arith.divf %logistic3A_35, %logistic3A_36 : vector<1x1024xf32>
    %swap3A = arith.constant 0 : index
    %swap3A_38 = arith.constant 0 : index
    %swap3A_39 = vector.load %arg7[%swap3A, %swap3A_38] : memref<1x1024xf32, #tpu.memory_space<vmem>>, vector<1x1024xf32>
    tpu.vector_store %arg7[%swap3A, %swap3A_38], %logistic3A_37 {strides = array<i32>} : memref<1x1024xf32, #tpu.memory_space<vmem>>, vector<1x1024xf32>,
    return
  }
  func.func @transform_0(%arg0: i32) -> (i32, i32, i32) {
    %c0_i32 = arith.constant 0 : i32
    %c0_i32_0 = arith.constant 0 : i32
    %c0_i32_1 = arith.constant 0 : i32
    return %c0_i32, %c0_i32_0, %arg0 : i32, i32, i32
  }
  func.func @transform_1(%arg0: i32) -> (i32, i32) {
    %c0_i32 = arith.constant 0 : i32
    %c0_i32_0 = arith.constant 0 : i32
    return %c0_i32, %arg0 : i32, i32
  }
  func.func @transform_2(%arg0: i32) -> (i32, i32) {
    %c0_i32 = arith.constant 0 : i32
    %c0_i32_0 = arith.constant 0 : i32
    return %c0_i32, %arg0 : i32, i32
  }
  func.func @transform_3(%arg0: i32) -> (i32, i32) {
    %c0_i32 = arith.constant 0 : i32
    %c0_i32_0 = arith.constant 0 : i32
    %c0_i32_1 = arith.constant 0 : i32
    return %c0_i32, %c0_i32_0 : i32, i32
  }
  func.func @transform_4(%arg0: i32) -> (i32, i32) {
    %c0_i32 = arith.constant 0 : i32
    %c0_i32_0 = arith.constant 0 : i32
    %c0_i32_1 = arith.constant 0 : i32
    return %c0_i32, %c0_i32_0 : i32, i32
  }
  func.func @transform_5(%arg0: i32) -> (i32, i32) {
    %c0_i32 = arith.constant 0 : i32
    %c0_i32_0 = arith.constant 0 : i32
    %c0_i32_1 = arith.constant 0 : i32
    return %c0_i32, %c0_i32_0 : i32, i32
  }
  func.func @transform_6(%arg0: i32) -> (i32, i32) {
    %c0_i32 = arith.constant 0 : i32
    %c0_i32_0 = arith.constant 0 : i32
    return %c0_i32, %arg0 : i32, i32
  }
}

</mosaic_0001>

<sc_bundles>
// kernel: kernel.12.cloned.1.call-start
scs
__scs_entry_jumppad:
0x0: {  	(pc) =	sbr.rel $0x88, $3  }
0x1: {  	(tag) =	ssettag $0x0;
	lr =	simm.s32 $0x1  }
0x2: {  	[smem:$0x3F98] =	sst lr;
	_ =	strace $0xD0000000  }
0x3: {  	_ = 	snop  }
0x4: {  	_ = 	snop  }
0x5: {  	_ = 	snop  }
0x6: {  	_ = 	snop  }
0x7: {  	_ = 	snop  }
__scs_overlays_trampoline_lowered:
0x8: {  	[smem:$0x3FA7] =	sst s0  }
0x9: {  	[smem:$0x3FA8] =	sst s1  }
0xa: {  	[smem:$0x3FA9] =	sst s2  }
0xb: {  	[smem:$0x3FAA] =	sst s3  }
0xc: {  	[smem:$0x3FAB] =	sst s4  }
0xd: {  	[smem:$0x3FAC] =	sst s5  }
0xe: {  	[smem:$0x3FAD] =	sst s6  }
0xf: {  	[smem:$0x3FAE] =	sst s7  }
0x10: {  	[smem:$0x3FAF] =	sst s8  }
0x11: {  	[smem:$0x3FB0] =	sst s9;
	s0 =	simm.s32 @!p0 $0x0  }
0x12: {  	s1 =	sld [smem:$0x3F96];
	s0 =	simm.s32 @p0 $0x1  }
0x13: {  	[smem:$0x3FB1] =	sst s0;
	s0 =	simm.s32 @!p1 $0x0  }
0x14: {  	s2 =	sld [smem:$0x3F95];
	s0 =	simm.s32 @p1 $0x1  }
0x15: {  	[smem:$0x3FB2] =	sst s0;
	s0 =	simm.s32 @!p2 $0x0  }
0x16: {  	s3 =	sld [smem:$0x3FDB];
	s0 =	simm.s32 @p2 $0x1  }
0x17: {  	s4 =	simm.s32 $0x1BF5;
	[smem:$0x3FB4] =	sst s0  }
0x18: {  	s0 =	sld [smem:$0x3F97];
	_ =	swait.ge [sflag:s4], $0x0  }
0x19: {  	s7 =	sld [smem:$0x3F98]  }
0x1a: {  	s8 =	sadd.s32 $0xFFFFE003, lr  }
0x1b: {  	s9 =	sadd.s32 $0xFFFFFEF7, lr;
	s5 =	simm.s32 $0xFFFFFFFF;
	p2 =	slt.u32 s8, $0xFFFFF086  }
0x1c: {  	p1 =	slt.u32 s9, $0xF7A;
	s5 =	simm.s32 @!p2 $0x0  }
0x1d: {  	s5 =	simm.s32 @p1 $0x1;
	p0 =	seq.s32 s7, s2  }
0x1e: {  	s7 =	smul.u32 @!p0 $0xF7A, s2;
	p2 =	seq.s32 @!p0 s5, $0x0  }
0x1f: {  	s9 =	smul.u32 $0xF7A, s1;
	s8 =	simm.s32 @!p0 $0x1BF5;
	p2 =	por !p2, p0  }
0x20: {  	[sflag:s8] =	ssyncset.s32 @!p0 $0xFFFFF086;
	s6 =	sadd.s32 @!p0 s3, s7;
	s7 =	simm.s32 @!p0 $0x108  }
0x21: {  	s3 =	sadd.s32 s3, s9;
	s6 =	sadd.s32 @!p0 $0x88, s6;
	s7 =	simm.s32 @p2 $0x1082  }
0x22: {  	[simem:s7], [sflag:s8] =	dma.local @!p0 [hbm:s6], $0xF7A  }
0x23: {  	s9 =	sor.u32 $0xD0000000, s2;
	s6 =	simm.s32 $0x108;
	_ =	swait.ge @!p0 [sflag:s8], $0x0  }
0x24: {  	s3 =	sadd.s32 $0x88, s3;
	s6 =	simm.s32 @!p1 $0x1082;
	[sflag:s4] =	ssyncset.s32 $0xFFFFF086  }
0x25: {  	[simem:s6], [sflag:s4] =	dma.local [hbm:s3], $0xF7A  }
0x26: {  	[smem:$0x3F98] =	sst s1;
	(tag) =	ssettag s2;
	_ =	strace s9  }
0x27: {  	s1 =	sld [smem:$0x3FA8]  }
0x28: {  	s2 =	sld [smem:$0x3FA9]  }
0x29: {  	s4 =	sld [smem:$0x3FAB]  }
0x2a: {  	p0 =	seq.s32 s5, $0x0;
	s5 =	sld [smem:$0x3FAC]  }
0x2b: {  	s6 =	sld [smem:$0x3FAD]  }
0x2c: {  	s7 =	sld [smem:$0x3FAE]  }
0x2d: {  	s3 =	simm.s32 $0x108;
	s8 =	sld [smem:$0x3FAF]  }
0x2e: {  	s3 =	simm.s32 @!p0 $0x1082;
	s9 =	sld [smem:$0x3FB0]  }
0x2f: {  	lr =	sadd.s32 s0, s3;
	s0 =	sld [smem:$0x3FA7]  }
0x30: {  	s3 =	sld [smem:$0x3FAA]  }
0x31: {  	[smem:$0x3FB3] =	sst s10  }
0x32: {  	s10 =	sld [smem:$0x3FB1];
	_ =	sdelay $0x3  }
0x33: {  	p0 =	seq.s32 s10, $0x1;
	s10 =	sld [smem:$0x3FB3];
	_ =	sdelay $0x3  }
0x34: {  	[smem:$0x3FB3] =	sst s10  }
0x35: {  	s10 =	sld [smem:$0x3FB2];
	_ =	sdelay $0x3  }
0x36: {  	p1 =	seq.s32 s10, $0x1;
	s10 =	sld [smem:$0x3FB3];
	_ =	sdelay $0x3  }
0x37: {  	[smem:$0x3FB3] =	sst s10  }
0x38: {  	s10 =	sld [smem:$0x3FB4]  }
0x39: {  	_ = 	snop;
	(pc) =	sbr.ind lr, $3  }
0x3a: {  	_ = 	snop  }
0x3b: {  	_ = 	snop  }
0x3c: {  	p2 =	seq.s32 s10, $0x1;
	s10 =	sld [smem:$0x3FB3]  }
0x3d: {  	_ =	shalt  }
0x3e: {  	_ =	shalt  }
0x3f: {  	_ =	shalt  }
0x40: {  	_ =	shalt  }
0x41: {  	_ =	shalt  }
0x42: {  	_ =	shalt  }
0x43: {  	_ =	shalt  }
0x44: {  	_ =	shalt  }
0x45: {  	_ =	shalt  }
0x46: {  	_ =	shalt  }
0x47: {  	_ =	shalt  }
0x48: {  	_ =	shalt  }
0x49: {  	_ =	shalt  }
0x4a: {  	_ =	shalt  }
0x4b: {  	_ =	shalt  }
0x4c: {  	_ =	shalt  }
0x4d: {  	_ =	shalt  }
0x4e: {  	_ =	shalt  }
0x4f: {  	_ =	shalt  }
0x50: {  	_ =	shalt  }
0x51: {  	_ =	shalt  }
0x52: {  	_ =	shalt  }
0x53: {  	_ =	shalt  }
0x54: {  	_ =	shalt  }
0x55: {  	_ =	shalt  }
0x56: {  	_ =	shalt  }
0x57: {  	_ =	shalt  }
0x58: {  	_ =	shalt  }
0x59: {  	_ =	shalt  }
0x5a: {  	_ =	shalt  }
0x5b: {  	_ =	shalt  }
0x5c: {  	_ =	shalt  }
0x5d: {  	_ =	shalt  }
0x5e: {  	_ =	shalt  }
0x5f: {  	_ =	shalt  }
0x60: {  	_ =	shalt  }
0x61: {  	_ =	shalt  }
0x62: {  	_ =	shalt  }
0x63: {  	_ =	shalt  }
0x64: {  	_ =	shalt  }
0x65: {  	_ =	shalt  }
0x66: {  	_ =	shalt  }
0x67: {  	_ =	shalt  }
0x68: {  	_ =	shalt  }
0x69: {  	_ =	shalt  }
0x6a: {  	_ =	shalt  }
0x6b: {  	_ =	shalt  }
0x6c: {  	_ =	shalt  }
0x6d: {  	_ =	shalt  }
0x6e: {  	_ =	shalt  }
0x6f: {  	_ =	shalt  }
0x70: {  	_ =	shalt  }
0x71: {  	_ =	shalt  }
0x72: {  	_ =	shalt  }
0x73: {  	_ =	shalt  }
0x74: {  	_ =	shalt  }
0x75: {  	_ =	shalt  }
0x76: {  	_ =	shalt  }
0x77: {  	_ =	shalt  }
0x78: {  	_ =	shalt  }
0x79: {  	_ =	shalt  }
0x7a: {  	_ =	shalt  }
0x7b: {  	_ =	shalt  }
0x7c: {  	_ =	shalt  }
0x7d: {  	_ =	shalt  }
0x7e: {  	_ =	shalt  }
0x7f: {  	_ =	shalt  }
0x80: {  	_ =	shalt  }
0x81: {  	_ =	shalt  }
0x82: {  	_ =	shalt  }
0x83: {  	_ =	shalt  }
0x84: {  	_ =	shalt  }
0x85: {  	_ =	shalt  }
0x86: {  	_ =	shalt  }
0x87: {  	_ =	shalt  }
.Lfunc_end0:
.L_simem_size_0:
called_computation.1_lowered:
.L_overlay_start_0:
0x88: {  	s2 =	sld [smem:$0x3FD9]  }
0x89: {  	s3 =	sld [smem:$0x3FFE];
	_ =	sdelay $0x1  }
0x8a: {  	s1 =	srdreg.scid  }
0x8b: {  	s0 =	sand.u32 $0x1, s1  }
0x8c: {  	s17 =	sshll.u32 s0, $0xA;
	s2 =	sadd.s32 s3, s2  }
0x8d: {  	s2 =	sadd.s32 s2, s17  }
0x8e: {  	[smem:$0x3FBF] =	sst s2  }
0x8f: {  	_ = 	snop  }
0x90: {  	s2 =	sld [smem:$0x3FC7];
	(tm) =	ssettm $0x1  }
0x91: {  	s18 =	sld [smem:$0x3FFB];
	_ =	sdelay $0x3  }
0x92: {  	_ =	strace s18  }
0x93: {  	s3 =	sld [smem:$0x3FFC];
	_ =	sdelay $0x3  }
0x94: {  	_ =	strace s3  }
0x95: {  	s3 =	sld [smem:$0x3FFD];
	_ =	sdelay $0x3  }
0x96: {  	_ =	strace s3  }
0x97: {  	_ =	strace $0x8FFFFFFF  }
0x98: {  	s19 =	sld [smem:$0x3FDB];
	_ =	sdelay $0x1  }
0x99: {  	s4 =	simm.s32 $_scs_section_size  }
0x9a: {  	s5 =	simm.s32 $_size__tile_overlayer_lowered;
	s6 =	simm.s32 $_tile_overlayer_lowered  }
0x9b: {  	s22 =	simm.s32 $0x1BFF;
	s21 =	sshll.u32 s6, $0x1;
	s3 =	sadd.s32 s4, s19  }
0x9c: {  	s7 =	simm.s32 $0x0;
	s20 =	sshll.u32 s5, $0x1;
	s5 =	sadd.s32 s21, s3  }
0x9d: {  	[timem:s7], [sflag:s22] =	dma.local [hbm:s5], s20  }
0x9e: {  	_ =	swait.ge [sflag:s22], s20  }
0x9f: {  	s4 =	ssub.s32 $0x0, s20;
	[sflag:s22] =	ssyncset.done $0x0  }
0xa0: {  	[sflag:s22] =	ssyncadd.s32 s4;
	_ =	sdelay $0x1  }
0xa1: {  	s23 =	simm.s32 $0x1B8B  }
0xa2: {  	_ =	swait.ge [sflag:s23], $0x1  }
0xa3: {  	[sflag:s23] =	ssyncset.done $0x0  }
0xa4: {  	s25 =	simm.s32 $0x1B8E;
	s24 =	sld [smem:$0x3FFE];
	[sflag:s23] =	ssyncadd.s32 $0xFFFFFFFF  }
0xa5: {  	s26 =	simm.s32 $execute0_lowered;
	[smem:$0x3FD2] =	sst s25  }
0xa6: {  	s5 =	sshll.u32 s26, $0x1;
	_ =	strace $0x80000049;
	[dreg:$0x1] =	wrdreg $0xFFFFFFFF  }
0xa7: {  	s28 =	simm.s32 $_size_execute0_lowered;
	s3 =	sadd.s32 s3, s5;
	[dreg:$0x0] =	wrdreg $0x0  }
0xa8: {  	s5 =	sshll.u32 s28, $0x1;
	[dreg:$0x2] =	wrdreg s3  }
0xa9: {  	[dreg:$0x3] =	wrdreg s5  }
0xaa: {  	[dreg:$0x4] =	wrdreg $0xC0  }
0xab: {  	_ =	task [dreg:s7], $0x5FFFF  }
0xac: {  	[dreg:$0x1] =	wrdreg $0xFFFFFFFF  }
0xad: {  	[dreg:$0x0] =	wrdreg $0x60  }
0xae: {  	[dreg:$0x2] =	wrdreg s24  }
0xaf: {  	[dreg:$0x3] =	wrdreg s2  }
0xb0: {  	[dreg:$0x4] =	wrdreg $0x9  }
0xb1: {  	_ =	task.clear_ibuf [dreg:s7], $0x5FFFF;
	_ =	strace $0x90000049  }
0xb2: {  	s29 =	simm.s32 $0x9;
	_ =	strace $0x8000004B  }
0xb3: {  	_ =	swait.ge [sflag:s29], $0x1  }
0xb4: {  	[sflag:s29] =	ssyncadd.s32 $0xFFFFFFFF  }
0xb5: {  	_ =	strace $0x9000004B  }
0xb6: {  	_ =	sfence  }
0xb7: {  	s30 =	sld [smem:$0x0];
	_ =	sdelay $0x2  }
0xb8: {  	s31 =	sshll.u32 s1, $0xD;
	s1 =	sshrl.u32 s1, $0x2  }
0xb9: {  	s3 =	sand.u32 $0x4000, s31;
	s1 =	sadd.s32 s1, s30  }
0xba: {  	s0 =	sor.u32 s3, s0;
	s1 =	sshll.u32 s1, $0x11  }
0xbb: {  	s0 =	sor.u32 s1, s0  }
0xbc: {  	s0 =	sadd.s32 $0x8F2B, s0  }
0xbd: {  	[sflag:s0] =	ssyncadd.remote.s32 $0x1  }
0xbe: {  	_ =	sfence.sel $0xFFFF  }
0xbf: {  	[dreg:$0x0] =	wrdreg $0xFFFFFFFF;
	(pc) =	sbr.abs _section_cstart, $3  }
0xc0: {  	[dreg:$0x1] =	wrdreg $0xFFFFFFFF  }
0xc1: {  	_ =	task.clear_ibuf [dreg:s7], $0x2FFFF;
	_ =	strace $0x9FFFFFFF  }
0xc2: {  	(tm) =	ssettm $0x7FFFFFFF  }
0xc3: {  	_ =	shalt  }
tec
execute0_lowered:
.L_overlay_start_1:
0x0: {  	(tag) =	ssettag $0x1  }
0x1: {  	s5 =	rddreg [dreg:$0x0]  }
0x2: {  	s1 =	rddreg [dreg:$0x1]  }
0x3: {  	s2 =	srdreg.scid;
	s0 =	rddreg [dreg:$0x2]  }
0x4: {  	s3 =	simm.s32 $0x0;
	s14 =	simm.s32 $0x3;
	s15 =	simm.s32 $0x18800  }
0x5: {  	s16 =	simm.s32 $0x1A800;
	s17 =	simm.s32 $0x19800;
	s18 =	simm.s32 $0x1B800  }
0x6: {  	s19 =	simm.s32 $0x1;
	s20 =	simm.s32 $0xC400;
	s21 =	simm.s32 $0x2  }
0x7: {  	s22 =	simm.s32 $0x0;
	s4 =	sand.u32 $0x1, s2;
	s2 =	stileid.u32  }
0x8: {  	[smem:$0x7FF] =	sst s3;
	s6 =	sshll.u32 s4, $0x4;
	s7 =	smul.u32 $0x1880, s2  }
0x9: {  	_ =	strace $0x8000004A;
	s8 =	ssub.s32 $0x2, s4;
	s9 =	smul.u32 $0xC3500, s4  }
0xa: {  	s4 =	sadd.s32 $0x12AC00, s5;
	s6 =	sor.u32 s2, s6;
	s30 =	sshrl.u32 s8, $0x1  }
0xb: {  	s6 =	smul.u32 $0x1880, s6;
	s7 =	sadd.s32 s7, s5;
	s13 =	ssub.s32 s8, s30  }
0xc: {  	s31 =	sshrl.u32 s9, $0x3;
	s8 =	sadd.s32 $0x1000, s9;
	s9 =	sadd.s32 $0x2000, s9  }
0xd: {  	s11 =	sadd.s32 $0x18600, s31;
	s13 =	smax.u32 s13, $0x1;
	s12 =	sadd.s32 s6, s5  }
0xe: {  	s5 =	sadd.s32 $0x2400, s7;
	s6 =	sadd.s32 s4, s31;
	s7 =	sadd.s32 s1, s31  }
0xf: {  	v0 =	vimm.f32 $0.0e+00;
	s10 =	sadd.s32 s4, s11;
	s11 =	sadd.s32 s1, s11;
	s12 =	sadd.s32 $0x1AC00, s12  }
.LBB2_1:
0x10: {  	[tilespmem:s3], [sflag:$0x3] =	stream.linear.gather [hbm4b:s5+s3], $0xC400, $0x38;
	[tilespmem:$0x1C800] =	vst v63  }
0x11: {  	_ =	swait.ge [sflag:s14], $0xC400  }
0x12: {  	[sflag:s14] =	ssyncset.done $0x0  }
0x13: {  	s23 =	simm.s32 $0xC440;
	[sflag:s14] =	ssyncadd.s32 $0xFFFF3C00  }
0x14: {  	[tilespmem:s23+$0xFFFFFFC0] =	vst v0  }
0x15: {  	[tilespmem:s23+$0x30] =	vst v0  }
0x16: {  	[tilespmem:s23+$0x20] =	vst v0  }
0x17: {  	[tilespmem:s23+$0x10] =	vst v0  }
0x18: {  	[tilespmem:s23+$0x0] =	vst v0  }
0x19: {  	[tilespmem:s23+$0xFFFFFFF0] =	vst v0  }
0x1a: {  	s24 =	simm.s32 $0x0;
	[tilespmem:s23+$0xFFFFFFE0] =	vst v0  }
.LBB2_2:
0x1b: {  	s24 =	sadd.s32 $0x8, s24;
	[tilespmem:s23+$0xFFFFFFD0] =	vst v0;
	s23 =	sadd.s32 $0x80, s23  }
0x1c: {  	[tilespmem:s23+$0xFFFFFFC0] =	vst v0;
	p0 =	slt.u32 s24, $0xC38  }
0x1d: {  	[tilespmem:s23+$0x30] =	vst v0  }
.Ltmp0:
0x1e: {  	[tilespmem:s23+$0x20] =	vst v0;
	(pc) =	sbr.rel @p0 .LBB2_2-.Ltmp0, $4  }
0x1f: {  	[tilespmem:s23+$0x10] =	vst v0  }
0x20: {  	[tilespmem:s23+$0x0] =	vst v0  }
0x21: {  	[tilespmem:s23+$0xFFFFFFF0] =	vst v0  }
0x22: {  	[tilespmem:s23+$0xFFFFFFE0] =	vst v0  }
0x23: {  	[tilespmem:s23+$0xFFFFFFD0] =	vst v0;
	s23 =	simm.s32 $0x0  }
0x24: {  	[tilespmem:s15], [sflag:$0x1] =	stream.linear.gather [hbm4b:s6+s23], $0x1000, $0x38;
	[tilespmem:$0x1C800] =	vst v63  }
0x25: {  	_ = 	snop  }
0x26: {  	[tilespmem:s16], [sflag:$0x1] =	stream.linear.gather [hbm4b:s7+s23], $0x1000, $0x38;
	[tilespmem:$0x1C800] =	vst v63  }
.LBB2_4:
0x27: {  	s24 =	sshll.u32 s23, $0xD  }
0x28: {  	s25 =	sadd.s32 s24, s8  }
0x29: {  	s25 =	sshrl.u32 s25, $0x3  }
0x2a: {  	s26 =	sadd.s32 s4, s25  }
0x2b: {  	[tilespmem:s17], [sflag:$0x2] =	stream.linear.gather [hbm4b:s26+s3], $0x1000, $0x38;
	[tilespmem:$0x1C800] =	vst v63  }
0x2c: {  	s25 =	sadd.s32 s1, s25  }
0x2d: {  	[tilespmem:s18], [sflag:$0x2] =	stream.linear.gather [hbm4b:s25+s3], $0x1000, $0x38;
	[tilespmem:$0x1C800] =	vst v63  }
0x2e: {  	_ =	swait.ge [sflag:s19], $0x1000  }
0x2f: {  	[sflag:s19] =	ssyncset.done $0x0  }
0x30: {  	[sflag:s19] =	ssyncadd.s32 $0xFFFFF000  }
0x31: {  	_ =	swait.ge [sflag:s19], $0x1000  }
0x32: {  	[sflag:s19] =	ssyncset.done $0x0  }
0x33: {  	s31 =	simm.s32 $0x18840;
	[sflag:s19] =	ssyncadd.s32 $0xFFFFF000  }
0x34: {  	v1 =	vld [tilespmem:s31+$0x30]  }
0x35: {  	v2 =	vld [tilespmem:s31+$0xFFFFFFD0]  }
0x36: {  	v3 =	vld [tilespmem:s31+$0xFFFFFFE0]  }
0x37: {  	v4 =	vld [tilespmem:s31+$0xFFFFFFF0]  }
0x38: {  	v5 =	vld [tilespmem:s31+$0x0]  }
0x39: {  	v7 =	vld [tilespmem:s31+$0x10];
	v6 =	vand.u32 $0xFFFF, v1  }
0x3a: {  	v9 =	vld [tilespmem:s31+$0xFFFFFFC0]  }
0x3b: {  	s25 =	simm.s32 $0x1A840;
	v11 =	vld [tilespmem:s31+$0x20]  }
0x3c: {  	v15 =	vld [tilespmem:s25+$0x30]  }
0x3d: {  	v60 =	vld [tilespmem:s25+$0xFFFFFFD0]  }
0x3e: {  	v6 =	vld.idx.msk [tilespmem:v6+s3+$0x0], $0xffff  }
0x3f: {  	v61 =	vld [tilespmem:s25+$0xFFFFFFE0];
	v16 =	vand.u32 $0xFFFF, v9  }
0x40: {  	v18 =	vld [tilespmem:s25+$0xFFFFFFF0];
	v1 =	vshrl.u32 v1, $0x10  }
0x41: {  	v19 =	vld [tilespmem:s25+$0x0]  }
0x42: {  	v62 =	vld [tilespmem:s25+$0x10];
	v8 =	vand.u32 $0xFFFF, v2  }
0x43: {  	v63 =	vld [tilespmem:s25+$0x20];
	v10 =	vand.u32 $0xFFFF, v3;
	v6 =	vmul.f32 v6, v15  }
0x44: {  	v12 =	vand.u32 $0xFFFF, v4;
	v59 =	vld.idx.msk [tilespmem:v16+s3+$0x0], $0xffff  }
0x45: {  	v13 =	vand.u32 $0xFFFF, v5;
	[tilespmem:v1+s20+$0x0] =	vst.idx.add.f32.msk $0xffff, v6  }
0x46: {  	v14 =	vand.u32 $0xFFFF, v7;
	v1 =	vld [tilespmem:s25+$0xFFFFFFC0]  }
0x47: {  	v17 =	vand.u32 $0xFFFF, v11;
	v8 =	vld.idx.msk [tilespmem:v8+s3+$0x0], $0xffff  }
0x48: {  	v9 =	vshrl.u32 v9, $0x10;
	v10 =	vld.idx.msk [tilespmem:v10+s3+$0x0], $0xffff  }
0x49: {  	v2 =	vshrl.u32 v2, $0x10;
	v12 =	vld.idx.msk [tilespmem:v12+s3+$0x0], $0xffff  }
0x4a: {  	v3 =	vshrl.u32 v3, $0x10;
	v13 =	vld.idx.msk [tilespmem:v13+s3+$0x0], $0xffff  }
0x4b: {  	v4 =	vshrl.u32 v4, $0x10;
	v14 =	vld.idx.msk [tilespmem:v14+s3+$0x0], $0xffff;
	v1 =	vmul.f32 v59, v1  }
0x4c: {  	v5 =	vshrl.u32 v5, $0x10;
	v8 =	vmul.f32 v8, v60;
	v6 =	vld.idx.msk [tilespmem:v17+s3+$0x0], $0xffff  }
0x4d: {  	[tilespmem:v9+s20+$0x0] =	vst.idx.add.f32.msk $0xffff, v1;
	v1 =	vmul.f32 v10, v61  }
0x4e: {  	[tilespmem:v2+s20+$0x0] =	vst.idx.add.f32.msk $0xffff, v8;
	v2 =	vmul.f32 v12, v18  }
0x4f: {  	[tilespmem:v3+s20+$0x0] =	vst.idx.add.f32.msk $0xffff, v1;
	v3 =	vmul.f32 v13, v19  }
0x50: {  	[tilespmem:v4+s20+$0x0] =	vst.idx.add.f32.msk $0xffff, v2;
	v2 =	vshrl.u32 v11, $0x10  }
0x51: {  	s28 =	simm.s32 $0x188C0;
	s26 =	simm.s32 $0x0;
	v4 =	vmul.f32 v14, v62;
	v1 =	vshrl.u32 v7, $0x10;
	[tilespmem:v5+s20+$0x0] =	vst.idx.add.f32.msk $0xffff, v3;
	v3 =	vmul.f32 v6, v63  }
.LBB2_5:
0x52: {  	v5 =	vld [tilespmem:s28+$0x30];
	s26 =	sadd.s32 $0x80, s26  }
0x53: {  	v6 =	vld [tilespmem:s28+$0xFFFFFFD0];
	p0 =	slt.u32 s26, $0xF80  }
0x54: {  	v7 =	vld [tilespmem:s28+$0xFFFFFFE0]  }
0x55: {  	v8 =	vld [tilespmem:s28+$0xFFFFFFF0]  }
0x56: {  	v9 =	vld [tilespmem:s28+$0x0]  }
0x57: {  	v10 =	vld [tilespmem:s28+$0x10];
	v11 =	vand.u32 $0xFFFF, v5  }
0x58: {  	v12 =	vshrl.u32 v6, $0x10;
	v6 =	vand.u32 $0xFFFF, v6;
	v13 =	vld [tilespmem:s28+$0x20]  }
0x59: {  	v14 =	vld [tilespmem:s28+$0xFFFFFFC0];
	v15 =	vshrl.u32 v7, $0x10;
	v7 =	vand.u32 $0xFFFF, v7  }
0x5a: {  	v16 =	vshrl.u32 v8, $0x10;
	v8 =	vand.u32 $0xFFFF, v8;
	[tilespmem:v1+s20+$0x0] =	vst.idx.add.f32.msk $0xffff, v4  }
0x5b: {  	v17 =	vshrl.u32 v9, $0x10;
	v4 =	vand.u32 $0xFFFF, v9;
	[tilespmem:v2+s20+$0x0] =	vst.idx.add.f32.msk $0xffff, v3  }
0x5c: {  	s25 =	sadd.s32 $0x80, s25;
	v1 =	vshrl.u32 v10, $0x10;
	v3 =	vand.u32 $0xFFFF, v10;
	v9 =	vld.idx.msk [tilespmem:v11+s3+$0x0], $0xffff  }
0x5d: {  	v2 =	vshrl.u32 v13, $0x10;
	v10 =	vand.u32 $0xFFFF, v13;
	v11 =	vld [tilespmem:s25+$0x30]  }
0x5e: {  	v13 =	vshrl.u32 v14, $0x10;
	v14 =	vand.u32 $0xFFFF, v14;
	v6 =	vld.idx.msk [tilespmem:v6+s3+$0x0], $0xffff  }
0x5f: {  	v5 =	vshrl.u32 v5, $0x10;
	v7 =	vld.idx.msk [tilespmem:v7+s3+$0x0], $0xffff  }
0x60: {  	v8 =	vld.idx.msk [tilespmem:v8+s3+$0x0], $0xffff  }
0x61: {  	v4 =	vld.idx.msk [tilespmem:v4+s3+$0x0], $0xffff  }
0x62: {  	v3 =	vld.idx.msk [tilespmem:v3+s3+$0x0], $0xffff;
	v9 =	vmul.f32 v9, v11  }
0x63: {  	v11 =	vld.idx.msk [tilespmem:v14+s3+$0x0], $0xffff  }
0x64: {  	[tilespmem:v5+s20+$0x0] =	vst.idx.add.f32.msk $0xffff, v9  }
0x65: {  	v5 =	vld.idx.msk [tilespmem:v10+s3+$0x0], $0xffff  }
0x66: {  	v9 =	vld [tilespmem:s25+$0xFFFFFFC0]  }
0x67: {  	v10 =	vld [tilespmem:s25+$0xFFFFFFD0]  }
0x68: {  	v14 =	vld [tilespmem:s25+$0xFFFFFFE0]  }
0x69: {  	v18 =	vld [tilespmem:s25+$0xFFFFFFF0]  }
0x6a: {  	v19 =	vld [tilespmem:s25+$0x0]  }
0x6b: {  	v9 =	vmul.f32 v11, v9;
	v11 =	vld [tilespmem:s25+$0x10]  }
0x6c: {  	v6 =	vmul.f32 v6, v10;
	v10 =	vld [tilespmem:s25+$0x20]  }
.Ltmp1:
0x6d: {  	[tilespmem:v13+s20+$0x0] =	vst.idx.add.f32.msk $0xffff, v9;
	v7 =	vmul.f32 v7, v14;
	(pc) =	sbr.rel @p0 .LBB2_5-.Ltmp1, $4  }
0x6e: {  	[tilespmem:v12+s20+$0x0] =	vst.idx.add.f32.msk $0xffff, v6;
	v6 =	vmul.f32 v8, v18  }
0x6f: {  	[tilespmem:v15+s20+$0x0] =	vst.idx.add.f32.msk $0xffff, v7;
	v7 =	vmul.f32 v4, v19  }
0x70: {  	[tilespmem:v16+s20+$0x0] =	vst.idx.add.f32.msk $0xffff, v6;
	v4 =	vmul.f32 v3, v11  }
0x71: {  	s28 =	sadd.s32 $0x80, s28;
	[tilespmem:v17+s20+$0x0] =	vst.idx.add.f32.msk $0xffff, v7;
	v3 =	vmul.f32 v5, v10  }
0x72: {  	_ =	sdelay $0x2  }
0x73: {  	s24 =	sadd.s32 s24, s9  }
0x74: {  	[tilespmem:v1+s20+$0x0] =	vst.idx.add.f32.msk $0xffff, v4;
	s24 =	sshrl.u32 s24, $0x3  }
0x75: {  	[tilespmem:v2+s20+$0x0] =	vst.idx.add.f32.msk $0xffff, v3;
	s25 =	sadd.s32 s4, s24  }
0x76: {  	[tilespmem:s15], [sflag:$0x1] =	stream.linear.gather [hbm4b:s25+s3], $0x1000, $0x38;
	[tilespmem:$0x1C800] =	vst v63  }
0x77: {  	s24 =	sadd.s32 s1, s24  }
0x78: {  	[tilespmem:s16], [sflag:$0x1] =	stream.linear.gather [hbm4b:s24+s3], $0x1000, $0x38;
	[tilespmem:$0x1C800] =	vst v63  }
0x79: {  	_ =	swait.ge [sflag:s21], $0x1000  }
0x7a: {  	[sflag:s21] =	ssyncset.done $0x0  }
0x7b: {  	[sflag:s21] =	ssyncadd.s32 $0xFFFFF000  }
0x7c: {  	_ =	swait.ge [sflag:s21], $0x1000  }
0x7d: {  	[sflag:s21] =	ssyncset.done $0x0  }
0x7e: {  	s31 =	simm.s32 $0x19840;
	[sflag:s21] =	ssyncadd.s32 $0xFFFFF000  }
0x7f: {  	v1 =	vld [tilespmem:s31+$0x30]  }
0x80: {  	v2 =	vld [tilespmem:s31+$0xFFFFFFD0]  }
0x81: {  	v3 =	vld [tilespmem:s31+$0xFFFFFFE0]  }
0x82: {  	v4 =	vld [tilespmem:s31+$0xFFFFFFF0]  }
0x83: {  	v5 =	vld [tilespmem:s31+$0x0]  }
0x84: {  	v7 =	vld [tilespmem:s31+$0x10];
	v6 =	vand.u32 $0xFFFF, v1  }
0x85: {  	v9 =	vld [tilespmem:s31+$0xFFFFFFC0]  }
0x86: {  	s24 =	simm.s32 $0x1B840;
	v11 =	vld [tilespmem:s31+$0x20]  }
0x87: {  	v15 =	vld [tilespmem:s24+$0x30]  }
0x88: {  	v60 =	vld [tilespmem:s24+$0xFFFFFFD0]  }
0x89: {  	v6 =	vld.idx.msk [tilespmem:v6+s3+$0x0], $0xffff  }
0x8a: {  	v61 =	vld [tilespmem:s24+$0xFFFFFFE0];
	v16 =	vand.u32 $0xFFFF, v9  }
0x8b: {  	v18 =	vld [tilespmem:s24+$0xFFFFFFF0];
	v1 =	vshrl.u32 v1, $0x10  }
0x8c: {  	v19 =	vld [tilespmem:s24+$0x0]  }
0x8d: {  	v62 =	vld [tilespmem:s24+$0x10];
	v8 =	vand.u32 $0xFFFF, v2  }
0x8e: {  	v63 =	vld [tilespmem:s24+$0x20];
	v10 =	vand.u32 $0xFFFF, v3;
	v6 =	vmul.f32 v6, v15  }
0x8f: {  	v12 =	vand.u32 $0xFFFF, v4;
	v59 =	vld.idx.msk [tilespmem:v16+s3+$0x0], $0xffff  }
0x90: {  	v13 =	vand.u32 $0xFFFF, v5;
	[tilespmem:v1+s20+$0x0] =	vst.idx.add.f32.msk $0xffff, v6  }
0x91: {  	v14 =	vand.u32 $0xFFFF, v7;
	v1 =	vld [tilespmem:s24+$0xFFFFFFC0]  }
0x92: {  	v17 =	vand.u32 $0xFFFF, v11;
	v8 =	vld.idx.msk [tilespmem:v8+s3+$0x0], $0xffff  }
0x93: {  	v9 =	vshrl.u32 v9, $0x10;
	v10 =	vld.idx.msk [tilespmem:v10+s3+$0x0], $0xffff  }
0x94: {  	v2 =	vshrl.u32 v2, $0x10;
	v12 =	vld.idx.msk [tilespmem:v12+s3+$0x0], $0xffff  }
0x95: {  	v3 =	vshrl.u32 v3, $0x10;
	v13 =	vld.idx.msk [tilespmem:v13+s3+$0x0], $0xffff  }
0x96: {  	v4 =	vshrl.u32 v4, $0x10;
	v14 =	vld.idx.msk [tilespmem:v14+s3+$0x0], $0xffff;
	v1 =	vmul.f32 v59, v1  }
0x97: {  	v5 =	vshrl.u32 v5, $0x10;
	v8 =	vmul.f32 v8, v60;
	v6 =	vld.idx.msk [tilespmem:v17+s3+$0x0], $0xffff  }
0x98: {  	[tilespmem:v9+s20+$0x0] =	vst.idx.add.f32.msk $0xffff, v1;
	v1 =	vmul.f32 v10, v61  }
0x99: {  	[tilespmem:v2+s20+$0x0] =	vst.idx.add.f32.msk $0xffff, v8;
	v2 =	vmul.f32 v12, v18  }
0x9a: {  	[tilespmem:v3+s20+$0x0] =	vst.idx.add.f32.msk $0xffff, v1;
	v3 =	vmul.f32 v13, v19  }
0x9b: {  	[tilespmem:v4+s20+$0x0] =	vst.idx.add.f32.msk $0xffff, v2;
	v2 =	vshrl.u32 v11, $0x10  }
0x9c: {  	s26 =	simm.s32 $0x198C0;
	s25 =	simm.s32 $0x0;
	v4 =	vmul.f32 v14, v62;
	v1 =	vshrl.u32 v7, $0x10;
	[tilespmem:v5+s20+$0x0] =	vst.idx.add.f32.msk $0xffff, v3;
	v3 =	vmul.f32 v6, v63  }
.LBB2_7:
0x9d: {  	v5 =	vld [tilespmem:s26+$0x30];
	s25 =	sadd.s32 $0x80, s25  }
0x9e: {  	v6 =	vld [tilespmem:s26+$0xFFFFFFD0];
	p0 =	slt.u32 s25, $0xF80  }
0x9f: {  	v7 =	vld [tilespmem:s26+$0xFFFFFFE0]  }
0xa0: {  	v8 =	vld [tilespmem:s26+$0xFFFFFFF0]  }
0xa1: {  	v9 =	vld [tilespmem:s26+$0x0]  }
0xa2: {  	v10 =	vld [tilespmem:s26+$0x10];
	v11 =	vand.u32 $0xFFFF, v5  }
0xa3: {  	v12 =	vshrl.u32 v6, $0x10;
	v6 =	vand.u32 $0xFFFF, v6;
	v13 =	vld [tilespmem:s26+$0x20]  }
0xa4: {  	v14 =	vld [tilespmem:s26+$0xFFFFFFC0];
	v15 =	vshrl.u32 v7, $0x10;
	v7 =	vand.u32 $0xFFFF, v7  }
0xa5: {  	v16 =	vshrl.u32 v8, $0x10;
	v8 =	vand.u32 $0xFFFF, v8;
	[tilespmem:v1+s20+$0x0] =	vst.idx.add.f32.msk $0xffff, v4  }
0xa6: {  	v17 =	vshrl.u32 v9, $0x10;
	v4 =	vand.u32 $0xFFFF, v9;
	[tilespmem:v2+s20+$0x0] =	vst.idx.add.f32.msk $0xffff, v3  }
0xa7: {  	s24 =	sadd.s32 $0x80, s24;
	v1 =	vshrl.u32 v10, $0x10;
	v3 =	vand.u32 $0xFFFF, v10;
	v9 =	vld.idx.msk [tilespmem:v11+s3+$0x0], $0xffff  }
0xa8: {  	v2 =	vshrl.u32 v13, $0x10;
	v10 =	vand.u32 $0xFFFF, v13;
	v11 =	vld [tilespmem:s24+$0x30]  }
0xa9: {  	v13 =	vshrl.u32 v14, $0x10;
	v14 =	vand.u32 $0xFFFF, v14;
	v6 =	vld.idx.msk [tilespmem:v6+s3+$0x0], $0xffff  }
0xaa: {  	v5 =	vshrl.u32 v5, $0x10;
	v7 =	vld.idx.msk [tilespmem:v7+s3+$0x0], $0xffff  }
0xab: {  	v8 =	vld.idx.msk [tilespmem:v8+s3+$0x0], $0xffff  }
0xac: {  	v4 =	vld.idx.msk [tilespmem:v4+s3+$0x0], $0xffff  }
0xad: {  	v3 =	vld.idx.msk [tilespmem:v3+s3+$0x0], $0xffff;
	v9 =	vmul.f32 v9, v11  }
0xae: {  	v11 =	vld.idx.msk [tilespmem:v14+s3+$0x0], $0xffff  }
0xaf: {  	[tilespmem:v5+s20+$0x0] =	vst.idx.add.f32.msk $0xffff, v9  }
0xb0: {  	v5 =	vld.idx.msk [tilespmem:v10+s3+$0x0], $0xffff  }
0xb1: {  	v9 =	vld [tilespmem:s24+$0xFFFFFFC0]  }
0xb2: {  	v10 =	vld [tilespmem:s24+$0xFFFFFFD0]  }
0xb3: {  	v14 =	vld [tilespmem:s24+$0xFFFFFFE0]  }
0xb4: {  	v18 =	vld [tilespmem:s24+$0xFFFFFFF0]  }
0xb5: {  	v19 =	vld [tilespmem:s24+$0x0]  }
0xb6: {  	v9 =	vmul.f32 v11, v9;
	v11 =	vld [tilespmem:s24+$0x10]  }
0xb7: {  	v6 =	vmul.f32 v6, v10;
	v10 =	vld [tilespmem:s24+$0x20]  }
.Ltmp2:
0xb8: {  	[tilespmem:v13+s20+$0x0] =	vst.idx.add.f32.msk $0xffff, v9;
	v7 =	vmul.f32 v7, v14;
	(pc) =	sbr.rel @p0 .LBB2_7-.Ltmp2, $4  }
0xb9: {  	[tilespmem:v12+s20+$0x0] =	vst.idx.add.f32.msk $0xffff, v6;
	v6 =	vmul.f32 v8, v18  }
0xba: {  	[tilespmem:v15+s20+$0x0] =	vst.idx.add.f32.msk $0xffff, v7;
	v7 =	vmul.f32 v4, v19  }
0xbb: {  	[tilespmem:v16+s20+$0x0] =	vst.idx.add.f32.msk $0xffff, v6;
	v4 =	vmul.f32 v3, v11  }
0xbc: {  	s26 =	sadd.s32 $0x80, s26;
	[tilespmem:v17+s20+$0x0] =	vst.idx.add.f32.msk $0xffff, v7;
	v3 =	vmul.f32 v5, v10  }
0xbd: {  	s23 =	sadd.s32 $0x1, s23  }
0xbe: {  	p0 =	sne.s32 s23, $0x61  }
.Ltmp3:
0xbf: {  	_ = 	snop;
	(pc) =	sbr.rel @p0 .LBB2_4-.Ltmp3, $3  }
0xc0: {  	_ =	sdelay $0x1  }
0xc1: {  	[tilespmem:v1+s20+$0x0] =	vst.idx.add.f32.msk $0xffff, v4  }
0xc2: {  	[tilespmem:v2+s20+$0x0] =	vst.idx.add.f32.msk $0xffff, v3  }
0xc3: {  	[tilespmem:s17], [sflag:$0x2] =	stream.linear.gather [hbm4b:s10+s3], $0x500, $0x38;
	[tilespmem:$0x1C800] =	vst v63  }
0xc4: {  	_ = 	snop  }
0xc5: {  	[tilespmem:s18], [sflag:$0x2] =	stream.linear.gather [hbm4b:s11+s3], $0x500, $0x38;
	[tilespmem:$0x1C800] =	vst v63  }
0xc6: {  	_ =	swait.ge [sflag:s19], $0x1000  }
0xc7: {  	[sflag:s19] =	ssyncset.done $0x0  }
0xc8: {  	[sflag:s19] =	ssyncadd.s32 $0xFFFFF000  }
0xc9: {  	_ =	swait.ge [sflag:s19], $0x1000  }
0xca: {  	[sflag:s19] =	ssyncset.done $0x0  }
0xcb: {  	s23 =	simm.s32 $0x18840;
	[sflag:s19] =	ssyncadd.s32 $0xFFFFF000  }
0xcc: {  	v1 =	vld [tilespmem:s23+$0x30]  }
0xcd: {  	v2 =	vld [tilespmem:s23+$0xFFFFFFD0]  }
0xce: {  	v3 =	vld [tilespmem:s23+$0xFFFFFFE0]  }
0xcf: {  	v4 =	vld [tilespmem:s23+$0xFFFFFFF0]  }
0xd0: {  	v5 =	vld [tilespmem:s23+$0x0]  }
0xd1: {  	v7 =	vld [tilespmem:s23+$0x10]  }
0xd2: {  	v9 =	vld [tilespmem:s23+$0xFFFFFFC0]  }
0xd3: {  	v11 =	vld [tilespmem:s23+$0x20];
	s23 =	simm.s32 $0x1A840;
	v6 =	vand.u32 $0xFFFF, v1  }
0xd4: {  	v15 =	vld [tilespmem:s23+$0x30]  }
0xd5: {  	v59 =	vld [tilespmem:s23+$0xFFFFFFD0]  }
0xd6: {  	v60 =	vld [tilespmem:s23+$0xFFFFFFE0]  }
0xd7: {  	v18 =	vld [tilespmem:s23+$0xFFFFFFF0];
	v8 =	vand.u32 $0xFFFF, v2  }
0xd8: {  	v13 =	vand.u32 $0xFFFF, v5;
	v6 =	vld.idx.msk [tilespmem:v6+s3+$0x0], $0xffff  }
0xd9: {  	v19 =	vld [tilespmem:s23+$0x0];
	v16 =	vand.u32 $0xFFFF, v9  }
0xda: {  	v61 =	vld [tilespmem:s23+$0x10];
	v1 =	vshrl.u32 v1, $0x10  }
0xdb: {  	v62 =	vld [tilespmem:s23+$0x20]  }
0xdc: {  	v12 =	vand.u32 $0xFFFF, v4;
	v8 =	vld.idx.msk [tilespmem:v8+s3+$0x0], $0xffff  }
0xdd: {  	v10 =	vand.u32 $0xFFFF, v3;
	v13 =	vld.idx.msk [tilespmem:v13+s3+$0x0], $0xffff;
	v6 =	vmul.f32 v6, v15  }
0xde: {  	v14 =	vand.u32 $0xFFFF, v7;
	v58 =	vld.idx.msk [tilespmem:v16+s3+$0x0], $0xffff  }
0xdf: {  	v17 =	vand.u32 $0xFFFF, v11;
	[tilespmem:v1+s20+$0x0] =	vst.idx.add.f32.msk $0xffff, v6  }
0xe0: {  	v2 =	vshrl.u32 v2, $0x10;
	v1 =	vld [tilespmem:s23+$0xFFFFFFC0]  }
0xe1: {  	v5 =	vshrl.u32 v5, $0x10;
	v12 =	vld.idx.msk [tilespmem:v12+s3+$0x0], $0xffff  }
0xe2: {  	v9 =	vshrl.u32 v9, $0x10;
	v10 =	vld.idx.msk [tilespmem:v10+s3+$0x0], $0xffff  }
0xe3: {  	v4 =	vshrl.u32 v4, $0x10;
	v14 =	vld.idx.msk [tilespmem:v14+s3+$0x0], $0xffff;
	v8 =	vmul.f32 v8, v59  }
0xe4: {  	v3 =	vshrl.u32 v3, $0x10;
	v63 =	vmul.f32 v13, v19;
	v6 =	vld.idx.msk [tilespmem:v17+s3+$0x0], $0xffff  }
0xe5: {  	[tilespmem:v2+s20+$0x0] =	vst.idx.add.f32.msk $0xffff, v8;
	v1 =	vmul.f32 v58, v1  }
0xe6: {  	v2 =	vmul.f32 v12, v18;
	[tilespmem:v5+s20+$0x0] =	vst.idx.add.f32.msk $0xffff, v63  }
0xe7: {  	[tilespmem:v9+s20+$0x0] =	vst.idx.add.f32.msk $0xffff, v1;
	v1 =	vmul.f32 v10, v60  }
0xe8: {  	[tilespmem:v4+s20+$0x0] =	vst.idx.add.f32.msk $0xffff, v2;
	v2 =	vshrl.u32 v11, $0x10  }
0xe9: {  	s24 =	simm.s32 $0x0;
	s25 =	simm.s32 $0x188C0;
	v4 =	vmul.f32 v6, v62;
	[tilespmem:v3+s20+$0x0] =	vst.idx.add.f32.msk $0xffff, v1;
	v1 =	vshrl.u32 v7, $0x10;
	v3 =	vmul.f32 v14, v61  }
.LBB2_10:
0xea: {  	v5 =	vld [tilespmem:s25+$0x30];
	s24 =	sadd.s32 $0x80, s24  }
0xeb: {  	v6 =	vld [tilespmem:s25+$0xFFFFFFD0];
	p0 =	slt.u32 s24, $0xF80  }
0xec: {  	v7 =	vld [tilespmem:s25+$0xFFFFFFE0]  }
0xed: {  	v8 =	vld [tilespmem:s25+$0xFFFFFFF0]  }
0xee: {  	v9 =	vld [tilespmem:s25+$0x0]  }
0xef: {  	v10 =	vld [tilespmem:s25+$0x10];
	v11 =	vand.u32 $0xFFFF, v5  }
0xf0: {  	v12 =	vshrl.u32 v6, $0x10;
	v6 =	vand.u32 $0xFFFF, v6;
	v13 =	vld [tilespmem:s25+$0x20]  }
0xf1: {  	v14 =	vld [tilespmem:s25+$0xFFFFFFC0];
	v15 =	vshrl.u32 v7, $0x10;
	v7 =	vand.u32 $0xFFFF, v7  }
0xf2: {  	v16 =	vshrl.u32 v8, $0x10;
	v8 =	vand.u32 $0xFFFF, v8;
	[tilespmem:v1+s20+$0x0] =	vst.idx.add.f32.msk $0xffff, v3  }
0xf3: {  	v17 =	vshrl.u32 v9, $0x10;
	v3 =	vand.u32 $0xFFFF, v9;
	[tilespmem:v2+s20+$0x0] =	vst.idx.add.f32.msk $0xffff, v4  }
0xf4: {  	s23 =	sadd.s32 $0x80, s23;
	v1 =	vshrl.u32 v10, $0x10;
	v4 =	vand.u32 $0xFFFF, v10;
	v9 =	vld.idx.msk [tilespmem:v11+s3+$0x0], $0xffff  }
0xf5: {  	v2 =	vshrl.u32 v13, $0x10;
	v10 =	vand.u32 $0xFFFF, v13;
	v11 =	vld [tilespmem:s23+$0x30]  }
0xf6: {  	v13 =	vshrl.u32 v14, $0x10;
	v14 =	vand.u32 $0xFFFF, v14;
	v6 =	vld.idx.msk [tilespmem:v6+s3+$0x0], $0xffff  }
0xf7: {  	v5 =	vshrl.u32 v5, $0x10;
	v7 =	vld.idx.msk [tilespmem:v7+s3+$0x0], $0xffff  }
0xf8: {  	v8 =	vld.idx.msk [tilespmem:v8+s3+$0x0], $0xffff  }
0xf9: {  	v3 =	vld.idx.msk [tilespmem:v3+s3+$0x0], $0xffff  }
0xfa: {  	v4 =	vld.idx.msk [tilespmem:v4+s3+$0x0], $0xffff;
	v9 =	vmul.f32 v9, v11  }
0xfb: {  	v11 =	vld.idx.msk [tilespmem:v14+s3+$0x0], $0xffff  }
0xfc: {  	[tilespmem:v5+s20+$0x0] =	vst.idx.add.f32.msk $0xffff, v9  }
0xfd: {  	v5 =	vld.idx.msk [tilespmem:v10+s3+$0x0], $0xffff  }
0xfe: {  	v9 =	vld [tilespmem:s23+$0xFFFFFFC0]  }
0xff: {  	v10 =	vld [tilespmem:s23+$0xFFFFFFD0]  }
0x100: {  	v14 =	vld [tilespmem:s23+$0xFFFFFFE0]  }
0x101: {  	v18 =	vld [tilespmem:s23+$0xFFFFFFF0]  }
0x102: {  	v19 =	vld [tilespmem:s23+$0x0]  }
0x103: {  	v9 =	vmul.f32 v11, v9;
	v11 =	vld [tilespmem:s23+$0x10]  }
0x104: {  	v6 =	vmul.f32 v6, v10;
	v10 =	vld [tilespmem:s23+$0x20]  }
.Ltmp4:
0x105: {  	[tilespmem:v13+s20+$0x0] =	vst.idx.add.f32.msk $0xffff, v9;
	v7 =	vmul.f32 v7, v14;
	(pc) =	sbr.rel @p0 .LBB2_10-.Ltmp4, $4  }
0x106: {  	[tilespmem:v12+s20+$0x0] =	vst.idx.add.f32.msk $0xffff, v6;
	v6 =	vmul.f32 v8, v18  }
0x107: {  	[tilespmem:v15+s20+$0x0] =	vst.idx.add.f32.msk $0xffff, v7;
	v7 =	vmul.f32 v3, v19  }
0x108: {  	[tilespmem:v16+s20+$0x0] =	vst.idx.add.f32.msk $0xffff, v6;
	v3 =	vmul.f32 v4, v11  }
0x109: {  	s25 =	sadd.s32 $0x80, s25;
	[tilespmem:v17+s20+$0x0] =	vst.idx.add.f32.msk $0xffff, v7;
	v4 =	vmul.f32 v5, v10  }
0x10a: {  	_ =	sdelay $0x3  }
0x10b: {  	[tilespmem:v1+s20+$0x0] =	vst.idx.add.f32.msk $0xffff, v3  }
0x10c: {  	[tilespmem:v2+s20+$0x0] =	vst.idx.add.f32.msk $0xffff, v4  }
0x10d: {  	_ =	swait.ge [sflag:s21], $0x500  }
0x10e: {  	[sflag:s21] =	ssyncset.done $0x0  }
0x10f: {  	[sflag:s21] =	ssyncadd.s32 $0xFFFFFB00  }
0x110: {  	_ =	swait.ge [sflag:s21], $0x500  }
0x111: {  	[sflag:s21] =	ssyncset.done $0x0  }
0x112: {  	s23 =	simm.s32 $0x19840;
	[sflag:s21] =	ssyncadd.s32 $0xFFFFFB00  }
0x113: {  	v1 =	vld [tilespmem:s23+$0x30]  }
0x114: {  	v2 =	vld [tilespmem:s23+$0xFFFFFFD0]  }
0x115: {  	v3 =	vld [tilespmem:s23+$0xFFFFFFE0]  }
0x116: {  	v4 =	vld [tilespmem:s23+$0xFFFFFFF0]  }
0x117: {  	v5 =	vld [tilespmem:s23+$0x0]  }
0x118: {  	v7 =	vld [tilespmem:s23+$0x10]  }
0x119: {  	v9 =	vld [tilespmem:s23+$0xFFFFFFC0]  }
0x11a: {  	v11 =	vld [tilespmem:s23+$0x20];
	s23 =	simm.s32 $0x1B840;
	v6 =	vand.u32 $0xFFFF, v1  }
0x11b: {  	v15 =	vld [tilespmem:s23+$0x30]  }
0x11c: {  	v59 =	vld [tilespmem:s23+$0xFFFFFFD0]  }
0x11d: {  	v60 =	vld [tilespmem:s23+$0xFFFFFFE0]  }
0x11e: {  	v18 =	vld [tilespmem:s23+$0xFFFFFFF0];
	v8 =	vand.u32 $0xFFFF, v2  }
0x11f: {  	v13 =	vand.u32 $0xFFFF, v5;
	v6 =	vld.idx.msk [tilespmem:v6+s3+$0x0], $0xffff  }
0x120: {  	v19 =	vld [tilespmem:s23+$0x0];
	v16 =	vand.u32 $0xFFFF, v9  }
0x121: {  	v61 =	vld [tilespmem:s23+$0x10];
	v1 =	vshrl.u32 v1, $0x10  }
0x122: {  	v62 =	vld [tilespmem:s23+$0x20]  }
0x123: {  	v12 =	vand.u32 $0xFFFF, v4;
	v8 =	vld.idx.msk [tilespmem:v8+s3+$0x0], $0xffff  }
0x124: {  	v10 =	vand.u32 $0xFFFF, v3;
	v13 =	vld.idx.msk [tilespmem:v13+s3+$0x0], $0xffff;
	v6 =	vmul.f32 v6, v15  }
0x125: {  	v14 =	vand.u32 $0xFFFF, v7;
	v58 =	vld.idx.msk [tilespmem:v16+s3+$0x0], $0xffff  }
0x126: {  	v17 =	vand.u32 $0xFFFF, v11;
	[tilespmem:v1+s20+$0x0] =	vst.idx.add.f32.msk $0xffff, v6  }
0x127: {  	v2 =	vshrl.u32 v2, $0x10;
	v1 =	vld [tilespmem:s23+$0xFFFFFFC0]  }
0x128: {  	v5 =	vshrl.u32 v5, $0x10;
	v12 =	vld.idx.msk [tilespmem:v12+s3+$0x0], $0xffff  }
0x129: {  	v9 =	vshrl.u32 v9, $0x10;
	v10 =	vld.idx.msk [tilespmem:v10+s3+$0x0], $0xffff  }
0x12a: {  	v4 =	vshrl.u32 v4, $0x10;
	v14 =	vld.idx.msk [tilespmem:v14+s3+$0x0], $0xffff;
	v8 =	vmul.f32 v8, v59  }
0x12b: {  	v3 =	vshrl.u32 v3, $0x10;
	v63 =	vmul.f32 v13, v19;
	v6 =	vld.idx.msk [tilespmem:v17+s3+$0x0], $0xffff  }
0x12c: {  	[tilespmem:v2+s20+$0x0] =	vst.idx.add.f32.msk $0xffff, v8;
	v1 =	vmul.f32 v58, v1  }
0x12d: {  	v2 =	vmul.f32 v12, v18;
	[tilespmem:v5+s20+$0x0] =	vst.idx.add.f32.msk $0xffff, v63  }
0x12e: {  	[tilespmem:v9+s20+$0x0] =	vst.idx.add.f32.msk $0xffff, v1;
	v1 =	vmul.f32 v10, v60  }
0x12f: {  	[tilespmem:v4+s20+$0x0] =	vst.idx.add.f32.msk $0xffff, v2;
	v2 =	vshrl.u32 v11, $0x10  }
0x130: {  	s24 =	simm.s32 $0x0;
	s25 =	simm.s32 $0x198C0;
	v4 =	vmul.f32 v6, v62;
	[tilespmem:v3+s20+$0x0] =	vst.idx.add.f32.msk $0xffff, v1;
	v1 =	vshrl.u32 v7, $0x10;
	v3 =	vmul.f32 v14, v61  }
.LBB2_12:
0x131: {  	v5 =	vld [tilespmem:s25+$0x30];
	s24 =	sadd.s32 $0x80, s24  }
0x132: {  	v6 =	vld [tilespmem:s25+$0xFFFFFFD0];
	p0 =	slt.u32 s24, $0x480  }
0x133: {  	v7 =	vld [tilespmem:s25+$0xFFFFFFE0]  }
0x134: {  	v8 =	vld [tilespmem:s25+$0xFFFFFFF0]  }
0x135: {  	v9 =	vld [tilespmem:s25+$0x0]  }
0x136: {  	v10 =	vld [tilespmem:s25+$0x10];
	v11 =	vand.u32 $0xFFFF, v5  }
0x137: {  	v12 =	vshrl.u32 v6, $0x10;
	v6 =	vand.u32 $0xFFFF, v6;
	v13 =	vld [tilespmem:s25+$0x20]  }
0x138: {  	v14 =	vld [tilespmem:s25+$0xFFFFFFC0];
	v15 =	vshrl.u32 v7, $0x10;
	v7 =	vand.u32 $0xFFFF, v7  }
0x139: {  	v16 =	vshrl.u32 v8, $0x10;
	v8 =	vand.u32 $0xFFFF, v8;
	[tilespmem:v1+s20+$0x0] =	vst.idx.add.f32.msk $0xffff, v3  }
0x13a: {  	v17 =	vshrl.u32 v9, $0x10;
	v3 =	vand.u32 $0xFFFF, v9;
	[tilespmem:v2+s20+$0x0] =	vst.idx.add.f32.msk $0xffff, v4  }
0x13b: {  	s23 =	sadd.s32 $0x80, s23;
	v1 =	vshrl.u32 v10, $0x10;
	v4 =	vand.u32 $0xFFFF, v10;
	v9 =	vld.idx.msk [tilespmem:v11+s3+$0x0], $0xffff  }
0x13c: {  	v2 =	vshrl.u32 v13, $0x10;
	v10 =	vand.u32 $0xFFFF, v13;
	v11 =	vld [tilespmem:s23+$0x30]  }
0x13d: {  	v13 =	vshrl.u32 v14, $0x10;
	v14 =	vand.u32 $0xFFFF, v14;
	v6 =	vld.idx.msk [tilespmem:v6+s3+$0x0], $0xffff  }
0x13e: {  	v5 =	vshrl.u32 v5, $0x10;
	v7 =	vld.idx.msk [tilespmem:v7+s3+$0x0], $0xffff  }
0x13f: {  	v8 =	vld.idx.msk [tilespmem:v8+s3+$0x0], $0xffff  }
0x140: {  	v3 =	vld.idx.msk [tilespmem:v3+s3+$0x0], $0xffff  }
0x141: {  	v4 =	vld.idx.msk [tilespmem:v4+s3+$0x0], $0xffff;
	v9 =	vmul.f32 v9, v11  }
0x142: {  	v11 =	vld.idx.msk [tilespmem:v14+s3+$0x0], $0xffff  }
0x143: {  	[tilespmem:v5+s20+$0x0] =	vst.idx.add.f32.msk $0xffff, v9  }
0x144: {  	v5 =	vld.idx.msk [tilespmem:v10+s3+$0x0], $0xffff  }
0x145: {  	v9 =	vld [tilespmem:s23+$0xFFFFFFC0]  }
0x146: {  	v10 =	vld [tilespmem:s23+$0xFFFFFFD0]  }
0x147: {  	v14 =	vld [tilespmem:s23+$0xFFFFFFE0]  }
0x148: {  	v18 =	vld [tilespmem:s23+$0xFFFFFFF0]  }
0x149: {  	v19 =	vld [tilespmem:s23+$0x0]  }
0x14a: {  	v9 =	vmul.f32 v11, v9;
	v11 =	vld [tilespmem:s23+$0x10]  }
0x14b: {  	v6 =	vmul.f32 v6, v10;
	v10 =	vld [tilespmem:s23+$0x20]  }
.Ltmp5:
0x14c: {  	[tilespmem:v13+s20+$0x0] =	vst.idx.add.f32.msk $0xffff, v9;
	v7 =	vmul.f32 v7, v14;
	(pc) =	sbr.rel @p0 .LBB2_12-.Ltmp5, $4  }
0x14d: {  	[tilespmem:v12+s20+$0x0] =	vst.idx.add.f32.msk $0xffff, v6;
	v6 =	vmul.f32 v8, v18  }
0x14e: {  	[tilespmem:v15+s20+$0x0] =	vst.idx.add.f32.msk $0xffff, v7;
	v7 =	vmul.f32 v3, v19  }
0x14f: {  	[tilespmem:v16+s20+$0x0] =	vst.idx.add.f32.msk $0xffff, v6;
	v3 =	vmul.f32 v4, v11  }
0x150: {  	s25 =	sadd.s32 $0x80, s25;
	[tilespmem:v17+s20+$0x0] =	vst.idx.add.f32.msk $0xffff, v7;
	v4 =	vmul.f32 v5, v10  }
0x151: {  	_ =	sdelay $0x2  }
0x152: {  	s22 =	sadd.s32 $0x1, s22  }
0x153: {  	[tilespmem:v1+s20+$0x0] =	vst.idx.add.f32.msk $0xffff, v3;
	p0 =	sne.s32 s22, s13  }
.Ltmp6:
0x154: {  	[tilespmem:v2+s20+$0x0] =	vst.idx.add.f32.msk $0xffff, v4;
	(pc) =	sbr.rel @p0 .LBB2_1-.Ltmp6, $4  }
0x155: {  	[hbm4b:s12+s3] =	stream.linear.scatter [tilespmem:s20], [sflag:$0x3], $0xC400, $0x38;
	[tilespmem:$0x1C800] =	vst v63  }
0x156: {  	_ =	swait.ge [sflag:s14], $0xC400  }
0x157: {  	[sflag:s14] =	ssyncset.done $0x0  }
0x158: {  	[sflag:s14] =	ssyncadd.s32 $0xFFFF3C00  }
0x159: {  	_ =	sfence.sel $0x180000  }
0x15a: {  	[bflag:$0x0] =	sbarrier.arrive $0xFFFF  }
0x15b: {  	p0 =	sne.s32 s2, $0x0;
	_ =	strace $0x9000004A  }
0x15c: {  	s0 =	sadd.s32 @!p0 $0x100000, s0;
	[bflag:$0x2] =	sbarrier.arrive $0xFFFF  }
0x15d: {  	[sflag:s0] =	ssyncadd.tile.s32 @!p0 $0x1;
	_ =	shalt  }
.Lfunc_end2:
_tile_overlayer_lowered:
.L_overlay_start_2:
0x15e: {  	(tag) =	ssettag $0x2  }
0x15f: {  	s0 =	rddreg [dreg:$0x0];
	s2 =	stileid.u32  }
0x160: {  	s1 =	rddreg [dreg:$0x1];
	p0 =	sne.s32 s2, $0x0  }
0x161: {  	s3 =	rddreg [dreg:$0x2];
	[bflag:$0x3] =	sbarrier.arrive $0xFFFF;
	s2 =	simm.s32 @!p0 $0x1C03  }
0x162: {  	[timem:s3], [sflag:s2] =	dma.local @!p0 [hbm:s0], s1  }
0x163: {  	s0 =	simm.s32 @!p0 $0x3  }
0x164: {  	_ =	swait.ge @!p0 [sflag:s0], s1  }
0x165: {  	s1 =	ssub.s32 @!p0 $0x0, s1;
	[sflag:s0] =	ssyncset.done @!p0 $0x0  }
0x166: {  	[sflag:s0] =	ssyncadd.s32 @!p0 s1  }
0x167: {  	[bflag:$0x3] =	sbarrier.arrive $0xFFFF  }
0x168: {  	_ =	shalt  }

// kernel: kernel.15.cloned.1.call-start
scs
__scs_entry_jumppad:
0x0: {  	(pc) =	sbr.rel $0x88, $3  }
0x1: {  	(tag) =	ssettag $0x0;
	lr =	simm.s32 $0x1  }
0x2: {  	[smem:$0x3F98] =	sst lr;
	_ =	strace $0xD0000000  }
0x3: {  	_ = 	snop  }
0x4: {  	_ = 	snop  }
0x5: {  	_ = 	snop  }
0x6: {  	_ = 	snop  }
0x7: {  	_ = 	snop  }
__scs_overlays_trampoline_lowered:
0x8: {  	[smem:$0x3FA7] =	sst s0  }
0x9: {  	[smem:$0x3FA8] =	sst s1  }
0xa: {  	[smem:$0x3FA9] =	sst s2  }
0xb: {  	[smem:$0x3FAA] =	sst s3  }
0xc: {  	[smem:$0x3FAB] =	sst s4  }
0xd: {  	[smem:$0x3FAC] =	sst s5  }
0xe: {  	[smem:$0x3FAD] =	sst s6  }
0xf: {  	[smem:$0x3FAE] =	sst s7  }
0x10: {  	[smem:$0x3FAF] =	sst s8  }
0x11: {  	[smem:$0x3FB0] =	sst s9;
	s0 =	simm.s32 @!p0 $0x0  }
0x12: {  	s1 =	sld [smem:$0x3F96];
	s0 =	simm.s32 @p0 $0x1  }
0x13: {  	[smem:$0x3FB1] =	sst s0;
	s0 =	simm.s32 @!p1 $0x0  }
0x14: {  	s2 =	sld [smem:$0x3F95];
	s0 =	simm.s32 @p1 $0x1  }
0x15: {  	[smem:$0x3FB2] =	sst s0;
	s0 =	simm.s32 @!p2 $0x0  }
0x16: {  	s3 =	sld [smem:$0x3FDB];
	s0 =	simm.s32 @p2 $0x1  }
0x17: {  	s4 =	simm.s32 $0x1BF5;
	[smem:$0x3FB4] =	sst s0  }
0x18: {  	s0 =	sld [smem:$0x3F97];
	_ =	swait.ge [sflag:s4], $0x0  }
0x19: {  	s7 =	sld [smem:$0x3F98]  }
0x1a: {  	s8 =	sadd.s32 $0xFFFFE003, lr  }
0x1b: {  	s9 =	sadd.s32 $0xFFFFFEF7, lr;
	s5 =	simm.s32 $0xFFFFFFFF;
	p2 =	slt.u32 s8, $0xFFFFF086  }
0x1c: {  	p1 =	slt.u32 s9, $0xF7A;
	s5 =	simm.s32 @!p2 $0x0  }
0x1d: {  	s5 =	simm.s32 @p1 $0x1;
	p0 =	seq.s32 s7, s2  }
0x1e: {  	s7 =	smul.u32 @!p0 $0xF7A, s2;
	p2 =	seq.s32 @!p0 s5, $0x0  }
0x1f: {  	s9 =	smul.u32 $0xF7A, s1;
	s8 =	simm.s32 @!p0 $0x1BF5;
	p2 =	por !p2, p0  }
0x20: {  	[sflag:s8] =	ssyncset.s32 @!p0 $0xFFFFF086;
	s6 =	sadd.s32 @!p0 s3, s7;
	s7 =	simm.s32 @!p0 $0x108  }
0x21: {  	s3 =	sadd.s32 s3, s9;
	s6 =	sadd.s32 @!p0 $0x88, s6;
	s7 =	simm.s32 @p2 $0x1082  }
0x22: {  	[simem:s7], [sflag:s8] =	dma.local @!p0 [hbm:s6], $0xF7A  }
0x23: {  	s9 =	sor.u32 $0xD0000000, s2;
	s6 =	simm.s32 $0x108;
	_ =	swait.ge @!p0 [sflag:s8], $0x0  }
0x24: {  	s3 =	sadd.s32 $0x88, s3;
	s6 =	simm.s32 @!p1 $0x1082;
	[sflag:s4] =	ssyncset.s32 $0xFFFFF086  }
0x25: {  	[simem:s6], [sflag:s4] =	dma.local [hbm:s3], $0xF7A  }
0x26: {  	[smem:$0x3F98] =	sst s1;
	(tag) =	ssettag s2;
	_ =	strace s9  }
0x27: {  	s1 =	sld [smem:$0x3FA8]  }
0x28: {  	s2 =	sld [smem:$0x3FA9]  }
0x29: {  	s4 =	sld [smem:$0x3FAB]  }
0x2a: {  	p0 =	seq.s32 s5, $0x0;
	s5 =	sld [smem:$0x3FAC]  }
0x2b: {  	s6 =	sld [smem:$0x3FAD]  }
0x2c: {  	s7 =	sld [smem:$0x3FAE]  }
0x2d: {  	s3 =	simm.s32 $0x108;
	s8 =	sld [smem:$0x3FAF]  }
0x2e: {  	s3 =	simm.s32 @!p0 $0x1082;
	s9 =	sld [smem:$0x3FB0]  }
0x2f: {  	lr =	sadd.s32 s0, s3;
	s0 =	sld [smem:$0x3FA7]  }
0x30: {  	s3 =	sld [smem:$0x3FAA]  }
0x31: {  	[smem:$0x3FB3] =	sst s10  }
0x32: {  	s10 =	sld [smem:$0x3FB1];
	_ =	sdelay $0x3  }
0x33: {  	p0 =	seq.s32 s10, $0x1;
	s10 =	sld [smem:$0x3FB3];
	_ =	sdelay $0x3  }
0x34: {  	[smem:$0x3FB3] =	sst s10  }
0x35: {  	s10 =	sld [smem:$0x3FB2];
	_ =	sdelay $0x3  }
0x36: {  	p1 =	seq.s32 s10, $0x1;
	s10 =	sld [smem:$0x3FB3];
	_ =	sdelay $0x3  }
0x37: {  	[smem:$0x3FB3] =	sst s10  }
0x38: {  	s10 =	sld [smem:$0x3FB4]  }
0x39: {  	_ = 	snop;
	(pc) =	sbr.ind lr, $3  }
0x3a: {  	_ = 	snop  }
0x3b: {  	_ = 	snop  }
0x3c: {  	p2 =	seq.s32 s10, $0x1;
	s10 =	sld [smem:$0x3FB3]  }
0x3d: {  	_ =	shalt  }
0x3e: {  	_ =	shalt  }
0x3f: {  	_ =	shalt  }
0x40: {  	_ =	shalt  }
0x41: {  	_ =	shalt  }
0x42: {  	_ =	shalt  }
0x43: {  	_ =	shalt  }
0x44: {  	_ =	shalt  }
0x45: {  	_ =	shalt  }
0x46: {  	_ =	shalt  }
0x47: {  	_ =	shalt  }
0x48: {  	_ =	shalt  }
0x49: {  	_ =	shalt  }
0x4a: {  	_ =	shalt  }
0x4b: {  	_ =	shalt  }
0x4c: {  	_ =	shalt  }
0x4d: {  	_ =	shalt  }
0x4e: {  	_ =	shalt  }
0x4f: {  	_ =	shalt  }
0x50: {  	_ =	shalt  }
0x51: {  	_ =	shalt  }
0x52: {  	_ =	shalt  }
0x53: {  	_ =	shalt  }
0x54: {  	_ =	shalt  }
0x55: {  	_ =	shalt  }
0x56: {  	_ =	shalt  }
0x57: {  	_ =	shalt  }
0x58: {  	_ =	shalt  }
0x59: {  	_ =	shalt  }
0x5a: {  	_ =	shalt  }
0x5b: {  	_ =	shalt  }
0x5c: {  	_ =	shalt  }
0x5d: {  	_ =	shalt  }
0x5e: {  	_ =	shalt  }
0x5f: {  	_ =	shalt  }
0x60: {  	_ =	shalt  }
0x61: {  	_ =	shalt  }
0x62: {  	_ =	shalt  }
0x63: {  	_ =	shalt  }
0x64: {  	_ =	shalt  }
0x65: {  	_ =	shalt  }
0x66: {  	_ =	shalt  }
0x67: {  	_ =	shalt  }
0x68: {  	_ =	shalt  }
0x69: {  	_ =	shalt  }
0x6a: {  	_ =	shalt  }
0x6b: {  	_ =	shalt  }
0x6c: {  	_ =	shalt  }
0x6d: {  	_ =	shalt  }
0x6e: {  	_ =	shalt  }
0x6f: {  	_ =	shalt  }
0x70: {  	_ =	shalt  }
0x71: {  	_ =	shalt  }
0x72: {  	_ =	shalt  }
0x73: {  	_ =	shalt  }
0x74: {  	_ =	shalt  }
0x75: {  	_ =	shalt  }
0x76: {  	_ =	shalt  }
0x77: {  	_ =	shalt  }
0x78: {  	_ =	shalt  }
0x79: {  	_ =	shalt  }
0x7a: {  	_ =	shalt  }
0x7b: {  	_ =	shalt  }
0x7c: {  	_ =	shalt  }
0x7d: {  	_ =	shalt  }
0x7e: {  	_ =	shalt  }
0x7f: {  	_ =	shalt  }
0x80: {  	_ =	shalt  }
0x81: {  	_ =	shalt  }
0x82: {  	_ =	shalt  }
0x83: {  	_ =	shalt  }
0x84: {  	_ =	shalt  }
0x85: {  	_ =	shalt  }
0x86: {  	_ =	shalt  }
0x87: {  	_ =	shalt  }
.Lfunc_end0:
.L_simem_size_0:
called_computation.2_lowered:
.L_overlay_start_0:
0x88: {  	s2 =	sld [smem:$0x3FD9]  }
0x89: {  	s3 =	sld [smem:$0x3FFE];
	_ =	sdelay $0x1  }
0x8a: {  	s1 =	srdreg.scid  }
0x8b: {  	s0 =	sand.u32 $0x1, s1  }
0x8c: {  	s17 =	sshll.u32 s0, $0xA;
	s2 =	sadd.s32 s3, s2  }
0x8d: {  	s2 =	sadd.s32 s2, s17  }
0x8e: {  	[smem:$0x3FBF] =	sst s2  }
0x8f: {  	_ = 	snop  }
0x90: {  	s2 =	sld [smem:$0x3FC7];
	(tm) =	ssettm $0x1  }
0x91: {  	s18 =	sld [smem:$0x3FFB];
	_ =	sdelay $0x3  }
0x92: {  	_ =	strace s18  }
0x93: {  	s3 =	sld [smem:$0x3FFC];
	_ =	sdelay $0x3  }
0x94: {  	_ =	strace s3  }
0x95: {  	s3 =	sld [smem:$0x3FFD];
	_ =	sdelay $0x3  }
0x96: {  	_ =	strace s3  }
0x97: {  	_ =	strace $0x8FFFFFFF  }
0x98: {  	s19 =	sld [smem:$0x3FDB];
	_ =	sdelay $0x1  }
0x99: {  	s4 =	simm.s32 $_scs_section_size  }
0x9a: {  	s5 =	simm.s32 $_size__tile_overlayer_lowered;
	s6 =	simm.s32 $_tile_overlayer_lowered  }
0x9b: {  	s22 =	simm.s32 $0x1BFF;
	s21 =	sshll.u32 s6, $0x1;
	s3 =	sadd.s32 s4, s19  }
0x9c: {  	s7 =	simm.s32 $0x0;
	s20 =	sshll.u32 s5, $0x1;
	s5 =	sadd.s32 s21, s3  }
0x9d: {  	[timem:s7], [sflag:s22] =	dma.local [hbm:s5], s20  }
0x9e: {  	_ =	swait.ge [sflag:s22], s20  }
0x9f: {  	s4 =	ssub.s32 $0x0, s20;
	[sflag:s22] =	ssyncset.done $0x0  }
0xa0: {  	[sflag:s22] =	ssyncadd.s32 s4;
	_ =	sdelay $0x1  }
0xa1: {  	s23 =	simm.s32 $0x1B8B  }
0xa2: {  	_ =	swait.ge [sflag:s23], $0x1  }
0xa3: {  	[sflag:s23] =	ssyncset.done $0x0  }
0xa4: {  	s25 =	simm.s32 $0x1B8E;
	s24 =	sld [smem:$0x3FFE];
	[sflag:s23] =	ssyncadd.s32 $0xFFFFFFFF  }
0xa5: {  	s26 =	simm.s32 $execute0_lowered;
	[smem:$0x3FD2] =	sst s25  }
0xa6: {  	s5 =	sshll.u32 s26, $0x1;
	_ =	strace $0x8000004C;
	[dreg:$0x1] =	wrdreg $0xFFFFFFFF  }
0xa7: {  	s28 =	simm.s32 $_size_execute0_lowered;
	s3 =	sadd.s32 s3, s5;
	[dreg:$0x0] =	wrdreg $0x0  }
0xa8: {  	s5 =	sshll.u32 s28, $0x1;
	[dreg:$0x2] =	wrdreg s3  }
0xa9: {  	[dreg:$0x3] =	wrdreg s5  }
0xaa: {  	[dreg:$0x4] =	wrdreg $0xC0  }
0xab: {  	_ =	task [dreg:s7], $0x5FFFF  }
0xac: {  	[dreg:$0x1] =	wrdreg $0xFFFFFFFF  }
0xad: {  	[dreg:$0x0] =	wrdreg $0x60  }
0xae: {  	[dreg:$0x2] =	wrdreg s24  }
0xaf: {  	[dreg:$0x3] =	wrdreg s2  }
0xb0: {  	[dreg:$0x4] =	wrdreg $0x9  }
0xb1: {  	_ =	task.clear_ibuf [dreg:s7], $0x5FFFF;
	_ =	strace $0x9000004C  }
0xb2: {  	s29 =	simm.s32 $0x9;
	_ =	strace $0x8000004E  }
0xb3: {  	_ =	swait.ge [sflag:s29], $0x1  }
0xb4: {  	[sflag:s29] =	ssyncadd.s32 $0xFFFFFFFF  }
0xb5: {  	_ =	strace $0x9000004E  }
0xb6: {  	_ =	sfence  }
0xb7: {  	s30 =	sld [smem:$0x0];
	_ =	sdelay $0x2  }
0xb8: {  	s31 =	sshll.u32 s1, $0xD;
	s1 =	sshrl.u32 s1, $0x2  }
0xb9: {  	s3 =	sand.u32 $0x4000, s31;
	s1 =	sadd.s32 s1, s30  }
0xba: {  	s0 =	sor.u32 s3, s0;
	s1 =	sshll.u32 s1, $0x11  }
0xbb: {  	s0 =	sor.u32 s1, s0  }
0xbc: {  	s0 =	sadd.s32 $0x8F2B, s0  }
0xbd: {  	[sflag:s0] =	ssyncadd.remote.s32 $0x1  }
0xbe: {  	_ =	sfence.sel $0xFFFF  }
0xbf: {  	[dreg:$0x0] =	wrdreg $0xFFFFFFFF;
	(pc) =	sbr.abs _section_cstart, $3  }
0xc0: {  	[dreg:$0x1] =	wrdreg $0xFFFFFFFF  }
0xc1: {  	_ =	task.clear_ibuf [dreg:s7], $0x2FFFF;
	_ =	strace $0x9FFFFFFF  }
0xc2: {  	(tm) =	ssettm $0x7FFFFFFF  }
0xc3: {  	_ =	shalt  }
tec
execute0_lowered:
.L_overlay_start_1:
0x0: {  	(tag) =	ssettag $0x1  }
0x1: {  	s5 =	rddreg [dreg:$0x0]  }
0x2: {  	s1 =	rddreg [dreg:$0x1]  }
0x3: {  	s2 =	srdreg.scid;
	s0 =	rddreg [dreg:$0x2]  }
0x4: {  	s3 =	simm.s32 $0x0;
	s14 =	simm.s32 $0x3;
	s15 =	simm.s32 $0x18800  }
0x5: {  	s16 =	simm.s32 $0x1A800;
	s17 =	simm.s32 $0x19800;
	s18 =	simm.s32 $0x1B800  }
0x6: {  	s19 =	simm.s32 $0x1;
	s20 =	simm.s32 $0xC400;
	s21 =	simm.s32 $0x2  }
0x7: {  	s22 =	simm.s32 $0x0;
	s4 =	sand.u32 $0x1, s2;
	s2 =	stileid.u32  }
0x8: {  	[smem:$0x7FF] =	sst s3;
	s6 =	sshll.u32 s4, $0x4;
	s7 =	smul.u32 $0x1880, s2  }
0x9: {  	_ =	strace $0x8000004D;
	s8 =	ssub.s32 $0x2, s4;
	s9 =	smul.u32 $0xC3500, s4  }
0xa: {  	s4 =	sadd.s32 $0x12AC00, s5;
	s6 =	sor.u32 s2, s6;
	s30 =	sshrl.u32 s8, $0x1  }
0xb: {  	s6 =	smul.u32 $0x1880, s6;
	s7 =	sadd.s32 s7, s5;
	s13 =	ssub.s32 s8, s30  }
0xc: {  	s31 =	sshrl.u32 s9, $0x3;
	s8 =	sadd.s32 $0x1000, s9;
	s9 =	sadd.s32 $0x2000, s9  }
0xd: {  	s11 =	sadd.s32 $0x18600, s31;
	s13 =	smax.u32 s13, $0x1;
	s12 =	sadd.s32 s6, s5  }
0xe: {  	s5 =	sadd.s32 $0x2400, s7;
	s6 =	sadd.s32 s4, s31;
	s7 =	sadd.s32 s1, s31  }
0xf: {  	v0 =	vimm.f32 $0.0e+00;
	s10 =	sadd.s32 s4, s11;
	s11 =	sadd.s32 s1, s11;
	s12 =	sadd.s32 $0x1AC00, s12  }
.LBB2_1:
0x10: {  	[tilespmem:s3], [sflag:$0x3] =	stream.linear.gather [hbm4b:s5+s3], $0xC400, $0x38;
	[tilespmem:$0x1C800] =	vst v63  }
0x11: {  	_ =	swait.ge [sflag:s14], $0xC400  }
0x12: {  	[sflag:s14] =	ssyncset.done $0x0  }
0x13: {  	s23 =	simm.s32 $0xC440;
	[sflag:s14] =	ssyncadd.s32 $0xFFFF3C00  }
0x14: {  	[tilespmem:s23+$0xFFFFFFC0] =	vst v0  }
0x15: {  	[tilespmem:s23+$0x30] =	vst v0  }
0x16: {  	[tilespmem:s23+$0x20] =	vst v0  }
0x17: {  	[tilespmem:s23+$0x10] =	vst v0  }
0x18: {  	[tilespmem:s23+$0x0] =	vst v0  }
0x19: {  	[tilespmem:s23+$0xFFFFFFF0] =	vst v0  }
0x1a: {  	s24 =	simm.s32 $0x0;
	[tilespmem:s23+$0xFFFFFFE0] =	vst v0  }
.LBB2_2:
0x1b: {  	s24 =	sadd.s32 $0x8, s24;
	[tilespmem:s23+$0xFFFFFFD0] =	vst v0;
	s23 =	sadd.s32 $0x80, s23  }
0x1c: {  	[tilespmem:s23+$0xFFFFFFC0] =	vst v0;
	p0 =	slt.u32 s24, $0xC38  }
0x1d: {  	[tilespmem:s23+$0x30] =	vst v0  }
.Ltmp0:
0x1e: {  	[tilespmem:s23+$0x20] =	vst v0;
	(pc) =	sbr.rel @p0 .LBB2_2-.Ltmp0, $4  }
0x1f: {  	[tilespmem:s23+$0x10] =	vst v0  }
0x20: {  	[tilespmem:s23+$0x0] =	vst v0  }
0x21: {  	[tilespmem:s23+$0xFFFFFFF0] =	vst v0  }
0x22: {  	[tilespmem:s23+$0xFFFFFFE0] =	vst v0  }
0x23: {  	[tilespmem:s23+$0xFFFFFFD0] =	vst v0;
	s23 =	simm.s32 $0x0  }
0x24: {  	[tilespmem:s15], [sflag:$0x1] =	stream.linear.gather [hbm4b:s6+s23], $0x1000, $0x38;
	[tilespmem:$0x1C800] =	vst v63  }
0x25: {  	_ = 	snop  }
0x26: {  	[tilespmem:s16], [sflag:$0x1] =	stream.linear.gather [hbm4b:s7+s23], $0x1000, $0x38;
	[tilespmem:$0x1C800] =	vst v63  }
.LBB2_4:
0x27: {  	s24 =	sshll.u32 s23, $0xD  }
0x28: {  	s25 =	sadd.s32 s24, s8  }
0x29: {  	s25 =	sshrl.u32 s25, $0x3  }
0x2a: {  	s26 =	sadd.s32 s4, s25  }
0x2b: {  	[tilespmem:s17], [sflag:$0x2] =	stream.linear.gather [hbm4b:s26+s3], $0x1000, $0x38;
	[tilespmem:$0x1C800] =	vst v63  }
0x2c: {  	s25 =	sadd.s32 s1, s25  }
0x2d: {  	[tilespmem:s18], [sflag:$0x2] =	stream.linear.gather [hbm4b:s25+s3], $0x1000, $0x38;
	[tilespmem:$0x1C800] =	vst v63  }
0x2e: {  	_ =	swait.ge [sflag:s19], $0x1000  }
0x2f: {  	[sflag:s19] =	ssyncset.done $0x0  }
0x30: {  	[sflag:s19] =	ssyncadd.s32 $0xFFFFF000  }
0x31: {  	_ =	swait.ge [sflag:s19], $0x1000  }
0x32: {  	[sflag:s19] =	ssyncset.done $0x0  }
0x33: {  	s31 =	simm.s32 $0x18840;
	[sflag:s19] =	ssyncadd.s32 $0xFFFFF000  }
0x34: {  	v1 =	vld [tilespmem:s31+$0x30]  }
0x35: {  	v2 =	vld [tilespmem:s31+$0xFFFFFFD0]  }
0x36: {  	v3 =	vld [tilespmem:s31+$0xFFFFFFE0]  }
0x37: {  	v4 =	vld [tilespmem:s31+$0xFFFFFFF0]  }
0x38: {  	v5 =	vld [tilespmem:s31+$0x0]  }
0x39: {  	v7 =	vld [tilespmem:s31+$0x10];
	v6 =	vand.u32 $0xFFFF, v1  }
0x3a: {  	v9 =	vld [tilespmem:s31+$0xFFFFFFC0]  }
0x3b: {  	s25 =	simm.s32 $0x1A840;
	v11 =	vld [tilespmem:s31+$0x20]  }
0x3c: {  	v15 =	vld [tilespmem:s25+$0x30]  }
0x3d: {  	v60 =	vld [tilespmem:s25+$0xFFFFFFD0]  }
0x3e: {  	v6 =	vld.idx.msk [tilespmem:v6+s3+$0x0], $0xffff  }
0x3f: {  	v61 =	vld [tilespmem:s25+$0xFFFFFFE0];
	v16 =	vand.u32 $0xFFFF, v9  }
0x40: {  	v18 =	vld [tilespmem:s25+$0xFFFFFFF0];
	v1 =	vshrl.u32 v1, $0x10  }
0x41: {  	v19 =	vld [tilespmem:s25+$0x0]  }
0x42: {  	v62 =	vld [tilespmem:s25+$0x10];
	v8 =	vand.u32 $0xFFFF, v2  }
0x43: {  	v63 =	vld [tilespmem:s25+$0x20];
	v10 =	vand.u32 $0xFFFF, v3;
	v6 =	vmul.f32 v6, v15  }
0x44: {  	v12 =	vand.u32 $0xFFFF, v4;
	v59 =	vld.idx.msk [tilespmem:v16+s3+$0x0], $0xffff  }
0x45: {  	v13 =	vand.u32 $0xFFFF, v5;
	[tilespmem:v1+s20+$0x0] =	vst.idx.add.f32.msk $0xffff, v6  }
0x46: {  	v14 =	vand.u32 $0xFFFF, v7;
	v1 =	vld [tilespmem:s25+$0xFFFFFFC0]  }
0x47: {  	v17 =	vand.u32 $0xFFFF, v11;
	v8 =	vld.idx.msk [tilespmem:v8+s3+$0x0], $0xffff  }
0x48: {  	v9 =	vshrl.u32 v9, $0x10;
	v10 =	vld.idx.msk [tilespmem:v10+s3+$0x0], $0xffff  }
0x49: {  	v2 =	vshrl.u32 v2, $0x10;
	v12 =	vld.idx.msk [tilespmem:v12+s3+$0x0], $0xffff  }
0x4a: {  	v3 =	vshrl.u32 v3, $0x10;
	v13 =	vld.idx.msk [tilespmem:v13+s3+$0x0], $0xffff  }
0x4b: {  	v4 =	vshrl.u32 v4, $0x10;
	v14 =	vld.idx.msk [tilespmem:v14+s3+$0x0], $0xffff;
	v1 =	vmul.f32 v59, v1  }
0x4c: {  	v5 =	vshrl.u32 v5, $0x10;
	v8 =	vmul.f32 v8, v60;
	v6 =	vld.idx.msk [tilespmem:v17+s3+$0x0], $0xffff  }
0x4d: {  	[tilespmem:v9+s20+$0x0] =	vst.idx.add.f32.msk $0xffff, v1;
	v1 =	vmul.f32 v10, v61  }
0x4e: {  	[tilespmem:v2+s20+$0x0] =	vst.idx.add.f32.msk $0xffff, v8;
	v2 =	vmul.f32 v12, v18  }
0x4f: {  	[tilespmem:v3+s20+$0x0] =	vst.idx.add.f32.msk $0xffff, v1;
	v3 =	vmul.f32 v13, v19  }
0x50: {  	[tilespmem:v4+s20+$0x0] =	vst.idx.add.f32.msk $0xffff, v2;
	v2 =	vshrl.u32 v11, $0x10  }
0x51: {  	s28 =	simm.s32 $0x188C0;
	s26 =	simm.s32 $0x0;
	v4 =	vmul.f32 v14, v62;
	v1 =	vshrl.u32 v7, $0x10;
	[tilespmem:v5+s20+$0x0] =	vst.idx.add.f32.msk $0xffff, v3;
	v3 =	vmul.f32 v6, v63  }
.LBB2_5:
0x52: {  	v5 =	vld [tilespmem:s28+$0x30];
	s26 =	sadd.s32 $0x80, s26  }
0x53: {  	v6 =	vld [tilespmem:s28+$0xFFFFFFD0];
	p0 =	slt.u32 s26, $0xF80  }
0x54: {  	v7 =	vld [tilespmem:s28+$0xFFFFFFE0]  }
0x55: {  	v8 =	vld [tilespmem:s28+$0xFFFFFFF0]  }
0x56: {  	v9 =	vld [tilespmem:s28+$0x0]  }
0x57: {  	v10 =	vld [tilespmem:s28+$0x10];
	v11 =	vand.u32 $0xFFFF, v5  }
0x58: {  	v12 =	vshrl.u32 v6, $0x10;
	v6 =	vand.u32 $0xFFFF, v6;
	v13 =	vld [tilespmem:s28+$0x20]  }
0x59: {  	v14 =	vld [tilespmem:s28+$0xFFFFFFC0];
	v15 =	vshrl.u32 v7, $0x10;
	v7 =	vand.u32 $0xFFFF, v7  }
0x5a: {  	v16 =	vshrl.u32 v8, $0x10;
	v8 =	vand.u32 $0xFFFF, v8;
	[tilespmem:v1+s20+$0x0] =	vst.idx.add.f32.msk $0xffff, v4  }
0x5b: {  	v17 =	vshrl.u32 v9, $0x10;
	v4 =	vand.u32 $0xFFFF, v9;
	[tilespmem:v2+s20+$0x0] =	vst.idx.add.f32.msk $0xffff, v3  }
0x5c: {  	s25 =	sadd.s32 $0x80, s25;
	v1 =	vshrl.u32 v10, $0x10;
	v3 =	vand.u32 $0xFFFF, v10;
	v9 =	vld.idx.msk [tilespmem:v11+s3+$0x0], $0xffff  }
0x5d: {  	v2 =	vshrl.u32 v13, $0x10;
	v10 =	vand.u32 $0xFFFF, v13;
	v11 =	vld [tilespmem:s25+$0x30]  }
0x5e: {  	v13 =	vshrl.u32 v14, $0x10;
	v14 =	vand.u32 $0xFFFF, v14;
	v6 =	vld.idx.msk [tilespmem:v6+s3+$0x0], $0xffff  }
0x5f: {  	v5 =	vshrl.u32 v5, $0x10;
	v7 =	vld.idx.msk [tilespmem:v7+s3+$0x0], $0xffff  }
0x60: {  	v8 =	vld.idx.msk [tilespmem:v8+s3+$0x0], $0xffff  }
0x61: {  	v4 =	vld.idx.msk [tilespmem:v4+s3+$0x0], $0xffff  }
0x62: {  	v3 =	vld.idx.msk [tilespmem:v3+s3+$0x0], $0xffff;
	v9 =	vmul.f32 v9, v11  }
0x63: {  	v11 =	vld.idx.msk [tilespmem:v14+s3+$0x0], $0xffff  }
0x64: {  	[tilespmem:v5+s20+$0x0] =	vst.idx.add.f32.msk $0xffff, v9  }
0x65: {  	v5 =	vld.idx.msk [tilespmem:v10+s3+$0x0], $0xffff  }
0x66: {  	v9 =	vld [tilespmem:s25+$0xFFFFFFC0]  }
0x67: {  	v10 =	vld [tilespmem:s25+$0xFFFFFFD0]  }
0x68: {  	v14 =	vld [tilespmem:s25+$0xFFFFFFE0]  }
0x69: {  	v18 =	vld [tilespmem:s25+$0xFFFFFFF0]  }
0x6a: {  	v19 =	vld [tilespmem:s25+$0x0]  }
0x6b: {  	v9 =	vmul.f32 v11, v9;
	v11 =	vld [tilespmem:s25+$0x10]  }
0x6c: {  	v6 =	vmul.f32 v6, v10;
	v10 =	vld [tilespmem:s25+$0x20]  }
.Ltmp1:
0x6d: {  	[tilespmem:v13+s20+$0x0] =	vst.idx.add.f32.msk $0xffff, v9;
	v7 =	vmul.f32 v7, v14;
	(pc) =	sbr.rel @p0 .LBB2_5-.Ltmp1, $4  }
0x6e: {  	[tilespmem:v12+s20+$0x0] =	vst.idx.add.f32.msk $0xffff, v6;
	v6 =	vmul.f32 v8, v18  }
0x6f: {  	[tilespmem:v15+s20+$0x0] =	vst.idx.add.f32.msk $0xffff, v7;
	v7 =	vmul.f32 v4, v19  }
0x70: {  	[tilespmem:v16+s20+$0x0] =	vst.idx.add.f32.msk $0xffff, v6;
	v4 =	vmul.f32 v3, v11  }
0x71: {  	s28 =	sadd.s32 $0x80, s28;
	[tilespmem:v17+s20+$0x0] =	vst.idx.add.f32.msk $0xffff, v7;
	v3 =	vmul.f32 v5, v10  }
0x72: {  	_ =	sdelay $0x2  }
0x73: {  	s24 =	sadd.s32 s24, s9  }
0x74: {  	[tilespmem:v1+s20+$0x0] =	vst.idx.add.f32.msk $0xffff, v4;
	s24 =	sshrl.u32 s24, $0x3  }
0x75: {  	[tilespmem:v2+s20+$0x0] =	vst.idx.add.f32.msk $0xffff, v3;
	s25 =	sadd.s32 s4, s24  }
0x76: {  	[tilespmem:s15], [sflag:$0x1] =	stream.linear.gather [hbm4b:s25+s3], $0x1000, $0x38;
	[tilespmem:$0x1C800] =	vst v63  }
0x77: {  	s24 =	sadd.s32 s1, s24  }
0x78: {  	[tilespmem:s16], [sflag:$0x1] =	stream.linear.gather [hbm4b:s24+s3], $0x1000, $0x38;
	[tilespmem:$0x1C800] =	vst v63  }
0x79: {  	_ =	swait.ge [sflag:s21], $0x1000  }
0x7a: {  	[sflag:s21] =	ssyncset.done $0x0  }
0x7b: {  	[sflag:s21] =	ssyncadd.s32 $0xFFFFF000  }
0x7c: {  	_ =	swait.ge [sflag:s21], $0x1000  }
0x7d: {  	[sflag:s21] =	ssyncset.done $0x0  }
0x7e: {  	s31 =	simm.s32 $0x19840;
	[sflag:s21] =	ssyncadd.s32 $0xFFFFF000  }
0x7f: {  	v1 =	vld [tilespmem:s31+$0x30]  }
0x80: {  	v2 =	vld [tilespmem:s31+$0xFFFFFFD0]  }
0x81: {  	v3 =	vld [tilespmem:s31+$0xFFFFFFE0]  }
0x82: {  	v4 =	vld [tilespmem:s31+$0xFFFFFFF0]  }
0x83: {  	v5 =	vld [tilespmem:s31+$0x0]  }
0x84: {  	v7 =	vld [tilespmem:s31+$0x10];
	v6 =	vand.u32 $0xFFFF, v1  }
0x85: {  	v9 =	vld [tilespmem:s31+$0xFFFFFFC0]  }
0x86: {  	s24 =	simm.s32 $0x1B840;
	v11 =	vld [tilespmem:s31+$0x20]  }
0x87: {  	v15 =	vld [tilespmem:s24+$0x30]  }
0x88: {  	v60 =	vld [tilespmem:s24+$0xFFFFFFD0]  }
0x89: {  	v6 =	vld.idx.msk [tilespmem:v6+s3+$0x0], $0xffff  }
0x8a: {  	v61 =	vld [tilespmem:s24+$0xFFFFFFE0];
	v16 =	vand.u32 $0xFFFF, v9  }
0x8b: {  	v18 =	vld [tilespmem:s24+$0xFFFFFFF0];
	v1 =	vshrl.u32 v1, $0x10  }
0x8c: {  	v19 =	vld [tilespmem:s24+$0x0]  }
0x8d: {  	v62 =	vld [tilespmem:s24+$0x10];
	v8 =	vand.u32 $0xFFFF, v2  }
0x8e: {  	v63 =	vld [tilespmem:s24+$0x20];
	v10 =	vand.u32 $0xFFFF, v3;
	v6 =	vmul.f32 v6, v15  }
0x8f: {  	v12 =	vand.u32 $0xFFFF, v4;
	v59 =	vld.idx.msk [tilespmem:v16+s3+$0x0], $0xffff  }
0x90: {  	v13 =	vand.u32 $0xFFFF, v5;
	[tilespmem:v1+s20+$0x0] =	vst.idx.add.f32.msk $0xffff, v6  }
0x91: {  	v14 =	vand.u32 $0xFFFF, v7;
	v1 =	vld [tilespmem:s24+$0xFFFFFFC0]  }
0x92: {  	v17 =	vand.u32 $0xFFFF, v11;
	v8 =	vld.idx.msk [tilespmem:v8+s3+$0x0], $0xffff  }
0x93: {  	v9 =	vshrl.u32 v9, $0x10;
	v10 =	vld.idx.msk [tilespmem:v10+s3+$0x0], $0xffff  }
0x94: {  	v2 =	vshrl.u32 v2, $0x10;
	v12 =	vld.idx.msk [tilespmem:v12+s3+$0x0], $0xffff  }
0x95: {  	v3 =	vshrl.u32 v3, $0x10;
	v13 =	vld.idx.msk [tilespmem:v13+s3+$0x0], $0xffff  }
0x96: {  	v4 =	vshrl.u32 v4, $0x10;
	v14 =	vld.idx.msk [tilespmem:v14+s3+$0x0], $0xffff;
	v1 =	vmul.f32 v59, v1  }
0x97: {  	v5 =	vshrl.u32 v5, $0x10;
	v8 =	vmul.f32 v8, v60;
	v6 =	vld.idx.msk [tilespmem:v17+s3+$0x0], $0xffff  }
0x98: {  	[tilespmem:v9+s20+$0x0] =	vst.idx.add.f32.msk $0xffff, v1;
	v1 =	vmul.f32 v10, v61  }
0x99: {  	[tilespmem:v2+s20+$0x0] =	vst.idx.add.f32.msk $0xffff, v8;
	v2 =	vmul.f32 v12, v18  }
0x9a: {  	[tilespmem:v3+s20+$0x0] =	vst.idx.add.f32.msk $0xffff, v1;
	v3 =	vmul.f32 v13, v19  }
0x9b: {  	[tilespmem:v4+s20+$0x0] =	vst.idx.add.f32.msk $0xffff, v2;
	v2 =	vshrl.u32 v11, $0x10  }
0x9c: {  	s26 =	simm.s32 $0x198C0;
	s25 =	simm.s32 $0x0;
	v4 =	vmul.f32 v14, v62;
	v1 =	vshrl.u32 v7, $0x10;
	[tilespmem:v5+s20+$0x0] =	vst.idx.add.f32.msk $0xffff, v3;
	v3 =	vmul.f32 v6, v63  }
.LBB2_7:
0x9d: {  	v5 =	vld [tilespmem:s26+$0x30];
	s25 =	sadd.s32 $0x80, s25  }
0x9e: {  	v6 =	vld [tilespmem:s26+$0xFFFFFFD0];
	p0 =	slt.u32 s25, $0xF80  }
0x9f: {  	v7 =	vld [tilespmem:s26+$0xFFFFFFE0]  }
0xa0: {  	v8 =	vld [tilespmem:s26+$0xFFFFFFF0]  }
0xa1: {  	v9 =	vld [tilespmem:s26+$0x0]  }
0xa2: {  	v10 =	vld [tilespmem:s26+$0x10];
	v11 =	vand.u32 $0xFFFF, v5  }
0xa3: {  	v12 =	vshrl.u32 v6, $0x10;
	v6 =	vand.u32 $0xFFFF, v6;
	v13 =	vld [tilespmem:s26+$0x20]  }
0xa4: {  	v14 =	vld [tilespmem:s26+$0xFFFFFFC0];
	v15 =	vshrl.u32 v7, $0x10;
	v7 =	vand.u32 $0xFFFF, v7  }
0xa5: {  	v16 =	vshrl.u32 v8, $0x10;
	v8 =	vand.u32 $0xFFFF, v8;
	[tilespmem:v1+s20+$0x0] =	vst.idx.add.f32.msk $0xffff, v4  }
0xa6: {  	v17 =	vshrl.u32 v9, $0x10;
	v4 =	vand.u32 $0xFFFF, v9;
	[tilespmem:v2+s20+$0x0] =	vst.idx.add.f32.msk $0xffff, v3  }
0xa7: {  	s24 =	sadd.s32 $0x80, s24;
	v1 =	vshrl.u32 v10, $0x10;
	v3 =	vand.u32 $0xFFFF, v10;
	v9 =	vld.idx.msk [tilespmem:v11+s3+$0x0], $0xffff  }
0xa8: {  	v2 =	vshrl.u32 v13, $0x10;
	v10 =	vand.u32 $0xFFFF, v13;
	v11 =	vld [tilespmem:s24+$0x30]  }
0xa9: {  	v13 =	vshrl.u32 v14, $0x10;
	v14 =	vand.u32 $0xFFFF, v14;
	v6 =	vld.idx.msk [tilespmem:v6+s3+$0x0], $0xffff  }
0xaa: {  	v5 =	vshrl.u32 v5, $0x10;
	v7 =	vld.idx.msk [tilespmem:v7+s3+$0x0], $0xffff  }
0xab: {  	v8 =	vld.idx.msk [tilespmem:v8+s3+$0x0], $0xffff  }
0xac: {  	v4 =	vld.idx.msk [tilespmem:v4+s3+$0x0], $0xffff  }
0xad: {  	v3 =	vld.idx.msk [tilespmem:v3+s3+$0x0], $0xffff;
	v9 =	vmul.f32 v9, v11  }
0xae: {  	v11 =	vld.idx.msk [tilespmem:v14+s3+$0x0], $0xffff  }
0xaf: {  	[tilespmem:v5+s20+$0x0] =	vst.idx.add.f32.msk $0xffff, v9  }
0xb0: {  	v5 =	vld.idx.msk [tilespmem:v10+s3+$0x0], $0xffff  }
0xb1: {  	v9 =	vld [tilespmem:s24+$0xFFFFFFC0]  }
0xb2: {  	v10 =	vld [tilespmem:s24+$0xFFFFFFD0]  }
0xb3: {  	v14 =	vld [tilespmem:s24+$0xFFFFFFE0]  }
0xb4: {  	v18 =	vld [tilespmem:s24+$0xFFFFFFF0]  }
0xb5: {  	v19 =	vld [tilespmem:s24+$0x0]  }
0xb6: {  	v9 =	vmul.f32 v11, v9;
	v11 =	vld [tilespmem:s24+$0x10]  }
0xb7: {  	v6 =	vmul.f32 v6, v10;
	v10 =	vld [tilespmem:s24+$0x20]  }
.Ltmp2:
0xb8: {  	[tilespmem:v13+s20+$0x0] =	vst.idx.add.f32.msk $0xffff, v9;
	v7 =	vmul.f32 v7, v14;
	(pc) =	sbr.rel @p0 .LBB2_7-.Ltmp2, $4  }
0xb9: {  	[tilespmem:v12+s20+$0x0] =	vst.idx.add.f32.msk $0xffff, v6;
	v6 =	vmul.f32 v8, v18  }
0xba: {  	[tilespmem:v15+s20+$0x0] =	vst.idx.add.f32.msk $0xffff, v7;
	v7 =	vmul.f32 v4, v19  }
0xbb: {  	[tilespmem:v16+s20+$0x0] =	vst.idx.add.f32.msk $0xffff, v6;
	v4 =	vmul.f32 v3, v11  }
0xbc: {  	s26 =	sadd.s32 $0x80, s26;
	[tilespmem:v17+s20+$0x0] =	vst.idx.add.f32.msk $0xffff, v7;
	v3 =	vmul.f32 v5, v10  }
0xbd: {  	s23 =	sadd.s32 $0x1, s23  }
0xbe: {  	p0 =	sne.s32 s23, $0x61  }
.Ltmp3:
0xbf: {  	_ = 	snop;
	(pc) =	sbr.rel @p0 .LBB2_4-.Ltmp3, $3  }
0xc0: {  	_ =	sdelay $0x1  }
0xc1: {  	[tilespmem:v1+s20+$0x0] =	vst.idx.add.f32.msk $0xffff, v4  }
0xc2: {  	[tilespmem:v2+s20+$0x0] =	vst.idx.add.f32.msk $0xffff, v3  }
0xc3: {  	[tilespmem:s17], [sflag:$0x2] =	stream.linear.gather [hbm4b:s10+s3], $0x500, $0x38;
	[tilespmem:$0x1C800] =	vst v63  }
0xc4: {  	_ = 	snop  }
0xc5: {  	[tilespmem:s18], [sflag:$0x2] =	stream.linear.gather [hbm4b:s11+s3], $0x500, $0x38;
	[tilespmem:$0x1C800] =	vst v63  }
0xc6: {  	_ =	swait.ge [sflag:s19], $0x1000  }
0xc7: {  	[sflag:s19] =	ssyncset.done $0x0  }
0xc8: {  	[sflag:s19] =	ssyncadd.s32 $0xFFFFF000  }
0xc9: {  	_ =	swait.ge [sflag:s19], $0x1000  }
0xca: {  	[sflag:s19] =	ssyncset.done $0x0  }
0xcb: {  	s23 =	simm.s32 $0x18840;
	[sflag:s19] =	ssyncadd.s32 $0xFFFFF000  }
0xcc: {  	v1 =	vld [tilespmem:s23+$0x30]  }
0xcd: {  	v2 =	vld [tilespmem:s23+$0xFFFFFFD0]  }
0xce: {  	v3 =	vld [tilespmem:s23+$0xFFFFFFE0]  }
0xcf: {  	v4 =	vld [tilespmem:s23+$0xFFFFFFF0]  }
0xd0: {  	v5 =	vld [tilespmem:s23+$0x0]  }
0xd1: {  	v7 =	vld [tilespmem:s23+$0x10]  }
0xd2: {  	v9 =	vld [tilespmem:s23+$0xFFFFFFC0]  }
0xd3: {  	v11 =	vld [tilespmem:s23+$0x20];
	s23 =	simm.s32 $0x1A840;
	v6 =	vand.u32 $0xFFFF, v1  }
0xd4: {  	v15 =	vld [tilespmem:s23+$0x30]  }
0xd5: {  	v59 =	vld [tilespmem:s23+$0xFFFFFFD0]  }
0xd6: {  	v60 =	vld [tilespmem:s23+$0xFFFFFFE0]  }
0xd7: {  	v18 =	vld [tilespmem:s23+$0xFFFFFFF0];
	v8 =	vand.u32 $0xFFFF, v2  }
0xd8: {  	v13 =	vand.u32 $0xFFFF, v5;
	v6 =	vld.idx.msk [tilespmem:v6+s3+$0x0], $0xffff  }
0xd9: {  	v19 =	vld [tilespmem:s23+$0x0];
	v16 =	vand.u32 $0xFFFF, v9  }
0xda: {  	v61 =	vld [tilespmem:s23+$0x10];
	v1 =	vshrl.u32 v1, $0x10  }
0xdb: {  	v62 =	vld [tilespmem:s23+$0x20]  }
0xdc: {  	v12 =	vand.u32 $0xFFFF, v4;
	v8 =	vld.idx.msk [tilespmem:v8+s3+$0x0], $0xffff  }
0xdd: {  	v10 =	vand.u32 $0xFFFF, v3;
	v13 =	vld.idx.msk [tilespmem:v13+s3+$0x0], $0xffff;
	v6 =	vmul.f32 v6, v15  }
0xde: {  	v14 =	vand.u32 $0xFFFF, v7;
	v58 =	vld.idx.msk [tilespmem:v16+s3+$0x0], $0xffff  }
0xdf: {  	v17 =	vand.u32 $0xFFFF, v11;
	[tilespmem:v1+s20+$0x0] =	vst.idx.add.f32.msk $0xffff, v6  }
0xe0: {  	v2 =	vshrl.u32 v2, $0x10;
	v1 =	vld [tilespmem:s23+$0xFFFFFFC0]  }
0xe1: {  	v5 =	vshrl.u32 v5, $0x10;
	v12 =	vld.idx.msk [tilespmem:v12+s3+$0x0], $0xffff  }
0xe2: {  	v9 =	vshrl.u32 v9, $0x10;
	v10 =	vld.idx.msk [tilespmem:v10+s3+$0x0], $0xffff  }
0xe3: {  	v4 =	vshrl.u32 v4, $0x10;
	v14 =	vld.idx.msk [tilespmem:v14+s3+$0x0], $0xffff;
	v8 =	vmul.f32 v8, v59  }
0xe4: {  	v3 =	vshrl.u32 v3, $0x10;
	v63 =	vmul.f32 v13, v19;
	v6 =	vld.idx.msk [tilespmem:v17+s3+$0x0], $0xffff  }
0xe5: {  	[tilespmem:v2+s20+$0x0] =	vst.idx.add.f32.msk $0xffff, v8;
	v1 =	vmul.f32 v58, v1  }
0xe6: {  	v2 =	vmul.f32 v12, v18;
	[tilespmem:v5+s20+$0x0] =	vst.idx.add.f32.msk $0xffff, v63  }
0xe7: {  	[tilespmem:v9+s20+$0x0] =	vst.idx.add.f32.msk $0xffff, v1;
	v1 =	vmul.f32 v10, v60  }
0xe8: {  	[tilespmem:v4+s20+$0x0] =	vst.idx.add.f32.msk $0xffff, v2;
	v2 =	vshrl.u32 v11, $0x10  }
0xe9: {  	s24 =	simm.s32 $0x0;
	s25 =	simm.s32 $0x188C0;
	v4 =	vmul.f32 v6, v62;
	[tilespmem:v3+s20+$0x0] =	vst.idx.add.f32.msk $0xffff, v1;
	v1 =	vshrl.u32 v7, $0x10;
	v3 =	vmul.f32 v14, v61  }
.LBB2_10:
0xea: {  	v5 =	vld [tilespmem:s25+$0x30];
	s24 =	sadd.s32 $0x80, s24  }
0xeb: {  	v6 =	vld [tilespmem:s25+$0xFFFFFFD0];
	p0 =	slt.u32 s24, $0xF80  }
0xec: {  	v7 =	vld [tilespmem:s25+$0xFFFFFFE0]  }
0xed: {  	v8 =	vld [tilespmem:s25+$0xFFFFFFF0]  }
0xee: {  	v9 =	vld [tilespmem:s25+$0x0]  }
0xef: {  	v10 =	vld [tilespmem:s25+$0x10];
	v11 =	vand.u32 $0xFFFF, v5  }
0xf0: {  	v12 =	vshrl.u32 v6, $0x10;
	v6 =	vand.u32 $0xFFFF, v6;
	v13 =	vld [tilespmem:s25+$0x20]  }
0xf1: {  	v14 =	vld [tilespmem:s25+$0xFFFFFFC0];
	v15 =	vshrl.u32 v7, $0x10;
	v7 =	vand.u32 $0xFFFF, v7  }
0xf2: {  	v16 =	vshrl.u32 v8, $0x10;
	v8 =	vand.u32 $0xFFFF, v8;
	[tilespmem:v1+s20+$0x0] =	vst.idx.add.f32.msk $0xffff, v3  }
0xf3: {  	v17 =	vshrl.u32 v9, $0x10;
	v3 =	vand.u32 $0xFFFF, v9;
	[tilespmem:v2+s20+$0x0] =	vst.idx.add.f32.msk $0xffff, v4  }
0xf4: {  	s23 =	sadd.s32 $0x80, s23;
	v1 =	vshrl.u32 v10, $0x10;
	v4 =	vand.u32 $0xFFFF, v10;
	v9 =	vld.idx.msk [tilespmem:v11+s3+$0x0], $0xffff  }
0xf5: {  	v2 =	vshrl.u32 v13, $0x10;
	v10 =	vand.u32 $0xFFFF, v13;
	v11 =	vld [tilespmem:s23+$0x30]  }
0xf6: {  	v13 =	vshrl.u32 v14, $0x10;
	v14 =	vand.u32 $0xFFFF, v14;
	v6 =	vld.idx.msk [tilespmem:v6+s3+$0x0], $0xffff  }
0xf7: {  	v5 =	vshrl.u32 v5, $0x10;
	v7 =	vld.idx.msk [tilespmem:v7+s3+$0x0], $0xffff  }
0xf8: {  	v8 =	vld.idx.msk [tilespmem:v8+s3+$0x0], $0xffff  }
0xf9: {  	v3 =	vld.idx.msk [tilespmem:v3+s3+$0x0], $0xffff  }
0xfa: {  	v4 =	vld.idx.msk [tilespmem:v4+s3+$0x0], $0xffff;
	v9 =	vmul.f32 v9, v11  }
0xfb: {  	v11 =	vld.idx.msk [tilespmem:v14+s3+$0x0], $0xffff  }
0xfc: {  	[tilespmem:v5+s20+$0x0] =	vst.idx.add.f32.msk $0xffff, v9  }
0xfd: {  	v5 =	vld.idx.msk [tilespmem:v10+s3+$0x0], $0xffff  }
0xfe: {  	v9 =	vld [tilespmem:s23+$0xFFFFFFC0]  }
0xff: {  	v10 =	vld [tilespmem:s23+$0xFFFFFFD0]  }
0x100: {  	v14 =	vld [tilespmem:s23+$0xFFFFFFE0]  }
0x101: {  	v18 =	vld [tilespmem:s23+$0xFFFFFFF0]  }
0x102: {  	v19 =	vld [tilespmem:s23+$0x0]  }
0x103: {  	v9 =	vmul.f32 v11, v9;
	v11 =	vld [tilespmem:s23+$0x10]  }
0x104: {  	v6 =	vmul.f32 v6, v10;
	v10 =	vld [tilespmem:s23+$0x20]  }
.Ltmp4:
0x105: {  	[tilespmem:v13+s20+$0x0] =	vst.idx.add.f32.msk $0xffff, v9;
	v7 =	vmul.f32 v7, v14;
	(pc) =	sbr.rel @p0 .LBB2_10-.Ltmp4, $4  }
0x106: {  	[tilespmem:v12+s20+$0x0] =	vst.idx.add.f32.msk $0xffff, v6;
	v6 =	vmul.f32 v8, v18  }
0x107: {  	[tilespmem:v15+s20+$0x0] =	vst.idx.add.f32.msk $0xffff, v7;
	v7 =	vmul.f32 v3, v19  }
0x108: {  	[tilespmem:v16+s20+$0x0] =	vst.idx.add.f32.msk $0xffff, v6;
	v3 =	vmul.f32 v4, v11  }
0x109: {  	s25 =	sadd.s32 $0x80, s25;
	[tilespmem:v17+s20+$0x0] =	vst.idx.add.f32.msk $0xffff, v7;
	v4 =	vmul.f32 v5, v10  }
0x10a: {  	_ =	sdelay $0x3  }
0x10b: {  	[tilespmem:v1+s20+$0x0] =	vst.idx.add.f32.msk $0xffff, v3  }
0x10c: {  	[tilespmem:v2+s20+$0x0] =	vst.idx.add.f32.msk $0xffff, v4  }
0x10d: {  	_ =	swait.ge [sflag:s21], $0x500  }
0x10e: {  	[sflag:s21] =	ssyncset.done $0x0  }
0x10f: {  	[sflag:s21] =	ssyncadd.s32 $0xFFFFFB00  }
0x110: {  	_ =	swait.ge [sflag:s21], $0x500  }
0x111: {  	[sflag:s21] =	ssyncset.done $0x0  }
0x112: {  	s23 =	simm.s32 $0x19840;
	[sflag:s21] =	ssyncadd.s32 $0xFFFFFB00  }
0x113: {  	v1 =	vld [tilespmem:s23+$0x30]  }
0x114: {  	v2 =	vld [tilespmem:s23+$0xFFFFFFD0]  }
0x115: {  	v3 =	vld [tilespmem:s23+$0xFFFFFFE0]  }
0x116: {  	v4 =	vld [tilespmem:s23+$0xFFFFFFF0]  }
0x117: {  	v5 =	vld [tilespmem:s23+$0x0]  }
0x118: {  	v7 =	vld [tilespmem:s23+$0x10]  }
0x119: {  	v9 =	vld [tilespmem:s23+$0xFFFFFFC0]  }
0x11a: {  	v11 =	vld [tilespmem:s23+$0x20];
	s23 =	simm.s32 $0x1B840;
	v6 =	vand.u32 $0xFFFF, v1  }
0x11b: {  	v15 =	vld [tilespmem:s23+$0x30]  }
0x11c: {  	v59 =	vld [tilespmem:s23+$0xFFFFFFD0]  }
0x11d: {  	v60 =	vld [tilespmem:s23+$0xFFFFFFE0]  }
0x11e: {  	v18 =	vld [tilespmem:s23+$0xFFFFFFF0];
	v8 =	vand.u32 $0xFFFF, v2  }
0x11f: {  	v13 =	vand.u32 $0xFFFF, v5;
	v6 =	vld.idx.msk [tilespmem:v6+s3+$0x0], $0xffff  }
0x120: {  	v19 =	vld [tilespmem:s23+$0x0];
	v16 =	vand.u32 $0xFFFF, v9  }
0x121: {  	v61 =	vld [tilespmem:s23+$0x10];
	v1 =	vshrl.u32 v1, $0x10  }
0x122: {  	v62 =	vld [tilespmem:s23+$0x20]  }
0x123: {  	v12 =	vand.u32 $0xFFFF, v4;
	v8 =	vld.idx.msk [tilespmem:v8+s3+$0x0], $0xffff  }
0x124: {  	v10 =	vand.u32 $0xFFFF, v3;
	v13 =	vld.idx.msk [tilespmem:v13+s3+$0x0], $0xffff;
	v6 =	vmul.f32 v6, v15  }
0x125: {  	v14 =	vand.u32 $0xFFFF, v7;
	v58 =	vld.idx.msk [tilespmem:v16+s3+$0x0], $0xffff  }
0x126: {  	v17 =	vand.u32 $0xFFFF, v11;
	[tilespmem:v1+s20+$0x0] =	vst.idx.add.f32.msk $0xffff, v6  }
0x127: {  	v2 =	vshrl.u32 v2, $0x10;
	v1 =	vld [tilespmem:s23+$0xFFFFFFC0]  }
0x128: {  	v5 =	vshrl.u32 v5, $0x10;
	v12 =	vld.idx.msk [tilespmem:v12+s3+$0x0], $0xffff  }
0x129: {  	v9 =	vshrl.u32 v9, $0x10;
	v10 =	vld.idx.msk [tilespmem:v10+s3+$0x0], $0xffff  }
0x12a: {  	v4 =	vshrl.u32 v4, $0x10;
	v14 =	vld.idx.msk [tilespmem:v14+s3+$0x0], $0xffff;
	v8 =	vmul.f32 v8, v59  }
0x12b: {  	v3 =	vshrl.u32 v3, $0x10;
	v63 =	vmul.f32 v13, v19;
	v6 =	vld.idx.msk [tilespmem:v17+s3+$0x0], $0xffff  }
0x12c: {  	[tilespmem:v2+s20+$0x0] =	vst.idx.add.f32.msk $0xffff, v8;
	v1 =	vmul.f32 v58, v1  }
0x12d: {  	v2 =	vmul.f32 v12, v18;
	[tilespmem:v5+s20+$0x0] =	vst.idx.add.f32.msk $0xffff, v63  }
0x12e: {  	[tilespmem:v9+s20+$0x0] =	vst.idx.add.f32.msk $0xffff, v1;
	v1 =	vmul.f32 v10, v60  }
0x12f: {  	[tilespmem:v4+s20+$0x0] =	vst.idx.add.f32.msk $0xffff, v2;
	v2 =	vshrl.u32 v11, $0x10  }
0x130: {  	s24 =	simm.s32 $0x0;
	s25 =	simm.s32 $0x198C0;
	v4 =	vmul.f32 v6, v62;
	[tilespmem:v3+s20+$0x0] =	vst.idx.add.f32.msk $0xffff, v1;
	v1 =	vshrl.u32 v7, $0x10;
	v3 =	vmul.f32 v14, v61  }
.LBB2_12:
0x131: {  	v5 =	vld [tilespmem:s25+$0x30];
	s24 =	sadd.s32 $0x80, s24  }
0x132: {  	v6 =	vld [tilespmem:s25+$0xFFFFFFD0];
	p0 =	slt.u32 s24, $0x480  }
0x133: {  	v7 =	vld [tilespmem:s25+$0xFFFFFFE0]  }
0x134: {  	v8 =	vld [tilespmem:s25+$0xFFFFFFF0]  }
0x135: {  	v9 =	vld [tilespmem:s25+$0x0]  }
0x136: {  	v10 =	vld [tilespmem:s25+$0x10];
	v11 =	vand.u32 $0xFFFF, v5  }
0x137: {  	v12 =	vshrl.u32 v6, $0x10;
	v6 =	vand.u32 $0xFFFF, v6;
	v13 =	vld [tilespmem:s25+$0x20]  }
0x138: {  	v14 =	vld [tilespmem:s25+$0xFFFFFFC0];
	v15 =	vshrl.u32 v7, $0x10;
	v7 =	vand.u32 $0xFFFF, v7  }
0x139: {  	v16 =	vshrl.u32 v8, $0x10;
	v8 =	vand.u32 $0xFFFF, v8;
	[tilespmem:v1+s20+$0x0] =	vst.idx.add.f32.msk $0xffff, v3  }
0x13a: {  	v17 =	vshrl.u32 v9, $0x10;
	v3 =	vand.u32 $0xFFFF, v9;
	[tilespmem:v2+s20+$0x0] =	vst.idx.add.f32.msk $0xffff, v4  }
0x13b: {  	s23 =	sadd.s32 $0x80, s23;
	v1 =	vshrl.u32 v10, $0x10;
	v4 =	vand.u32 $0xFFFF, v10;
	v9 =	vld.idx.msk [tilespmem:v11+s3+$0x0], $0xffff  }
0x13c: {  	v2 =	vshrl.u32 v13, $0x10;
	v10 =	vand.u32 $0xFFFF, v13;
	v11 =	vld [tilespmem:s23+$0x30]  }
0x13d: {  	v13 =	vshrl.u32 v14, $0x10;
	v14 =	vand.u32 $0xFFFF, v14;
	v6 =	vld.idx.msk [tilespmem:v6+s3+$0x0], $0xffff  }
0x13e: {  	v5 =	vshrl.u32 v5, $0x10;
	v7 =	vld.idx.msk [tilespmem:v7+s3+$0x0], $0xffff  }
0x13f: {  	v8 =	vld.idx.msk [tilespmem:v8+s3+$0x0], $0xffff  }
0x140: {  	v3 =	vld.idx.msk [tilespmem:v3+s3+$0x0], $0xffff  }
0x141: {  	v4 =	vld.idx.msk [tilespmem:v4+s3+$0x0], $0xffff;
	v9 =	vmul.f32 v9, v11  }
0x142: {  	v11 =	vld.idx.msk [tilespmem:v14+s3+$0x0], $0xffff  }
0x143: {  	[tilespmem:v5+s20+$0x0] =	vst.idx.add.f32.msk $0xffff, v9  }
0x144: {  	v5 =	vld.idx.msk [tilespmem:v10+s3+$0x0], $0xffff  }
0x145: {  	v9 =	vld [tilespmem:s23+$0xFFFFFFC0]  }
0x146: {  	v10 =	vld [tilespmem:s23+$0xFFFFFFD0]  }
0x147: {  	v14 =	vld [tilespmem:s23+$0xFFFFFFE0]  }
0x148: {  	v18 =	vld [tilespmem:s23+$0xFFFFFFF0]  }
0x149: {  	v19 =	vld [tilespmem:s23+$0x0]  }
0x14a: {  	v9 =	vmul.f32 v11, v9;
	v11 =	vld [tilespmem:s23+$0x10]  }
0x14b: {  	v6 =	vmul.f32 v6, v10;
	v10 =	vld [tilespmem:s23+$0x20]  }
.Ltmp5:
0x14c: {  	[tilespmem:v13+s20+$0x0] =	vst.idx.add.f32.msk $0xffff, v9;
	v7 =	vmul.f32 v7, v14;
	(pc) =	sbr.rel @p0 .LBB2_12-.Ltmp5, $4  }
0x14d: {  	[tilespmem:v12+s20+$0x0] =	vst.idx.add.f32.msk $0xffff, v6;
	v6 =	vmul.f32 v8, v18  }
0x14e: {  	[tilespmem:v15+s20+$0x0] =	vst.idx.add.f32.msk $0xffff, v7;
	v7 =	vmul.f32 v3, v19  }
0x14f: {  	[tilespmem:v16+s20+$0x0] =	vst.idx.add.f32.msk $0xffff, v6;
	v3 =	vmul.f32 v4, v11  }
0x150: {  	s25 =	sadd.s32 $0x80, s25;
	[tilespmem:v17+s20+$0x0] =	vst.idx.add.f32.msk $0xffff, v7;
	v4 =	vmul.f32 v5, v10  }
0x151: {  	_ =	sdelay $0x2  }
0x152: {  	s22 =	sadd.s32 $0x1, s22  }
0x153: {  	[tilespmem:v1+s20+$0x0] =	vst.idx.add.f32.msk $0xffff, v3;
	p0 =	sne.s32 s22, s13  }
.Ltmp6:
0x154: {  	[tilespmem:v2+s20+$0x0] =	vst.idx.add.f32.msk $0xffff, v4;
	(pc) =	sbr.rel @p0 .LBB2_1-.Ltmp6, $4  }
0x155: {  	[hbm4b:s12+s3] =	stream.linear.scatter [tilespmem:s20], [sflag:$0x3], $0xC400, $0x38;
	[tilespmem:$0x1C800] =	vst v63  }
0x156: {  	_ =	swait.ge [sflag:s14], $0xC400  }
0x157: {  	[sflag:s14] =	ssyncset.done $0x0  }
0x158: {  	[sflag:s14] =	ssyncadd.s32 $0xFFFF3C00  }
0x159: {  	_ =	sfence.sel $0x180000  }
0x15a: {  	[bflag:$0x0] =	sbarrier.arrive $0xFFFF  }
0x15b: {  	p0 =	sne.s32 s2, $0x0;
	_ =	strace $0x9000004D  }
0x15c: {  	s0 =	sadd.s32 @!p0 $0x100000, s0;
	[bflag:$0x2] =	sbarrier.arrive $0xFFFF  }
0x15d: {  	[sflag:s0] =	ssyncadd.tile.s32 @!p0 $0x1;
	_ =	shalt  }
.Lfunc_end2:
_tile_overlayer_lowered:
.L_overlay_start_2:
0x15e: {  	(tag) =	ssettag $0x2  }
0x15f: {  	s0 =	rddreg [dreg:$0x0];
	s2 =	stileid.u32  }
0x160: {  	s1 =	rddreg [dreg:$0x1];
	p0 =	sne.s32 s2, $0x0  }
0x161: {  	s3 =	rddreg [dreg:$0x2];
	[bflag:$0x3] =	sbarrier.arrive $0xFFFF;
	s2 =	simm.s32 @!p0 $0x1C03  }
0x162: {  	[timem:s3], [sflag:s2] =	dma.local @!p0 [hbm:s0], s1  }
0x163: {  	s0 =	simm.s32 @!p0 $0x3  }
0x164: {  	_ =	swait.ge @!p0 [sflag:s0], s1  }
0x165: {  	s1 =	ssub.s32 @!p0 $0x0, s1;
	[sflag:s0] =	ssyncset.done @!p0 $0x0  }
0x166: {  	[sflag:s0] =	ssyncadd.s32 @!p0 s1  }
0x167: {  	[bflag:$0x3] =	sbarrier.arrive $0xFFFF  }
0x168: {  	_ =	shalt  }

// kernel: kernel.9.cloned.1.call-start
scs
__scs_entry_jumppad:
0x0: {  	(pc) =	sbr.rel $0x88, $3  }
0x1: {  	(tag) =	ssettag $0x0;
	lr =	simm.s32 $0x1  }
0x2: {  	[smem:$0x3F98] =	sst lr;
	_ =	strace $0xD0000000  }
0x3: {  	_ = 	snop  }
0x4: {  	_ = 	snop  }
0x5: {  	_ = 	snop  }
0x6: {  	_ = 	snop  }
0x7: {  	_ = 	snop  }
__scs_overlays_trampoline_lowered:
0x8: {  	[smem:$0x3FA7] =	sst s0  }
0x9: {  	[smem:$0x3FA8] =	sst s1  }
0xa: {  	[smem:$0x3FA9] =	sst s2  }
0xb: {  	[smem:$0x3FAA] =	sst s3  }
0xc: {  	[smem:$0x3FAB] =	sst s4  }
0xd: {  	[smem:$0x3FAC] =	sst s5  }
0xe: {  	[smem:$0x3FAD] =	sst s6  }
0xf: {  	[smem:$0x3FAE] =	sst s7  }
0x10: {  	[smem:$0x3FAF] =	sst s8  }
0x11: {  	[smem:$0x3FB0] =	sst s9;
	s0 =	simm.s32 @!p0 $0x0  }
0x12: {  	s1 =	sld [smem:$0x3F96];
	s0 =	simm.s32 @p0 $0x1  }
0x13: {  	[smem:$0x3FB1] =	sst s0;
	s0 =	simm.s32 @!p1 $0x0  }
0x14: {  	s2 =	sld [smem:$0x3F95];
	s0 =	simm.s32 @p1 $0x1  }
0x15: {  	[smem:$0x3FB2] =	sst s0;
	s0 =	simm.s32 @!p2 $0x0  }
0x16: {  	s3 =	sld [smem:$0x3FDB];
	s0 =	simm.s32 @p2 $0x1  }
0x17: {  	s4 =	simm.s32 $0x1BF5;
	[smem:$0x3FB4] =	sst s0  }
0x18: {  	s0 =	sld [smem:$0x3F97];
	_ =	swait.ge [sflag:s4], $0x0  }
0x19: {  	s7 =	sld [smem:$0x3F98]  }
0x1a: {  	s8 =	sadd.s32 $0xFFFFE003, lr  }
0x1b: {  	s9 =	sadd.s32 $0xFFFFFEF7, lr;
	s5 =	simm.s32 $0xFFFFFFFF;
	p2 =	slt.u32 s8, $0xFFFFF086  }
0x1c: {  	p1 =	slt.u32 s9, $0xF7A;
	s5 =	simm.s32 @!p2 $0x0  }
0x1d: {  	s5 =	simm.s32 @p1 $0x1;
	p0 =	seq.s32 s7, s2  }
0x1e: {  	s7 =	smul.u32 @!p0 $0xF7A, s2;
	p2 =	seq.s32 @!p0 s5, $0x0  }
0x1f: {  	s9 =	smul.u32 $0xF7A, s1;
	s8 =	simm.s32 @!p0 $0x1BF5;
	p2 =	por !p2, p0  }
0x20: {  	[sflag:s8] =	ssyncset.s32 @!p0 $0xFFFFF086;
	s6 =	sadd.s32 @!p0 s3, s7;
	s7 =	simm.s32 @!p0 $0x108  }
0x21: {  	s3 =	sadd.s32 s3, s9;
	s6 =	sadd.s32 @!p0 $0x88, s6;
	s7 =	simm.s32 @p2 $0x1082  }
0x22: {  	[simem:s7], [sflag:s8] =	dma.local @!p0 [hbm:s6], $0xF7A  }
0x23: {  	s9 =	sor.u32 $0xD0000000, s2;
	s6 =	simm.s32 $0x108;
	_ =	swait.ge @!p0 [sflag:s8], $0x0  }
0x24: {  	s3 =	sadd.s32 $0x88, s3;
	s6 =	simm.s32 @!p1 $0x1082;
	[sflag:s4] =	ssyncset.s32 $0xFFFFF086  }
0x25: {  	[simem:s6], [sflag:s4] =	dma.local [hbm:s3], $0xF7A  }
0x26: {  	[smem:$0x3F98] =	sst s1;
	(tag) =	ssettag s2;
	_ =	strace s9  }
0x27: {  	s1 =	sld [smem:$0x3FA8]  }
0x28: {  	s2 =	sld [smem:$0x3FA9]  }
0x29: {  	s4 =	sld [smem:$0x3FAB]  }
0x2a: {  	p0 =	seq.s32 s5, $0x0;
	s5 =	sld [smem:$0x3FAC]  }
0x2b: {  	s6 =	sld [smem:$0x3FAD]  }
0x2c: {  	s7 =	sld [smem:$0x3FAE]  }
0x2d: {  	s3 =	simm.s32 $0x108;
	s8 =	sld [smem:$0x3FAF]  }
0x2e: {  	s3 =	simm.s32 @!p0 $0x1082;
	s9 =	sld [smem:$0x3FB0]  }
0x2f: {  	lr =	sadd.s32 s0, s3;
	s0 =	sld [smem:$0x3FA7]  }
0x30: {  	s3 =	sld [smem:$0x3FAA]  }
0x31: {  	[smem:$0x3FB3] =	sst s10  }
0x32: {  	s10 =	sld [smem:$0x3FB1];
	_ =	sdelay $0x3  }
0x33: {  	p0 =	seq.s32 s10, $0x1;
	s10 =	sld [smem:$0x3FB3];
	_ =	sdelay $0x3  }
0x34: {  	[smem:$0x3FB3] =	sst s10  }
0x35: {  	s10 =	sld [smem:$0x3FB2];
	_ =	sdelay $0x3  }
0x36: {  	p1 =	seq.s32 s10, $0x1;
	s10 =	sld [smem:$0x3FB3];
	_ =	sdelay $0x3  }
0x37: {  	[smem:$0x3FB3] =	sst s10  }
0x38: {  	s10 =	sld [smem:$0x3FB4]  }
0x39: {  	_ = 	snop;
	(pc) =	sbr.ind lr, $3  }
0x3a: {  	_ = 	snop  }
0x3b: {  	_ = 	snop  }
0x3c: {  	p2 =	seq.s32 s10, $0x1;
	s10 =	sld [smem:$0x3FB3]  }
0x3d: {  	_ =	shalt  }
0x3e: {  	_ =	shalt  }
0x3f: {  	_ =	shalt  }
0x40: {  	_ =	shalt  }
0x41: {  	_ =	shalt  }
0x42: {  	_ =	shalt  }
0x43: {  	_ =	shalt  }
0x44: {  	_ =	shalt  }
0x45: {  	_ =	shalt  }
0x46: {  	_ =	shalt  }
0x47: {  	_ =	shalt  }
0x48: {  	_ =	shalt  }
0x49: {  	_ =	shalt  }
0x4a: {  	_ =	shalt  }
0x4b: {  	_ =	shalt  }
0x4c: {  	_ =	shalt  }
0x4d: {  	_ =	shalt  }
0x4e: {  	_ =	shalt  }
0x4f: {  	_ =	shalt  }
0x50: {  	_ =	shalt  }
0x51: {  	_ =	shalt  }
0x52: {  	_ =	shalt  }
0x53: {  	_ =	shalt  }
0x54: {  	_ =	shalt  }
0x55: {  	_ =	shalt  }
0x56: {  	_ =	shalt  }
0x57: {  	_ =	shalt  }
0x58: {  	_ =	shalt  }
0x59: {  	_ =	shalt  }
0x5a: {  	_ =	shalt  }
0x5b: {  	_ =	shalt  }
0x5c: {  	_ =	shalt  }
0x5d: {  	_ =	shalt  }
0x5e: {  	_ =	shalt  }
0x5f: {  	_ =	shalt  }
0x60: {  	_ =	shalt  }
0x61: {  	_ =	shalt  }
0x62: {  	_ =	shalt  }
0x63: {  	_ =	shalt  }
0x64: {  	_ =	shalt  }
0x65: {  	_ =	shalt  }
0x66: {  	_ =	shalt  }
0x67: {  	_ =	shalt  }
0x68: {  	_ =	shalt  }
0x69: {  	_ =	shalt  }
0x6a: {  	_ =	shalt  }
0x6b: {  	_ =	shalt  }
0x6c: {  	_ =	shalt  }
0x6d: {  	_ =	shalt  }
0x6e: {  	_ =	shalt  }
0x6f: {  	_ =	shalt  }
0x70: {  	_ =	shalt  }
0x71: {  	_ =	shalt  }
0x72: {  	_ =	shalt  }
0x73: {  	_ =	shalt  }
0x74: {  	_ =	shalt  }
0x75: {  	_ =	shalt  }
0x76: {  	_ =	shalt  }
0x77: {  	_ =	shalt  }
0x78: {  	_ =	shalt  }
0x79: {  	_ =	shalt  }
0x7a: {  	_ =	shalt  }
0x7b: {  	_ =	shalt  }
0x7c: {  	_ =	shalt  }
0x7d: {  	_ =	shalt  }
0x7e: {  	_ =	shalt  }
0x7f: {  	_ =	shalt  }
0x80: {  	_ =	shalt  }
0x81: {  	_ =	shalt  }
0x82: {  	_ =	shalt  }
0x83: {  	_ =	shalt  }
0x84: {  	_ =	shalt  }
0x85: {  	_ =	shalt  }
0x86: {  	_ =	shalt  }
0x87: {  	_ =	shalt  }
.Lfunc_end0:
.L_simem_size_0:
called_computation_lowered:
.L_overlay_start_0:
0x88: {  	s2 =	sld [smem:$0x3FD9]  }
0x89: {  	s3 =	sld [smem:$0x3FFE];
	_ =	sdelay $0x1  }
0x8a: {  	s1 =	srdreg.scid  }
0x8b: {  	s0 =	sand.u32 $0x1, s1  }
0x8c: {  	s16 =	sshll.u32 s0, $0xA;
	s2 =	sadd.s32 s3, s2  }
0x8d: {  	s2 =	sadd.s32 s2, s16  }
0x8e: {  	[smem:$0x3FBF] =	sst s2  }
0x8f: {  	_ = 	snop  }
0x90: {  	(tm) =	ssettm $0x1  }
0x91: {  	s17 =	sld [smem:$0x3FFB];
	_ =	sdelay $0x3  }
0x92: {  	_ =	strace s17  }
0x93: {  	s2 =	sld [smem:$0x3FFC];
	_ =	sdelay $0x3  }
0x94: {  	_ =	strace s2  }
0x95: {  	s2 =	sld [smem:$0x3FFD];
	_ =	sdelay $0x3  }
0x96: {  	_ =	strace s2  }
0x97: {  	_ =	strace $0x8FFFFFFF  }
0x98: {  	s18 =	sld [smem:$0x3FDB];
	_ =	sdelay $0x1  }
0x99: {  	s19 =	simm.s32 $_scs_section_size  }
0x9a: {  	s4 =	simm.s32 $_size__tile_overlayer_lowered;
	s5 =	simm.s32 $_tile_overlayer_lowered  }
0x9b: {  	s22 =	simm.s32 $0x1BFF;
	s21 =	sshll.u32 s5, $0x1;
	s2 =	sadd.s32 s19, s18  }
0x9c: {  	s6 =	simm.s32 $0x0;
	s20 =	sshll.u32 s4, $0x1;
	s4 =	sadd.s32 s21, s2  }
0x9d: {  	[timem:s6], [sflag:s22] =	dma.local [hbm:s4], s20  }
0x9e: {  	_ =	swait.ge [sflag:s22], s20  }
0x9f: {  	s3 =	ssub.s32 $0x0, s20;
	[sflag:s22] =	ssyncset.done $0x0  }
0xa0: {  	[sflag:s22] =	ssyncadd.s32 s3;
	_ =	sdelay $0x1  }
0xa1: {  	s23 =	simm.s32 $0x1B8B  }
0xa2: {  	_ =	swait.ge [sflag:s23], $0x1  }
0xa3: {  	[sflag:s23] =	ssyncset.done $0x0  }
0xa4: {  	s25 =	simm.s32 $0x1B8E;
	s24 =	sld [smem:$0x3FFE];
	[sflag:s23] =	ssyncadd.s32 $0xFFFFFFFF  }
0xa5: {  	s26 =	simm.s32 $execute0_lowered;
	[smem:$0x3FD2] =	sst s25  }
0xa6: {  	s4 =	sshll.u32 s26, $0x1;
	_ =	strace $0x80000046;
	[dreg:$0x1] =	wrdreg $0xFFFFFFFF  }
0xa7: {  	s28 =	simm.s32 $_size_execute0_lowered;
	s2 =	sadd.s32 s2, s4;
	[dreg:$0x0] =	wrdreg $0x0  }
0xa8: {  	s4 =	sshll.u32 s28, $0x1;
	[dreg:$0x2] =	wrdreg s2  }
0xa9: {  	[dreg:$0x3] =	wrdreg s4  }
0xaa: {  	[dreg:$0x4] =	wrdreg $0xC0  }
0xab: {  	_ =	task [dreg:s6], $0x5FFFF  }
0xac: {  	[dreg:$0x1] =	wrdreg $0xFFFFFFFF  }
0xad: {  	[dreg:$0x0] =	wrdreg $0x60  }
0xae: {  	[dreg:$0x2] =	wrdreg s24  }
0xaf: {  	[dreg:$0x3] =	wrdreg $0x1C800  }
0xb0: {  	[dreg:$0x4] =	wrdreg $0x9  }
0xb1: {  	_ =	task.clear_ibuf [dreg:s6], $0x5FFFF;
	_ =	strace $0x90000046  }
0xb2: {  	s29 =	simm.s32 $0x9;
	_ =	strace $0x80000048  }
0xb3: {  	_ =	swait.ge [sflag:s29], $0x1  }
0xb4: {  	[sflag:s29] =	ssyncadd.s32 $0xFFFFFFFF  }
0xb5: {  	_ =	strace $0x90000048  }
0xb6: {  	_ =	sfence  }
0xb7: {  	s30 =	sld [smem:$0x0];
	_ =	sdelay $0x2  }
0xb8: {  	s31 =	sshll.u32 s1, $0xD;
	s1 =	sshrl.u32 s1, $0x2  }
0xb9: {  	s3 =	sand.u32 $0x4000, s31;
	s1 =	sadd.s32 s1, s30  }
0xba: {  	s0 =	sor.u32 s3, s0;
	s1 =	sshll.u32 s1, $0x11  }
0xbb: {  	s0 =	sor.u32 s1, s0  }
0xbc: {  	s0 =	sadd.s32 $0x8F2B, s0  }
0xbd: {  	[sflag:s0] =	ssyncadd.remote.s32 $0x1  }
0xbe: {  	_ =	sfence.sel $0xFFFF  }
0xbf: {  	[dreg:$0x0] =	wrdreg $0xFFFFFFFF;
	(pc) =	sbr.abs _section_cstart, $3  }
0xc0: {  	[dreg:$0x1] =	wrdreg $0xFFFFFFFF  }
0xc1: {  	_ =	task.clear_ibuf [dreg:s6], $0x2FFFF;
	_ =	strace $0x9FFFFFFF  }
0xc2: {  	(tm) =	ssettm $0x7FFFFFFF  }
0xc3: {  	_ =	shalt  }
tec
execute0_lowered:
.L_overlay_start_1:
0x0: {  	(tag) =	ssettag $0x1  }
0x1: {  	s0 =	rddreg [dreg:$0x0]  }
0x2: {  	s2 =	rddreg [dreg:$0x1];
	s3 =	simm.s32 $0x0;
	s1 =	srdreg.scid  }
0x3: {  	s11 =	stileid.u32;
	s15 =	simm.s32 $0x480;
	s16 =	simm.s32 $0xC80  }
0x4: {  	s17 =	simm.s32 $0x500;
	s18 =	simm.s32 $0xD00;
	s19 =	simm.s32 $0x580  }
0x5: {  	s20 =	simm.s32 $0xD80;
	s21 =	simm.s32 $0x600;
	s22 =	simm.s32 $0xE00  }
0x6: {  	s23 =	simm.s32 $0x680;
	s24 =	simm.s32 $0xE80;
	s28 =	simm.s32 $0x380  }
0x7: {  	s29 =	simm.s32 $0xB80;
	s30 =	simm.s32 $0x3;
	[smem:$0x7FF] =	sst s3  }
0x8: {  	s31 =	simm.s32 $0x2;
	_ =	strace $0x80000047;
	[dreg:$0x5] =	wrdreg s15  }
0x9: {  	s1 =	sand.u32 $0x1, s1;
	s4 =	smul.u32 $0xC40, s11;
	[dreg:$0x6] =	wrdreg s16  }
0xa: {  	s7 =	sadd.s32 $0x33400, s0;
	s26 =	smul.u32 $0x1880, s11;
	[dreg:$0x7] =	wrdreg s17  }
0xb: {  	s8 =	sadd.s32 $0x2400, s0;
	s5 =	smul.u32 $0xC400, s1;
	[dreg:$0x8] =	wrdreg s18  }
0xc: {  	s6 =	sshll.u32 s1, $0x4;
	s9 =	ssub.s32 $0x2, s1;
	[dreg:$0x9] =	wrdreg s19  }
0xd: {  	s1 =	smul.u32 $0x18800, s1;
	s15 =	simm.s32 $0x80;
	[dreg:$0xa] =	wrdreg s20  }
0xe: {  	s16 =	simm.s32 $0x880;
	s17 =	simm.s32 $0x100;
	[dreg:$0xb] =	wrdreg s21  }
0xf: {  	s18 =	simm.s32 $0x900;
	s19 =	simm.s32 $0x180;
	[dreg:$0xc] =	wrdreg s22  }
0x10: {  	s20 =	simm.s32 $0x980;
	[dreg:$0xd] =	wrdreg s23;
	s21 =	simm.s32 $0x200  }
0x11: {  	[dreg:$0xe] =	wrdreg s24;
	s22 =	simm.s32 $0xA00;
	s23 =	simm.s32 $0x280  }
0x12: {  	s24 =	simm.s32 $0xA80;
	s6 =	sor.u32 s11, s6;
	s10 =	sshrl.u32 s9, $0x1  }
0x13: {  	s5 =	sadd.s32 s4, s5;
	s6 =	smul.u32 $0x1880, s6;
	s25 =	ssub.s32 s9, s10  }
0x14: {  	s10 =	sadd.s32 s4, s2;
	s12 =	sadd.s32 s1, s8;
	s1 =	sadd.s32 s1, s7  }
0x15: {  	s5 =	sshrl.u32 s5, $0x3;
	s4 =	sadd.s32 s26, s12;
	s13 =	sadd.s32 s26, s1  }
0x16: {  	s14 =	smax.u32 s25, $0x1;
	s12 =	simm.s32 $0x400;
	[dreg:$0x11] =	wrdreg s10  }
0x17: {  	s25 =	simm.s32 $0x700;
	s26 =	simm.s32 $0xF00;
	[dreg:$0x3] =	wrdreg s4  }
0x18: {  	s1 =	simm.s32 $0xF80;
	s0 =	sadd.s32 s5, s0;
	[dreg:$0x15] =	wrdreg s14  }
0x19: {  	s11 =	sadd.s32 s7, s6;
	s6 =	sadd.s32 s8, s6;
	[dreg:$0x4] =	wrdreg s13  }
0x1a: {  	s5 =	simm.s32 $0x1000;
	s8 =	simm.s32 $0x4;
	[dreg:$0xf] =	wrdreg s25  }
0x1b: {  	s13 =	simm.s32 $0xC00;
	s14 =	simm.s32 $0x1;
	[dreg:$0x10] =	wrdreg s26  }
0x1c: {  	s25 =	simm.s32 $0x300;
	s26 =	simm.s32 $0xB00;
	[dreg:$0x12] =	wrdreg s11  }
0x1d: {  	[dreg:$0x13] =	wrdreg s6;
	s0 =	sadd.s32 $0x64400, s0;
	s11 =	simm.s32 $0x800  }
0x1e: {  	v0 =	vimm.f32 $0.0e+00;
	s6 =	simm.s32 $0x0;
	[dreg:$0x14] =	wrdreg s0;
	s0 =	simm.s32 $0x780  }
.LBB2_1:
0x1f: {  	[dreg:$0x16] =	wrdreg s6;
	s6 =	simm.s32 $0x1040  }
0x20: {  	[tilespmem:s6+$0xFFFFFFC0] =	vst v0  }
0x21: {  	[tilespmem:s6+$0x30] =	vst v0  }
0x22: {  	[tilespmem:s6+$0x20] =	vst v0  }
0x23: {  	[tilespmem:s6+$0x10] =	vst v0  }
0x24: {  	[tilespmem:s6+$0x0] =	vst v0  }
0x25: {  	[tilespmem:s6+$0xFFFFFFF0] =	vst v0  }
0x26: {  	s7 =	simm.s32 $0x0;
	[tilespmem:s6+$0xFFFFFFE0] =	vst v0  }
.LBB2_2:
0x27: {  	s7 =	sadd.s32 $0x8, s7;
	[tilespmem:s6+$0xFFFFFFD0] =	vst v0;
	s6 =	sadd.s32 $0x80, s6  }
0x28: {  	[tilespmem:s6+$0xFFFFFFC0] =	vst v0;
	p0 =	slt.u32 s7, $0xB8  }
0x29: {  	[tilespmem:s6+$0x30] =	vst v0  }
.Ltmp0:
0x2a: {  	[tilespmem:s6+$0x20] =	vst v0;
	(pc) =	sbr.rel @p0 .LBB2_2-.Ltmp0, $4  }
0x2b: {  	[tilespmem:s6+$0x10] =	vst v0  }
0x2c: {  	[tilespmem:s6+$0x0] =	vst v0  }
0x2d: {  	[tilespmem:s6+$0xFFFFFFF0] =	vst v0  }
0x2e: {  	[tilespmem:s6+$0xFFFFFFE0] =	vst v0  }
0x2f: {  	[tilespmem:s6+$0xFFFFFFD0] =	vst v0  }
0x30: {  	[tilespmem:$0x1C00] =	vst v0  }
0x31: {  	[tilespmem:$0x1C10] =	vst v0  }
0x32: {  	[tilespmem:$0x1C20] =	vst v0  }
0x33: {  	[tilespmem:$0x1C30] =	vst v0  }
0x34: {  	[spmem:s10] =	stream.linear.scatter [tilespmem:s5], [sflag:$0x4], $0xC40, $0x38;
	[tilespmem:$0x28C0] =	vst v63  }
0x35: {  	_ =	swait.ge [sflag:s8], $0xC40  }
0x36: {  	[sflag:s8] =	ssyncset.done $0x0  }
0x37: {  	[sflag:s8] =	ssyncadd.s32 $0xFFFFF3C0  }
0x38: {  	[bflag:$0x0] =	sbarrier.arrive $0xFFFF  }
0x39: {  	s8 =	rddreg [dreg:$0x12]  }
0x3a: {  	s9 =	rddreg [dreg:$0x4]  }
0x3b: {  	s4 =	simm.s32 $0x0;
	s7 =	rddreg [dreg:$0x3]  }
0x3c: {  	[tilespmem:s4], [sflag:$0x1] =	stream.linear.gather [hbm4b:s8+s4], $0x400, $0x38;
	[tilespmem:$0x28C0] =	vst v63  }
0x3d: {  	s10 =	rddreg [dreg:$0x13];
	s5 =	sadd.s32 $0x0, s9  }
0x3e: {  	[tilespmem:s11], [sflag:$0x1] =	stream.linear.gather [hbm4b:s10+s4], $0x400, $0x38;
	[tilespmem:$0x28C0] =	vst v63  }
0x3f: {  	s7 =	sadd.s32 $0x0, s7;
	s6 =	sadd.s32 $0x80, s5  }
0x40: {  	[tilespmem:s12], [sflag:$0x2] =	stream.linear.gather [hbm4b:s6+s3], $0x400, $0x38;
	[tilespmem:$0x28C0] =	vst v63  }
0x41: {  	s8 =	sadd.s32 $0x80, s7  }
0x42: {  	[tilespmem:s13], [sflag:$0x2] =	stream.linear.gather [hbm4b:s8+s3], $0x400, $0x38;
	[tilespmem:$0x28C0] =	vst v63  }
0x43: {  	_ =	swait.ge [sflag:s14], $0x400  }
0x44: {  	[sflag:s14] =	ssyncset.done $0x0  }
0x45: {  	[sflag:s14] =	ssyncadd.s32 $0xFFFFFC00  }
0x46: {  	_ =	swait.ge [sflag:s14], $0x400  }
0x47: {  	[sflag:s14] =	ssyncset.done $0x0  }
0x48: {  	[sflag:s14] =	ssyncadd.s32 $0xFFFFFC00  }
0x49: {  	[spmem:s2] =	stream.indirect.scatter.add.f32 [tilespmem:s11], [sflag:$0x3], $0x1, s3, s15, $0xb8;
	[tilespmem:$0x28C0] =	vst v63  }
0x4a: {  	_ = 	snop  }
0x4b: {  	[spmem:s2] =	stream.indirect.scatter.add.f32 [tilespmem:s16], [sflag:$0x3], $0x1, s15, s15, $0xb8;
	[tilespmem:$0x28C0] =	vst v63  }
0x4c: {  	_ = 	snop  }
0x4d: {  	[spmem:s2] =	stream.indirect.scatter.add.f32 [tilespmem:s18], [sflag:$0x3], $0x1, s17, s15, $0xb8;
	[tilespmem:$0x28C0] =	vst v63  }
0x4e: {  	_ = 	snop  }
0x4f: {  	[spmem:s2] =	stream.indirect.scatter.add.f32 [tilespmem:s20], [sflag:$0x3], $0x1, s19, s15, $0xb8;
	[tilespmem:$0x28C0] =	vst v63  }
0x50: {  	_ = 	snop  }
0x51: {  	[spmem:s2] =	stream.indirect.scatter.add.f32 [tilespmem:s22], [sflag:$0x3], $0x1, s21, s15, $0xb8;
	[tilespmem:$0x28C0] =	vst v63  }
0x52: {  	_ = 	snop  }
0x53: {  	[spmem:s2] =	stream.indirect.scatter.add.f32 [tilespmem:s24], [sflag:$0x3], $0x1, s23, s15, $0xb8;
	[tilespmem:$0x28C0] =	vst v63  }
0x54: {  	_ = 	snop  }
0x55: {  	[spmem:s2] =	stream.indirect.scatter.add.f32 [tilespmem:s26], [sflag:$0x3], $0x1, s25, s15, $0xb8;
	[tilespmem:$0x28C0] =	vst v63  }
0x56: {  	_ = 	snop  }
0x57: {  	[spmem:s2] =	stream.indirect.scatter.add.f32 [tilespmem:s29], [sflag:$0x3], $0x1, s28, s15, $0xb8;
	[tilespmem:$0x28C0] =	vst v63  }
0x58: {  	_ =	swait.ge [sflag:s30], $0x400  }
0x59: {  	[sflag:s30] =	ssyncset.done $0x0  }
0x5a: {  	s4 =	sadd.s32 $0x100, s5;
	[sflag:s30] =	ssyncadd.s32 $0xFFFFFC00  }
0x5b: {  	[tilespmem:s3], [sflag:$0x1] =	stream.linear.gather [hbm4b:s4+s3], $0x400, $0x38;
	[tilespmem:$0x28C0] =	vst v63  }
0x5c: {  	s9 =	sadd.s32 $0x100, s7  }
0x5d: {  	[tilespmem:s11], [sflag:$0x1] =	stream.linear.gather [hbm4b:s9+s3], $0x400, $0x38;
	[tilespmem:$0x28C0] =	vst v63  }
0x5e: {  	_ =	swait.ge [sflag:s31], $0x400  }
0x5f: {  	[sflag:s31] =	ssyncset.done $0x0  }
0x60: {  	[sflag:s31] =	ssyncadd.s32 $0xFFFFFC00  }
0x61: {  	_ =	swait.ge [sflag:s31], $0x400  }
0x62: {  	s4 =	rddreg [dreg:$0xa]  }
0x63: {  	s10 =	rddreg [dreg:$0x6]  }
0x64: {  	s8 =	rddreg [dreg:$0x7]  }
0x65: {  	[sflag:s31] =	ssyncset.done $0x0;
	s5 =	rddreg [dreg:$0x5]  }
0x66: {  	s9 =	rddreg [dreg:$0x8];
	[sflag:s31] =	ssyncadd.s32 $0xFFFFFC00  }
0x67: {  	[spmem:s2] =	stream.indirect.scatter.add.f32 [tilespmem:s13], [sflag:$0x3], $0x1, s12, s15, $0xb8;
	[tilespmem:$0x28C0] =	vst v63  }
0x68: {  	s7 =	rddreg [dreg:$0xe]  }
0x69: {  	[spmem:s2] =	stream.indirect.scatter.add.f32 [tilespmem:s10], [sflag:$0x3], $0x1, s5, s15, $0xb8;
	[tilespmem:$0x28C0] =	vst v63  }
0x6a: {  	s10 =	rddreg [dreg:$0x9]  }
0x6b: {  	[spmem:s2] =	stream.indirect.scatter.add.f32 [tilespmem:s9], [sflag:$0x3], $0x1, s8, s15, $0xb8;
	[tilespmem:$0x28C0] =	vst v63  }
0x6c: {  	s8 =	rddreg [dreg:$0xc]  }
0x6d: {  	s9 =	rddreg [dreg:$0xd]  }
0x6e: {  	[spmem:s2] =	stream.indirect.scatter.add.f32 [tilespmem:s4], [sflag:$0x3], $0x1, s10, s15, $0xb8;
	[tilespmem:$0x28C0] =	vst v63  }
0x6f: {  	s6 =	simm.s32 $0x100;
	s4 =	rddreg [dreg:$0xb]  }
.LBB2_4:
0x70: {  	[spmem:s2] =	stream.indirect.scatter.add.f32 [tilespmem:s8], [sflag:$0x3], $0x1, s4, s15, $0xb8;
	[tilespmem:$0x28C0] =	vst v63  }
0x71: {  	s10 =	rddreg [dreg:$0xf]  }
0x72: {  	[spmem:s2] =	stream.indirect.scatter.add.f32 [tilespmem:s7], [sflag:$0x3], $0x1, s9, s15, $0xb8;
	[tilespmem:$0x28C0] =	vst v63  }
0x73: {  	s8 =	rddreg [dreg:$0x10]  }
0x74: {  	[spmem:s2] =	stream.indirect.scatter.add.f32 [tilespmem:s8], [sflag:$0x3], $0x1, s10, s15, $0xb8;
	[tilespmem:$0x28C0] =	vst v63  }
0x75: {  	_ = 	snop  }
0x76: {  	[spmem:s2] =	stream.indirect.scatter.add.f32 [tilespmem:s1], [sflag:$0x3], $0x1, s0, s15, $0xb8;
	[tilespmem:$0x28C0] =	vst v63  }
0x77: {  	_ =	swait.ge [sflag:s30], $0x400  }
0x78: {  	s5 =	smov.u32 s6;
	s8 =	rddreg [dreg:$0x4]  }
0x79: {  	[sflag:s30] =	ssyncset.done $0x0;
	s9 =	rddreg [dreg:$0x3];
	s4 =	sadd.s32 s5, s8  }
0x7a: {  	[sflag:s30] =	ssyncadd.s32 $0xFFFFFC00;
	s5 =	sadd.s32 s5, s9;
	s10 =	sadd.s32 $0x80, s4  }
0x7b: {  	[tilespmem:s12], [sflag:$0x2] =	stream.linear.gather [hbm4b:s10+s3], $0x400, $0x38;
	[tilespmem:$0x28C0] =	vst v63  }
0x7c: {  	s7 =	sadd.s32 $0x80, s5  }
0x7d: {  	[tilespmem:s13], [sflag:$0x2] =	stream.linear.gather [hbm4b:s7+s3], $0x400, $0x38;
	[tilespmem:$0x28C0] =	vst v63  }
0x7e: {  	_ =	swait.ge [sflag:s14], $0x400  }
0x7f: {  	[sflag:s14] =	ssyncset.done $0x0  }
0x80: {  	[sflag:s14] =	ssyncadd.s32 $0xFFFFFC00  }
0x81: {  	_ =	swait.ge [sflag:s14], $0x400  }
0x82: {  	[sflag:s14] =	ssyncset.done $0x0  }
0x83: {  	[sflag:s14] =	ssyncadd.s32 $0xFFFFFC00  }
0x84: {  	[spmem:s2] =	stream.indirect.scatter.add.f32 [tilespmem:s11], [sflag:$0x3], $0x1, s3, s15, $0xb8;
	[tilespmem:$0x28C0] =	vst v63  }
0x85: {  	_ = 	snop  }
0x86: {  	[spmem:s2] =	stream.indirect.scatter.add.f32 [tilespmem:s16], [sflag:$0x3], $0x1, s15, s15, $0xb8;
	[tilespmem:$0x28C0] =	vst v63  }
0x87: {  	_ = 	snop  }
0x88: {  	[spmem:s2] =	stream.indirect.scatter.add.f32 [tilespmem:s18], [sflag:$0x3], $0x1, s17, s15, $0xb8;
	[tilespmem:$0x28C0] =	vst v63  }
0x89: {  	_ = 	snop  }
0x8a: {  	[spmem:s2] =	stream.indirect.scatter.add.f32 [tilespmem:s20], [sflag:$0x3], $0x1, s19, s15, $0xb8;
	[tilespmem:$0x28C0] =	vst v63  }
0x8b: {  	_ = 	snop  }
0x8c: {  	[spmem:s2] =	stream.indirect.scatter.add.f32 [tilespmem:s22], [sflag:$0x3], $0x1, s21, s15, $0xb8;
	[tilespmem:$0x28C0] =	vst v63  }
0x8d: {  	_ = 	snop  }
0x8e: {  	[spmem:s2] =	stream.indirect.scatter.add.f32 [tilespmem:s24], [sflag:$0x3], $0x1, s23, s15, $0xb8;
	[tilespmem:$0x28C0] =	vst v63  }
0x8f: {  	_ = 	snop  }
0x90: {  	[spmem:s2] =	stream.indirect.scatter.add.f32 [tilespmem:s26], [sflag:$0x3], $0x1, s25, s15, $0xb8;
	[tilespmem:$0x28C0] =	vst v63  }
0x91: {  	_ = 	snop  }
0x92: {  	[spmem:s2] =	stream.indirect.scatter.add.f32 [tilespmem:s29], [sflag:$0x3], $0x1, s28, s15, $0xb8;
	[tilespmem:$0x28C0] =	vst v63  }
0x93: {  	_ =	swait.ge [sflag:s30], $0x400  }
0x94: {  	[sflag:s30] =	ssyncset.done $0x0  }
0x95: {  	s4 =	sadd.s32 $0x100, s4;
	[sflag:s30] =	ssyncadd.s32 $0xFFFFFC00  }
0x96: {  	[tilespmem:s3], [sflag:$0x1] =	stream.linear.gather [hbm4b:s4+s3], $0x400, $0x38;
	[tilespmem:$0x28C0] =	vst v63  }
0x97: {  	s17 =	sadd.s32 $0x100, s5  }
0x98: {  	[tilespmem:s11], [sflag:$0x1] =	stream.linear.gather [hbm4b:s17+s3], $0x400, $0x38;
	[tilespmem:$0x28C0] =	vst v63  }
0x99: {  	_ =	swait.ge [sflag:s31], $0x400  }
0x9a: {  	[sflag:s31] =	ssyncset.done $0x0  }
0x9b: {  	[sflag:s31] =	ssyncadd.s32 $0xFFFFFC00  }
0x9c: {  	_ =	swait.ge [sflag:s31], $0x400  }
0x9d: {  	s5 =	rddreg [dreg:$0xa]  }
0x9e: {  	s4 =	rddreg [dreg:$0x6]  }
0x9f: {  	s7 =	rddreg [dreg:$0xe]  }
0xa0: {  	s9 =	rddreg [dreg:$0x7]  }
0xa1: {  	[sflag:s31] =	ssyncset.done $0x0;
	s10 =	rddreg [dreg:$0x5]  }
0xa2: {  	s8 =	rddreg [dreg:$0xc];
	[sflag:s31] =	ssyncadd.s32 $0xFFFFFC00  }
0xa3: {  	[spmem:s2] =	stream.indirect.scatter.add.f32 [tilespmem:s13], [sflag:$0x3], $0x1, s12, s15, $0xb8;
	[tilespmem:$0x28C0] =	vst v63  }
0xa4: {  	p0 =	sne.s32 s6, $0x1700;
	s16 =	rddreg [dreg:$0x8]  }
0xa5: {  	[spmem:s2] =	stream.indirect.scatter.add.f32 [tilespmem:s4], [sflag:$0x3], $0x1, s10, s15, $0xb8;
	[tilespmem:$0x28C0] =	vst v63  }
.Ltmp1:
0xa6: {  	s17 =	rddreg [dreg:$0x9];
	(pc) =	sbr.rel @p0 .LBB2_4-.Ltmp1, $4  }
0xa7: {  	[spmem:s2] =	stream.indirect.scatter.add.f32 [tilespmem:s16], [sflag:$0x3], $0x1, s9, s15, $0xb8;
	[tilespmem:$0x28C0] =	vst v63  }
0xa8: {  	s6 =	sadd.s32 $0x100, s6;
	s4 =	rddreg [dreg:$0xb]  }
0xa9: {  	[spmem:s2] =	stream.indirect.scatter.add.f32 [tilespmem:s5], [sflag:$0x3], $0x1, s17, s15, $0xb8;
	[tilespmem:$0x28C0] =	vst v63  }
0xaa: {  	s16 =	simm.s32 $0x880;
	s9 =	rddreg [dreg:$0xd];
	s17 =	simm.s32 $0x100  }
0xab: {  	[spmem:s2] =	stream.indirect.scatter.add.f32 [tilespmem:s8], [sflag:$0x3], $0x1, s4, s15, $0xb8;
	[tilespmem:$0x28C0] =	vst v63  }
0xac: {  	s6 =	rddreg [dreg:$0xf]  }
0xad: {  	[spmem:s2] =	stream.indirect.scatter.add.f32 [tilespmem:s7], [sflag:$0x3], $0x1, s9, s15, $0xb8;
	[tilespmem:$0x28C0] =	vst v63  }
0xae: {  	s5 =	rddreg [dreg:$0x10]  }
0xaf: {  	[spmem:s2] =	stream.indirect.scatter.add.f32 [tilespmem:s5], [sflag:$0x3], $0x1, s6, s15, $0xb8;
	[tilespmem:$0x28C0] =	vst v63  }
0xb0: {  	_ = 	snop  }
0xb1: {  	[spmem:s2] =	stream.indirect.scatter.add.f32 [tilespmem:s1], [sflag:$0x3], $0x1, s0, s15, $0xb8;
	[tilespmem:$0x28C0] =	vst v63  }
0xb2: {  	_ =	swait.ge [sflag:s30], $0x400  }
0xb3: {  	[sflag:s30] =	ssyncset.done $0x0  }
0xb4: {  	[sflag:s30] =	ssyncadd.s32 $0xFFFFFC00  }
0xb5: {  	_ =	swait.ge [sflag:s14], $0x400  }
0xb6: {  	[sflag:s14] =	ssyncset.done $0x0  }
0xb7: {  	[sflag:s14] =	ssyncadd.s32 $0xFFFFFC00  }
0xb8: {  	_ =	swait.ge [sflag:s14], $0x400  }
0xb9: {  	[sflag:s14] =	ssyncset.done $0x0  }
0xba: {  	[sflag:s14] =	ssyncadd.s32 $0xFFFFFC00  }
0xbb: {  	[spmem:s2] =	stream.indirect.scatter.add.f32 [tilespmem:s11], [sflag:$0x3], $0x1, s3, s15, $0xb8;
	[tilespmem:$0x28C0] =	vst v63  }
0xbc: {  	_ = 	snop  }
0xbd: {  	[spmem:s2] =	stream.indirect.scatter.add.f32 [tilespmem:s16], [sflag:$0x3], $0x1, s15, s15, $0xb8;
	[tilespmem:$0x28C0] =	vst v63  }
0xbe: {  	_ = 	snop  }
0xbf: {  	[spmem:s2] =	stream.indirect.scatter.add.f32 [tilespmem:s18], [sflag:$0x3], $0x1, s17, s15, $0xb8;
	[tilespmem:$0x28C0] =	vst v63  }
0xc0: {  	_ = 	snop  }
0xc1: {  	[spmem:s2] =	stream.indirect.scatter.add.f32 [tilespmem:s20], [sflag:$0x3], $0x1, s19, s15, $0xb8;
	[tilespmem:$0x28C0] =	vst v63  }
0xc2: {  	_ = 	snop  }
0xc3: {  	[spmem:s2] =	stream.indirect.scatter.add.f32 [tilespmem:s22], [sflag:$0x3], $0x1, s21, s15, $0xb8;
	[tilespmem:$0x28C0] =	vst v63  }
0xc4: {  	_ = 	snop  }
0xc5: {  	[spmem:s2] =	stream.indirect.scatter.add.f32 [tilespmem:s24], [sflag:$0x3], $0x1, s23, s15, $0xb8;
	[tilespmem:$0x28C0] =	vst v63  }
0xc6: {  	_ = 	snop  }
0xc7: {  	[spmem:s2] =	stream.indirect.scatter.add.f32 [tilespmem:s26], [sflag:$0x3], $0x1, s25, s15, $0xb8;
	[tilespmem:$0x28C0] =	vst v63  }
0xc8: {  	_ = 	snop  }
0xc9: {  	[spmem:s2] =	stream.indirect.scatter.add.f32 [tilespmem:s29], [sflag:$0x3], $0x1, s28, s15, $0xb8;
	[tilespmem:$0x28C0] =	vst v63  }
0xca: {  	_ =	swait.ge [sflag:s30], $0x400  }
0xcb: {  	[sflag:s30] =	ssyncset.done $0x0  }
0xcc: {  	[sflag:s30] =	ssyncadd.s32 $0xFFFFFC00  }
0xcd: {  	[bflag:$0x0] =	sbarrier.arrive $0xFFFF  }
0xce: {  	s8 =	simm.s32 $0x4;
	s5 =	simm.s32 $0x1000;
	s10 =	rddreg [dreg:$0x11]  }
0xcf: {  	[tilespmem:s5], [sflag:$0x4] =	stream.linear.gather [spmem:s10], $0xC40, $0x38;
	[tilespmem:$0x28C0] =	vst v63  }
0xd0: {  	_ =	swait.ge [sflag:s8], $0xC40  }
0xd1: {  	[sflag:s8] =	ssyncset.done $0x0  }
0xd2: {  	s7 =	rddreg [dreg:$0x14];
	[sflag:s8] =	ssyncadd.s32 $0xFFFFF3C0  }
0xd3: {  	[hbm4b:s7+s3] =	stream.linear.scatter [tilespmem:s5], [sflag:$0x4], $0xC40, $0x38;
	[tilespmem:$0x28C0] =	vst v63  }
0xd4: {  	_ =	swait.ge [sflag:s8], $0xC40  }
0xd5: {  	s6 =	rddreg [dreg:$0x16]  }
0xd6: {  	s9 =	rddreg [dreg:$0x15];
	s6 =	sadd.s32 $0x1, s6  }
0xd7: {  	p0 =	sne.s32 s6, s9  }
.Ltmp2:
0xd8: {  	_ = 	snop;
	(pc) =	sbr.rel @p0 .LBB2_1-.Ltmp2, $3  }
0xd9: {  	_ =	sdelay $0x1  }
0xda: {  	[sflag:s8] =	ssyncset.done $0x0  }
0xdb: {  	[sflag:s8] =	ssyncadd.s32 $0xFFFFF3C0  }
0xdc: {  	_ =	sfence.sel $0x180000  }
0xdd: {  	[bflag:$0x0] =	sbarrier.arrive $0xFFFF  }
0xde: {  	_ =	strace $0x90000047  }
0xdf: {  	s0 =	stileid.u32;
	[bflag:$0x2] =	sbarrier.arrive $0xFFFF  }
0xe0: {  	p0 =	sne.s32 s0, $0x0;
	s0 =	rddreg [dreg:$0x2]  }
0xe1: {  	s0 =	sadd.s32 @!p0 $0x100000, s0  }
0xe2: {  	[sflag:s0] =	ssyncadd.tile.s32 @!p0 $0x1;
	_ =	shalt  }
.Lfunc_end2:
_tile_overlayer_lowered:
.L_overlay_start_2:
0xe3: {  	(tag) =	ssettag $0x2  }
0xe4: {  	s0 =	rddreg [dreg:$0x0];
	s2 =	stileid.u32  }
0xe5: {  	s1 =	rddreg [dreg:$0x1];
	p0 =	sne.s32 s2, $0x0  }
0xe6: {  	s3 =	rddreg [dreg:$0x2];
	[bflag:$0x3] =	sbarrier.arrive $0xFFFF;
	s2 =	simm.s32 @!p0 $0x1C04  }
0xe7: {  	[timem:s3], [sflag:s2] =	dma.local @!p0 [hbm:s0], s1  }
0xe8: {  	s0 =	simm.s32 @!p0 $0x4  }
0xe9: {  	_ =	swait.ge @!p0 [sflag:s0], s1  }
0xea: {  	s1 =	ssub.s32 @!p0 $0x0, s1;
	[sflag:s0] =	ssyncset.done @!p0 $0x0  }
0xeb: {  	[sflag:s0] =	ssyncadd.s32 @!p0 s1  }
0xec: {  	[bflag:$0x3] =	sbarrier.arrive $0xFFFF  }
0xed: {  	_ =	shalt  }

</sc_bundles>
